<compile_context>
chip_gen: v7x
topology: tpu7x:2x2x1
jax: 0.10.2.dev20260603
libtpu: 0.0.44.dev20260713+nightly
codegen_flags: <defaults>
</compile_context>

<pallas_src>
import functools
import math

import jax
import jax.numpy as jnp
from jax import lax
from jax.experimental import pallas as pl
from jax.experimental.pallas import tpu as pltpu
from jax.experimental.pallas import tpu_sc as plsc

_NC = 2
_NS = 16
_LANES = 16
_NW = _NC * _NS

_CH = 128
_NBUF = 6
_K = 3


@jax.jit
def _emb_lookup(x_flat, table):
    b_total = x_flat.shape[0]
    d_model = table.shape[1]
    b_per_w = b_total // _NW
    n_chunks = b_per_w // _CH
    scale = jnp.float32(math.sqrt(float(d_model)))
    vecs_per_row = d_model // _LANES

    mesh = plsc.VectorSubcoreMesh(core_axis_name="c", subcore_axis_name="s")

    @functools.partial(
        pl.kernel,
        mesh=mesh,
        out_type=jax.ShapeDtypeStruct((b_total, d_model), jnp.float32),
        scratch_types=[
            pltpu.VMEM((b_per_w,), jnp.int32),
            [pltpu.VMEM((_CH, d_model), jnp.float32) for _ in range(_NBUF)],
            [pltpu.SemaphoreType.DMA for _ in range(_NBUF)],
            [pltpu.SemaphoreType.DMA for _ in range(_NBUF)],
        ],
    )
    def body(idx_hbm, table_hbm, out_hbm, idx_v, bufs, gsems, ssems):
        wid = lax.axis_index("s") * _NC + lax.axis_index("c")
        base = wid * b_per_w
        pltpu.sync_copy(idx_hbm.at[pl.ds(base, b_per_w)], idx_v)

        def gather(c, b):
            return pltpu.make_async_copy(
                table_hbm.at[idx_v.at[pl.ds(c * _CH, _CH)]], bufs[b], gsems[b]
            )

        def store(c, b):
            return pltpu.make_async_copy(
                bufs[b], out_hbm.at[pl.ds(base + c * _CH, _CH)], ssems[b]
            )

        def scale_buf(b):
            buf = bufs[b]

            @plsc.parallel_loop(0, _CH, unroll=2)
            def _row(r):
                for j in range(vecs_per_row):
                    sl = (r, pl.ds(j * _LANES, _LANES))
                    buf[sl] = buf[sl] * scale

        G = n_chunks
        for c in range(_K):
            gather(c, c % _NBUF).start()
        for c in range(_K):
            gather(c + _K, (c + _K) % _NBUF).start()
            gather(c, c % _NBUF).wait()
            scale_buf(c % _NBUF)
            store(c, c % _NBUF).start()
        steady = (G - 2 * _K) // _NBUF * _NBUF

        def outer(io, carry):
            for j in range(_NBUF):
                c = _K + io * _NBUF + j
                b_next = (2 * _K + j) % _NBUF
                b = (_K + j) % _NBUF
                store(c - _K, b_next).wait()
                gather(c + _K, b_next).start()
                gather(c, b).wait()
                scale_buf(b)
                store(c, b).start()
            return carry

        lax.fori_loop(0, steady // _NBUF, outer, 0)
        for c in range(_K + steady, G):
            if c + _K < G:
                store(c - _K, (c + _K) % _NBUF).wait()
                gather(c + _K, (c + _K) % _NBUF).start()
            gather(c, c % _NBUF).wait()
            scale_buf(c % _NBUF)
            store(c, c % _NBUF).start()
        for c in range(G - 2 * _K, G):
            store(c, c % _NBUF).wait()

    return body(x_flat, table)


def kernel(x, table):
    n0, n1 = x.shape
    d_model = table.shape[1]
    x_flat = x.astype(jnp.int32).T.reshape(n0 * n1)
    out = _emb_lookup(x_flat, table)
    return out.reshape(n1, n0, d_model).transpose(1, 0, 2)

# --- scband reference (transcript-rebuilt; emitter-appended) ---
"""Pipeline reference for scband-embeddings-73804718014869 (READ-ONLY COPY).

The authoritative reference and input builder live on the scoring server;
editing this copy changes nothing except your own understanding.
"""

import jax, jax.numpy as jnp
import numpy as np

VOCAB = 100000
D_MODEL = 128

def setup_inputs(seed: int = 0) -> dict:
    key = jax.random.key(seed)
    k1, k2 = jax.random.split(key)
    x = jax.random.randint(k1, (4096, 50), 0, VOCAB, dtype=jnp.int64 if jax.config.jax_enable_x64 else jnp.int32)
    table = jax.random.normal(k2, (VOCAB, D_MODEL), dtype=jnp.float32)
    return {"x": x, "table": table}

def reference(x, table):
    # Embeddings.forward: self.embedding(x) * sqrt(d_model)
    emb = jnp.take(table, x, axis=0)
    return emb * np.sqrt(D_MODEL).astype(np.float32)

if __name__ == "__main__":
    import jax
    _d = setup_inputs()
    print(jax.jit(kernel)(*tuple(_d.values())))

</pallas_src>

<mosaic_0001>
#map = affine_map<(d0, d1) -> (0)>
#map1 = affine_map<(d0, d1) -> (0, 0)>
module attributes {stable_mosaic.version = 14 : i64} {
  func.func @_rewritten_body(%arg0: i32, %arg1: i32, %arg2: memref<204800xi32, #tpu.memory_space<hbm>>, %arg3: memref<100000x128xf32, #tpu.memory_space<hbm>>, %arg4: memref<1xf32, #tpu.memory_space<hbm>>, %arg5: memref<204800x128xf32, #tpu.memory_space<hbm>>, %arg6: memref<6400xi32, #tpu.memory_space<vmem>>, %arg7: memref<128x128xf32, #tpu.memory_space<vmem>>, %arg8: memref<128x128xf32, #tpu.memory_space<vmem>>, %arg9: memref<128x128xf32, #tpu.memory_space<vmem>>, %arg10: memref<128x128xf32, #tpu.memory_space<vmem>>, %arg11: memref<128x128xf32, #tpu.memory_space<vmem>>, %arg12: memref<128x128xf32, #tpu.memory_space<vmem>>, %arg13: memref<!tpu.dma_semaphore, #tpu.memory_space<semaphore_mem>>, %arg14: memref<!tpu.dma_semaphore, #tpu.memory_space<semaphore_mem>>, %arg15: memref<!tpu.dma_semaphore, #tpu.memory_space<semaphore_mem>>, %arg16: memref<!tpu.dma_semaphore, #tpu.memory_space<semaphore_mem>>, %arg17: memref<!tpu.dma_semaphore, #tpu.memory_space<semaphore_mem>>, %arg18: memref<!tpu.dma_semaphore, #tpu.memory_space<semaphore_mem>>, %arg19: memref<!tpu.dma_semaphore, #tpu.memory_space<semaphore_mem>>, %arg20: memref<!tpu.dma_semaphore, #tpu.memory_space<semaphore_mem>>, %arg21: memref<!tpu.dma_semaphore, #tpu.memory_space<semaphore_mem>>, %arg22: memref<!tpu.dma_semaphore, #tpu.memory_space<semaphore_mem>>, %arg23: memref<!tpu.dma_semaphore, #tpu.memory_space<semaphore_mem>>, %arg24: memref<!tpu.dma_semaphore, #tpu.memory_space<semaphore_mem>>) attributes {dimension_semantics = [#tpu.dimension_semantics<core_parallel>, #tpu.dimension_semantics<subcore_parallel>], iteration_bounds = array<i64: 2, 16>, scalar_prefetch = 0 : i64, scratch_operands = 19 : i64, tpu.core_type = #tpu.core_type<sc_vector_subcore>, window_params = [{transform_indices = #map}, {transform_indices = #map1}, {transform_indices = #map}, {transform_indices = #map1}]} {
    %empty_ref3A = memref.alloca() : memref<16xf32, #tpu.memory_space<vmem>>
    "tpu.region"() ({
      %run_scoped3A = tpu.sem_alloc : memref<!tpu.dma_semaphore, #tpu.memory_space<semaphore_mem>>
      %dma_start3A_207 = arith.constant 0 : i32
      %dma_start3A_208 = tpu.memref_slice %empty_ref3A[%dma_start3A_207] : memref<16xf32, #tpu.memory_space<vmem>> -> memref<1xf32, #tpu.memory_space<vmem>>
      %dma_start3A_209 = arith.constant 0 : i32
      %dma_start3A_210 = tpu.memref_slice %empty_ref3A[%dma_start3A_209] : memref<16xf32, #tpu.memory_space<vmem>> -> memref<1xf32, #tpu.memory_space<vmem>>
      tpu.enqueue_dma source(%arg4 : memref<1xf32, #tpu.memory_space<hbm>>) target(%dma_start3A_210 : memref<1xf32, #tpu.memory_space<vmem>>) target_semaphore(%run_scoped3A : memref<!tpu.dma_semaphore, #tpu.memory_space<semaphore_mem>>)
      %dma_wait3A_211 = arith.constant 0 : i32
      %dma_wait3A_212 = tpu.memref_slice %empty_ref3A[%dma_wait3A_211] : memref<16xf32, #tpu.memory_space<vmem>> -> memref<1xf32, #tpu.memory_space<vmem>>
      %dma_wait3A_213 = arith.constant 0 : i32
      %dma_wait3A_214 = tpu.memref_slice %empty_ref3A[%dma_wait3A_213] : memref<16xf32, #tpu.memory_space<vmem>> -> memref<1xf32, #tpu.memory_space<vmem>>
      tpu.wait_dma2 semaphore(%run_scoped3A : memref<!tpu.dma_semaphore, #tpu.memory_space<semaphore_mem>>) src(%arg4 : memref<1xf32, #tpu.memory_space<hbm>>) dst(%dma_wait3A_214 : memref<1xf32, #tpu.memory_space<vmem>>)
      tpu.yield
    }) : () -> ()
    %get3A = arith.constant 0 : index
    %get3A_0 = tpu.vector_load %empty_ref3A[%get3A] {strides = array<i32>} : memref<16xf32, #tpu.memory_space<vmem>>, vector<16xf32>,
    %get3A_1 = vector.shape_cast %get3A_0 : vector<16xf32> to vector<16xf32>
    %slice3A = vector.extract_strided_slice %get3A_1 {offsets = [0], sizes = [1], strides = [1]} : vector<16xf32> to vector<1xf32>
    %squeeze3A = vector.extract %slice3A[0] : f32 from vector<1xf32>
    %mul3A = arith.constant 2 : i32
    %mul3A_2 = arith.muli %arg1, %mul3A : i32
    %add3A = arith.addi %mul3A_2, %arg0 : i32
    %mul3A_3 = arith.constant 6400 : i32
    %mul3A_4 = arith.muli %add3A, %mul3A_3 : i32
    "tpu.region"() ({
      %run_scoped3A = tpu.sem_alloc : memref<!tpu.dma_semaphore, #tpu.memory_space<semaphore_mem>>
      %dma_start3A_207 = tpu.memref_slice %arg2[%mul3A_4] : memref<204800xi32, #tpu.memory_space<hbm>> -> memref<6400xi32, #tpu.memory_space<hbm>>
      %dma_start3A_208 = tpu.memref_slice %arg2[%mul3A_4] : memref<204800xi32, #tpu.memory_space<hbm>> -> memref<6400xi32, #tpu.memory_space<hbm>>
      tpu.enqueue_dma source(%dma_start3A_208 : memref<6400xi32, #tpu.memory_space<hbm>>) target(%arg6 : memref<6400xi32, #tpu.memory_space<vmem>>) target_semaphore(%run_scoped3A : memref<!tpu.dma_semaphore, #tpu.memory_space<semaphore_mem>>)
      %dma_wait3A_209 = tpu.memref_slice %arg2[%mul3A_4] : memref<204800xi32, #tpu.memory_space<hbm>> -> memref<6400xi32, #tpu.memory_space<hbm>>
      %dma_wait3A_210 = tpu.memref_slice %arg2[%mul3A_4] : memref<204800xi32, #tpu.memory_space<hbm>> -> memref<6400xi32, #tpu.memory_space<hbm>>
      tpu.wait_dma2 semaphore(%run_scoped3A : memref<!tpu.dma_semaphore, #tpu.memory_space<semaphore_mem>>) src(%dma_wait3A_210 : memref<6400xi32, #tpu.memory_space<hbm>>) dst(%arg6 : memref<6400xi32, #tpu.memory_space<vmem>>)
      tpu.yield
    }) : () -> ()
    %dma_start3A = arith.constant 0 : i32
    %dma_start3A_5 = tpu.memref_slice %arg6[%dma_start3A] : memref<6400xi32, #tpu.memory_space<vmem>> -> memref<128xi32, #tpu.memory_space<vmem>>
    %dma_start3A_6 = arith.constant 0 : i32
    %dma_start3A_7 = arith.constant 0 : i32
    %dma_start3A_8 = tpu.memref_slice %arg3[%dma_start3A_6, %dma_start3A_7] : memref<100000x128xf32, #tpu.memory_space<hbm>> -> memref<100000x128xf32, #tpu.memory_space<hbm>>
    tpu.enqueue_indirect_dma source(%dma_start3A_8 : memref<100000x128xf32, #tpu.memory_space<hbm>>) target(%arg7 : memref<128x128xf32, #tpu.memory_space<vmem>>) offsets(%dma_start3A_5 : memref<128xi32, #tpu.memory_space<vmem>>) semaphore(%arg13 : memref<!tpu.dma_semaphore, #tpu.memory_space<semaphore_mem>>)
    %dma_start3A_9 = arith.constant 128 : i32
    %dma_start3A_10 = tpu.memref_slice %arg6[%dma_start3A_9] : memref<6400xi32, #tpu.memory_space<vmem>> -> memref<128xi32, #tpu.memory_space<vmem>>
    %dma_start3A_11 = arith.constant 0 : i32
    %dma_start3A_12 = arith.constant 0 : i32
    %dma_start3A_13 = tpu.memref_slice %arg3[%dma_start3A_11, %dma_start3A_12] : memref<100000x128xf32, #tpu.memory_space<hbm>> -> memref<100000x128xf32, #tpu.memory_space<hbm>>
    tpu.enqueue_indirect_dma source(%dma_start3A_13 : memref<100000x128xf32, #tpu.memory_space<hbm>>) target(%arg8 : memref<128x128xf32, #tpu.memory_space<vmem>>) offsets(%dma_start3A_10 : memref<128xi32, #tpu.memory_space<vmem>>) semaphore(%arg14 : memref<!tpu.dma_semaphore, #tpu.memory_space<semaphore_mem>>)
    %dma_start3A_14 = arith.constant 256 : i32
    %dma_start3A_15 = tpu.memref_slice %arg6[%dma_start3A_14] : memref<6400xi32, #tpu.memory_space<vmem>> -> memref<128xi32, #tpu.memory_space<vmem>>
    %dma_start3A_16 = arith.constant 0 : i32
    %dma_start3A_17 = arith.constant 0 : i32
    %dma_start3A_18 = tpu.memref_slice %arg3[%dma_start3A_16, %dma_start3A_17] : memref<100000x128xf32, #tpu.memory_space<hbm>> -> memref<100000x128xf32, #tpu.memory_space<hbm>>
    tpu.enqueue_indirect_dma source(%dma_start3A_18 : memref<100000x128xf32, #tpu.memory_space<hbm>>) target(%arg9 : memref<128x128xf32, #tpu.memory_space<vmem>>) offsets(%dma_start3A_15 : memref<128xi32, #tpu.memory_space<vmem>>) semaphore(%arg15 : memref<!tpu.dma_semaphore, #tpu.memory_space<semaphore_mem>>)
    %dma_start3A_19 = arith.constant 384 : i32
    %dma_start3A_20 = tpu.memref_slice %arg6[%dma_start3A_19] : memref<6400xi32, #tpu.memory_space<vmem>> -> memref<128xi32, #tpu.memory_space<vmem>>
    %dma_start3A_21 = arith.constant 0 : i32
    %dma_start3A_22 = arith.constant 0 : i32
    %dma_start3A_23 = tpu.memref_slice %arg3[%dma_start3A_21, %dma_start3A_22] : memref<100000x128xf32, #tpu.memory_space<hbm>> -> memref<100000x128xf32, #tpu.memory_space<hbm>>
    tpu.enqueue_indirect_dma source(%dma_start3A_23 : memref<100000x128xf32, #tpu.memory_space<hbm>>) target(%arg10 : memref<128x128xf32, #tpu.memory_space<vmem>>) offsets(%dma_start3A_20 : memref<128xi32, #tpu.memory_space<vmem>>) semaphore(%arg16 : memref<!tpu.dma_semaphore, #tpu.memory_space<semaphore_mem>>)
    %dma_wait3A = arith.constant 0 : i32
    %dma_wait3A_24 = tpu.memref_slice %arg6[%dma_wait3A] : memref<6400xi32, #tpu.memory_space<vmem>> -> memref<128xi32, #tpu.memory_space<vmem>>
    %dma_wait3A_25 = arith.constant 0 : i32
    %dma_wait3A_26 = arith.constant 0 : i32
    %dma_wait3A_27 = tpu.memref_slice %arg3[%dma_wait3A_25, %dma_wait3A_26] : memref<100000x128xf32, #tpu.memory_space<hbm>> -> memref<100000x128xf32, #tpu.memory_space<hbm>>
    tpu.wait_indirect_dma semaphore(%arg13 : memref<!tpu.dma_semaphore, #tpu.memory_space<semaphore_mem>>) src(%dma_wait3A_27 : memref<100000x128xf32, #tpu.memory_space<hbm>>) dst(%arg7 : memref<128x128xf32, #tpu.memory_space<vmem>>)
    %parallel_loop3A = arith.constant 0 : i32
    %parallel_loop3A_28 = arith.constant 128 : i32
    %parallel_loop3A_29 = arith.constant 1 : i32
    scf.for %parallel_loop3A_207 = %parallel_loop3A to %parallel_loop3A_28 step %parallel_loop3A_29  : i32 {
      %parallel_loop3A_208 = arith.index_cast %parallel_loop3A_207 : i32 to index
      %parallel_loop3A_209 = arith.constant 0 : index
      %parallel_loop3A_210 = tpu.vector_load %arg7[%parallel_loop3A_208, %parallel_loop3A_209] {strides = array<i32>} : memref<128x128xf32, #tpu.memory_space<vmem>>, vector<1x16xf32>,
      %parallel_loop3A_211 = vector.shape_cast %parallel_loop3A_210 : vector<1x16xf32> to vector<16xf32>
      %parallel_loop3A_212 = vector.broadcast %squeeze3A : f32 to vector<16xf32>
      %parallel_loop3A_213 = arith.mulf %parallel_loop3A_211, %parallel_loop3A_212 : vector<16xf32>
      %parallel_loop3A_214 = arith.index_cast %parallel_loop3A_207 : i32 to index
      %parallel_loop3A_215 = arith.constant 0 : index
      %parallel_loop3A_216 = tpu.vector_load %arg7[%parallel_loop3A_214, %parallel_loop3A_215] {strides = array<i32>} : memref<128x128xf32, #tpu.memory_space<vmem>>, vector<1x16xf32>,
      %parallel_loop3A_217 = vector.shape_cast %parallel_loop3A_216 : vector<1x16xf32> to vector<16xf32>
      %parallel_loop3A_218 = vector.shape_cast %parallel_loop3A_213 : vector<16xf32> to vector<1x16xf32>
      tpu.vector_store %arg7[%parallel_loop3A_214, %parallel_loop3A_215], %parallel_loop3A_218 {strides = array<i32>} : memref<128x128xf32, #tpu.memory_space<vmem>>, vector<1x16xf32>,
      %parallel_loop3A_219 = arith.index_cast %parallel_loop3A_207 : i32 to index
      %parallel_loop3A_220 = arith.constant 16 : index
      %parallel_loop3A_221 = tpu.vector_load %arg7[%parallel_loop3A_219, %parallel_loop3A_220] {strides = array<i32>} : memref<128x128xf32, #tpu.memory_space<vmem>>, vector<1x16xf32>,
      %parallel_loop3A_222 = vector.shape_cast %parallel_loop3A_221 : vector<1x16xf32> to vector<16xf32>
      %parallel_loop3A_223 = vector.broadcast %squeeze3A : f32 to vector<16xf32>
      %parallel_loop3A_224 = arith.mulf %parallel_loop3A_222, %parallel_loop3A_223 : vector<16xf32>
      %parallel_loop3A_225 = arith.index_cast %parallel_loop3A_207 : i32 to index
      %parallel_loop3A_226 = arith.constant 16 : index
      %parallel_loop3A_227 = tpu.vector_load %arg7[%parallel_loop3A_225, %parallel_loop3A_226] {strides = array<i32>} : memref<128x128xf32, #tpu.memory_space<vmem>>, vector<1x16xf32>,
      %parallel_loop3A_228 = vector.shape_cast %parallel_loop3A_227 : vector<1x16xf32> to vector<16xf32>
      %parallel_loop3A_229 = vector.shape_cast %parallel_loop3A_224 : vector<16xf32> to vector<1x16xf32>
      tpu.vector_store %arg7[%parallel_loop3A_225, %parallel_loop3A_226], %parallel_loop3A_229 {strides = array<i32>} : memref<128x128xf32, #tpu.memory_space<vmem>>, vector<1x16xf32>,
      %parallel_loop3A_230 = arith.index_cast %parallel_loop3A_207 : i32 to index
      %parallel_loop3A_231 = arith.constant 32 : index
      %parallel_loop3A_232 = tpu.vector_load %arg7[%parallel_loop3A_230, %parallel_loop3A_231] {strides = array<i32>} : memref<128x128xf32, #tpu.memory_space<vmem>>, vector<1x16xf32>,
      %parallel_loop3A_233 = vector.shape_cast %parallel_loop3A_232 : vector<1x16xf32> to vector<16xf32>
      %parallel_loop3A_234 = vector.broadcast %squeeze3A : f32 to vector<16xf32>
      %parallel_loop3A_235 = arith.mulf %parallel_loop3A_233, %parallel_loop3A_234 : vector<16xf32>
      %parallel_loop3A_236 = arith.index_cast %parallel_loop3A_207 : i32 to index
      %parallel_loop3A_237 = arith.constant 32 : index
      %parallel_loop3A_238 = tpu.vector_load %arg7[%parallel_loop3A_236, %parallel_loop3A_237] {strides = array<i32>} : memref<128x128xf32, #tpu.memory_space<vmem>>, vector<1x16xf32>,
      %parallel_loop3A_239 = vector.shape_cast %parallel_loop3A_238 : vector<1x16xf32> to vector<16xf32>
      %parallel_loop3A_240 = vector.shape_cast %parallel_loop3A_235 : vector<16xf32> to vector<1x16xf32>
      tpu.vector_store %arg7[%parallel_loop3A_236, %parallel_loop3A_237], %parallel_loop3A_240 {strides = array<i32>} : memref<128x128xf32, #tpu.memory_space<vmem>>, vector<1x16xf32>,
      %parallel_loop3A_241 = arith.index_cast %parallel_loop3A_207 : i32 to index
      %parallel_loop3A_242 = arith.constant 48 : index
      %parallel_loop3A_243 = tpu.vector_load %arg7[%parallel_loop3A_241, %parallel_loop3A_242] {strides = array<i32>} : memref<128x128xf32, #tpu.memory_space<vmem>>, vector<1x16xf32>,
      %parallel_loop3A_244 = vector.shape_cast %parallel_loop3A_243 : vector<1x16xf32> to vector<16xf32>
      %parallel_loop3A_245 = vector.broadcast %squeeze3A : f32 to vector<16xf32>
      %parallel_loop3A_246 = arith.mulf %parallel_loop3A_244, %parallel_loop3A_245 : vector<16xf32>
      %parallel_loop3A_247 = arith.index_cast %parallel_loop3A_207 : i32 to index
      %parallel_loop3A_248 = arith.constant 48 : index
      %parallel_loop3A_249 = tpu.vector_load %arg7[%parallel_loop3A_247, %parallel_loop3A_248] {strides = array<i32>} : memref<128x128xf32, #tpu.memory_space<vmem>>, vector<1x16xf32>,
      %parallel_loop3A_250 = vector.shape_cast %parallel_loop3A_249 : vector<1x16xf32> to vector<16xf32>
      %parallel_loop3A_251 = vector.shape_cast %parallel_loop3A_246 : vector<16xf32> to vector<1x16xf32>
      tpu.vector_store %arg7[%parallel_loop3A_247, %parallel_loop3A_248], %parallel_loop3A_251 {strides = array<i32>} : memref<128x128xf32, #tpu.memory_space<vmem>>, vector<1x16xf32>,
      %parallel_loop3A_252 = arith.index_cast %parallel_loop3A_207 : i32 to index
      %parallel_loop3A_253 = arith.constant 64 : index
      %parallel_loop3A_254 = tpu.vector_load %arg7[%parallel_loop3A_252, %parallel_loop3A_253] {strides = array<i32>} : memref<128x128xf32, #tpu.memory_space<vmem>>, vector<1x16xf32>,
      %parallel_loop3A_255 = vector.shape_cast %parallel_loop3A_254 : vector<1x16xf32> to vector<16xf32>
      %parallel_loop3A_256 = vector.broadcast %squeeze3A : f32 to vector<16xf32>
      %parallel_loop3A_257 = arith.mulf %parallel_loop3A_255, %parallel_loop3A_256 : vector<16xf32>
      %parallel_loop3A_258 = arith.index_cast %parallel_loop3A_207 : i32 to index
      %parallel_loop3A_259 = arith.constant 64 : index
      %parallel_loop3A_260 = tpu.vector_load %arg7[%parallel_loop3A_258, %parallel_loop3A_259] {strides = array<i32>} : memref<128x128xf32, #tpu.memory_space<vmem>>, vector<1x16xf32>,
      %parallel_loop3A_261 = vector.shape_cast %parallel_loop3A_260 : vector<1x16xf32> to vector<16xf32>
      %parallel_loop3A_262 = vector.shape_cast %parallel_loop3A_257 : vector<16xf32> to vector<1x16xf32>
      tpu.vector_store %arg7[%parallel_loop3A_258, %parallel_loop3A_259], %parallel_loop3A_262 {strides = array<i32>} : memref<128x128xf32, #tpu.memory_space<vmem>>, vector<1x16xf32>,
      %parallel_loop3A_263 = arith.index_cast %parallel_loop3A_207 : i32 to index
      %parallel_loop3A_264 = arith.constant 80 : index
      %parallel_loop3A_265 = tpu.vector_load %arg7[%parallel_loop3A_263, %parallel_loop3A_264] {strides = array<i32>} : memref<128x128xf32, #tpu.memory_space<vmem>>, vector<1x16xf32>,
      %parallel_loop3A_266 = vector.shape_cast %parallel_loop3A_265 : vector<1x16xf32> to vector<16xf32>
      %parallel_loop3A_267 = vector.broadcast %squeeze3A : f32 to vector<16xf32>
      %parallel_loop3A_268 = arith.mulf %parallel_loop3A_266, %parallel_loop3A_267 : vector<16xf32>
      %parallel_loop3A_269 = arith.index_cast %parallel_loop3A_207 : i32 to index
      %parallel_loop3A_270 = arith.constant 80 : index
      %parallel_loop3A_271 = tpu.vector_load %arg7[%parallel_loop3A_269, %parallel_loop3A_270] {strides = array<i32>} : memref<128x128xf32, #tpu.memory_space<vmem>>, vector<1x16xf32>,
      %parallel_loop3A_272 = vector.shape_cast %parallel_loop3A_271 : vector<1x16xf32> to vector<16xf32>
      %parallel_loop3A_273 = vector.shape_cast %parallel_loop3A_268 : vector<16xf32> to vector<1x16xf32>
      tpu.vector_store %arg7[%parallel_loop3A_269, %parallel_loop3A_270], %parallel_loop3A_273 {strides = array<i32>} : memref<128x128xf32, #tpu.memory_space<vmem>>, vector<1x16xf32>,
      %parallel_loop3A_274 = arith.index_cast %parallel_loop3A_207 : i32 to index
      %parallel_loop3A_275 = arith.constant 96 : index
      %parallel_loop3A_276 = tpu.vector_load %arg7[%parallel_loop3A_274, %parallel_loop3A_275] {strides = array<i32>} : memref<128x128xf32, #tpu.memory_space<vmem>>, vector<1x16xf32>,
      %parallel_loop3A_277 = vector.shape_cast %parallel_loop3A_276 : vector<1x16xf32> to vector<16xf32>
      %parallel_loop3A_278 = vector.broadcast %squeeze3A : f32 to vector<16xf32>
      %parallel_loop3A_279 = arith.mulf %parallel_loop3A_277, %parallel_loop3A_278 : vector<16xf32>
      %parallel_loop3A_280 = arith.index_cast %parallel_loop3A_207 : i32 to index
      %parallel_loop3A_281 = arith.constant 96 : index
      %parallel_loop3A_282 = tpu.vector_load %arg7[%parallel_loop3A_280, %parallel_loop3A_281] {strides = array<i32>} : memref<128x128xf32, #tpu.memory_space<vmem>>, vector<1x16xf32>,
      %parallel_loop3A_283 = vector.shape_cast %parallel_loop3A_282 : vector<1x16xf32> to vector<16xf32>
      %parallel_loop3A_284 = vector.shape_cast %parallel_loop3A_279 : vector<16xf32> to vector<1x16xf32>
      tpu.vector_store %arg7[%parallel_loop3A_280, %parallel_loop3A_281], %parallel_loop3A_284 {strides = array<i32>} : memref<128x128xf32, #tpu.memory_space<vmem>>, vector<1x16xf32>,
      %parallel_loop3A_285 = arith.index_cast %parallel_loop3A_207 : i32 to index
      %parallel_loop3A_286 = arith.constant 112 : index
      %parallel_loop3A_287 = tpu.vector_load %arg7[%parallel_loop3A_285, %parallel_loop3A_286] {strides = array<i32>} : memref<128x128xf32, #tpu.memory_space<vmem>>, vector<1x16xf32>,
      %parallel_loop3A_288 = vector.shape_cast %parallel_loop3A_287 : vector<1x16xf32> to vector<16xf32>
      %parallel_loop3A_289 = vector.broadcast %squeeze3A : f32 to vector<16xf32>
      %parallel_loop3A_290 = arith.mulf %parallel_loop3A_288, %parallel_loop3A_289 : vector<16xf32>
      %parallel_loop3A_291 = arith.index_cast %parallel_loop3A_207 : i32 to index
      %parallel_loop3A_292 = arith.constant 112 : index
      %parallel_loop3A_293 = tpu.vector_load %arg7[%parallel_loop3A_291, %parallel_loop3A_292] {strides = array<i32>} : memref<128x128xf32, #tpu.memory_space<vmem>>, vector<1x16xf32>,
      %parallel_loop3A_294 = vector.shape_cast %parallel_loop3A_293 : vector<1x16xf32> to vector<16xf32>
      %parallel_loop3A_295 = vector.shape_cast %parallel_loop3A_290 : vector<16xf32> to vector<1x16xf32>
      tpu.vector_store %arg7[%parallel_loop3A_291, %parallel_loop3A_292], %parallel_loop3A_295 {strides = array<i32>} : memref<128x128xf32, #tpu.memory_space<vmem>>, vector<1x16xf32>,
    } {sc.loop_unroll_factor = 2 : i64, sc.parallel_access}
    %add3A_30 = arith.constant 0 : i32
    %add3A_31 = arith.addi %mul3A_4, %add3A_30 : i32
    %dma_start3A_32 = arith.constant 0 : i32
    %dma_start3A_33 = tpu.memref_slice %arg5[%add3A_31, %dma_start3A_32] : memref<204800x128xf32, #tpu.memory_space<hbm>> -> memref<128x128xf32, #tpu.memory_space<hbm>>
    %dma_start3A_34 = arith.constant 0 : i32
    %dma_start3A_35 = tpu.memref_slice %arg5[%add3A_31, %dma_start3A_34] : memref<204800x128xf32, #tpu.memory_space<hbm>> -> memref<128x128xf32, #tpu.memory_space<hbm>>
    tpu.enqueue_dma source(%arg7 : memref<128x128xf32, #tpu.memory_space<vmem>>) target(%dma_start3A_35 : memref<128x128xf32, #tpu.memory_space<hbm>>) target_semaphore(%arg19 : memref<!tpu.dma_semaphore, #tpu.memory_space<semaphore_mem>>)
    %dma_start3A_36 = arith.constant 512 : i32
    %dma_start3A_37 = tpu.memref_slice %arg6[%dma_start3A_36] : memref<6400xi32, #tpu.memory_space<vmem>> -> memref<128xi32, #tpu.memory_space<vmem>>
    %dma_start3A_38 = arith.constant 0 : i32
    %dma_start3A_39 = arith.constant 0 : i32
    %dma_start3A_40 = tpu.memref_slice %arg3[%dma_start3A_38, %dma_start3A_39] : memref<100000x128xf32, #tpu.memory_space<hbm>> -> memref<100000x128xf32, #tpu.memory_space<hbm>>
    tpu.enqueue_indirect_dma source(%dma_start3A_40 : memref<100000x128xf32, #tpu.memory_space<hbm>>) target(%arg11 : memref<128x128xf32, #tpu.memory_space<vmem>>) offsets(%dma_start3A_37 : memref<128xi32, #tpu.memory_space<vmem>>) semaphore(%arg17 : memref<!tpu.dma_semaphore, #tpu.memory_space<semaphore_mem>>)
    %dma_wait3A_41 = arith.constant 128 : i32
    %dma_wait3A_42 = tpu.memref_slice %arg6[%dma_wait3A_41] : memref<6400xi32, #tpu.memory_space<vmem>> -> memref<128xi32, #tpu.memory_space<vmem>>
    %dma_wait3A_43 = arith.constant 0 : i32
    %dma_wait3A_44 = arith.constant 0 : i32
    %dma_wait3A_45 = tpu.memref_slice %arg3[%dma_wait3A_43, %dma_wait3A_44] : memref<100000x128xf32, #tpu.memory_space<hbm>> -> memref<100000x128xf32, #tpu.memory_space<hbm>>
    tpu.wait_indirect_dma semaphore(%arg14 : memref<!tpu.dma_semaphore, #tpu.memory_space<semaphore_mem>>) src(%dma_wait3A_45 : memref<100000x128xf32, #tpu.memory_space<hbm>>) dst(%arg8 : memref<128x128xf32, #tpu.memory_space<vmem>>)
    %parallel_loop3A_46 = arith.constant 0 : i32
    %parallel_loop3A_47 = arith.constant 128 : i32
    %parallel_loop3A_48 = arith.constant 1 : i32
    scf.for %parallel_loop3A_207 = %parallel_loop3A_46 to %parallel_loop3A_47 step %parallel_loop3A_48  : i32 {
      %parallel_loop3A_208 = arith.index_cast %parallel_loop3A_207 : i32 to index
      %parallel_loop3A_209 = arith.constant 0 : index
      %parallel_loop3A_210 = tpu.vector_load %arg8[%parallel_loop3A_208, %parallel_loop3A_209] {strides = array<i32>} : memref<128x128xf32, #tpu.memory_space<vmem>>, vector<1x16xf32>,
      %parallel_loop3A_211 = vector.shape_cast %parallel_loop3A_210 : vector<1x16xf32> to vector<16xf32>
      %parallel_loop3A_212 = vector.broadcast %squeeze3A : f32 to vector<16xf32>
      %parallel_loop3A_213 = arith.mulf %parallel_loop3A_211, %parallel_loop3A_212 : vector<16xf32>
      %parallel_loop3A_214 = arith.index_cast %parallel_loop3A_207 : i32 to index
      %parallel_loop3A_215 = arith.constant 0 : index
      %parallel_loop3A_216 = tpu.vector_load %arg8[%parallel_loop3A_214, %parallel_loop3A_215] {strides = array<i32>} : memref<128x128xf32, #tpu.memory_space<vmem>>, vector<1x16xf32>,
      %parallel_loop3A_217 = vector.shape_cast %parallel_loop3A_216 : vector<1x16xf32> to vector<16xf32>
      %parallel_loop3A_218 = vector.shape_cast %parallel_loop3A_213 : vector<16xf32> to vector<1x16xf32>
      tpu.vector_store %arg8[%parallel_loop3A_214, %parallel_loop3A_215], %parallel_loop3A_218 {strides = array<i32>} : memref<128x128xf32, #tpu.memory_space<vmem>>, vector<1x16xf32>,
      %parallel_loop3A_219 = arith.index_cast %parallel_loop3A_207 : i32 to index
      %parallel_loop3A_220 = arith.constant 16 : index
      %parallel_loop3A_221 = tpu.vector_load %arg8[%parallel_loop3A_219, %parallel_loop3A_220] {strides = array<i32>} : memref<128x128xf32, #tpu.memory_space<vmem>>, vector<1x16xf32>,
      %parallel_loop3A_222 = vector.shape_cast %parallel_loop3A_221 : vector<1x16xf32> to vector<16xf32>
      %parallel_loop3A_223 = vector.broadcast %squeeze3A : f32 to vector<16xf32>
      %parallel_loop3A_224 = arith.mulf %parallel_loop3A_222, %parallel_loop3A_223 : vector<16xf32>
      %parallel_loop3A_225 = arith.index_cast %parallel_loop3A_207 : i32 to index
      %parallel_loop3A_226 = arith.constant 16 : index
      %parallel_loop3A_227 = tpu.vector_load %arg8[%parallel_loop3A_225, %parallel_loop3A_226] {strides = array<i32>} : memref<128x128xf32, #tpu.memory_space<vmem>>, vector<1x16xf32>,
      %parallel_loop3A_228 = vector.shape_cast %parallel_loop3A_227 : vector<1x16xf32> to vector<16xf32>
      %parallel_loop3A_229 = vector.shape_cast %parallel_loop3A_224 : vector<16xf32> to vector<1x16xf32>
      tpu.vector_store %arg8[%parallel_loop3A_225, %parallel_loop3A_226], %parallel_loop3A_229 {strides = array<i32>} : memref<128x128xf32, #tpu.memory_space<vmem>>, vector<1x16xf32>,
      %parallel_loop3A_230 = arith.index_cast %parallel_loop3A_207 : i32 to index
      %parallel_loop3A_231 = arith.constant 32 : index
      %parallel_loop3A_232 = tpu.vector_load %arg8[%parallel_loop3A_230, %parallel_loop3A_231] {strides = array<i32>} : memref<128x128xf32, #tpu.memory_space<vmem>>, vector<1x16xf32>,
      %parallel_loop3A_233 = vector.shape_cast %parallel_loop3A_232 : vector<1x16xf32> to vector<16xf32>
      %parallel_loop3A_234 = vector.broadcast %squeeze3A : f32 to vector<16xf32>
      %parallel_loop3A_235 = arith.mulf %parallel_loop3A_233, %parallel_loop3A_234 : vector<16xf32>
      %parallel_loop3A_236 = arith.index_cast %parallel_loop3A_207 : i32 to index
      %parallel_loop3A_237 = arith.constant 32 : index
      %parallel_loop3A_238 = tpu.vector_load %arg8[%parallel_loop3A_236, %parallel_loop3A_237] {strides = array<i32>} : memref<128x128xf32, #tpu.memory_space<vmem>>, vector<1x16xf32>,
      %parallel_loop3A_239 = vector.shape_cast %parallel_loop3A_238 : vector<1x16xf32> to vector<16xf32>
      %parallel_loop3A_240 = vector.shape_cast %parallel_loop3A_235 : vector<16xf32> to vector<1x16xf32>
      tpu.vector_store %arg8[%parallel_loop3A_236, %parallel_loop3A_237], %parallel_loop3A_240 {strides = array<i32>} : memref<128x128xf32, #tpu.memory_space<vmem>>, vector<1x16xf32>,
      %parallel_loop3A_241 = arith.index_cast %parallel_loop3A_207 : i32 to index
      %parallel_loop3A_242 = arith.constant 48 : index
      %parallel_loop3A_243 = tpu.vector_load %arg8[%parallel_loop3A_241, %parallel_loop3A_242] {strides = array<i32>} : memref<128x128xf32, #tpu.memory_space<vmem>>, vector<1x16xf32>,
      %parallel_loop3A_244 = vector.shape_cast %parallel_loop3A_243 : vector<1x16xf32> to vector<16xf32>
      %parallel_loop3A_245 = vector.broadcast %squeeze3A : f32 to vector<16xf32>
      %parallel_loop3A_246 = arith.mulf %parallel_loop3A_244, %parallel_loop3A_245 : vector<16xf32>
      %parallel_loop3A_247 = arith.index_cast %parallel_loop3A_207 : i32 to index
      %parallel_loop3A_248 = arith.constant 48 : index
      %parallel_loop3A_249 = tpu.vector_load %arg8[%parallel_loop3A_247, %parallel_loop3A_248] {strides = array<i32>} : memref<128x128xf32, #tpu.memory_space<vmem>>, vector<1x16xf32>,
      %parallel_loop3A_250 = vector.shape_cast %parallel_loop3A_249 : vector<1x16xf32> to vector<16xf32>
      %parallel_loop3A_251 = vector.shape_cast %parallel_loop3A_246 : vector<16xf32> to vector<1x16xf32>
      tpu.vector_store %arg8[%parallel_loop3A_247, %parallel_loop3A_248], %parallel_loop3A_251 {strides = array<i32>} : memref<128x128xf32, #tpu.memory_space<vmem>>, vector<1x16xf32>,
      %parallel_loop3A_252 = arith.index_cast %parallel_loop3A_207 : i32 to index
      %parallel_loop3A_253 = arith.constant 64 : index
      %parallel_loop3A_254 = tpu.vector_load %arg8[%parallel_loop3A_252, %parallel_loop3A_253] {strides = array<i32>} : memref<128x128xf32, #tpu.memory_space<vmem>>, vector<1x16xf32>,
      %parallel_loop3A_255 = vector.shape_cast %parallel_loop3A_254 : vector<1x16xf32> to vector<16xf32>
      %parallel_loop3A_256 = vector.broadcast %squeeze3A : f32 to vector<16xf32>
      %parallel_loop3A_257 = arith.mulf %parallel_loop3A_255, %parallel_loop3A_256 : vector<16xf32>
      %parallel_loop3A_258 = arith.index_cast %parallel_loop3A_207 : i32 to index
      %parallel_loop3A_259 = arith.constant 64 : index
      %parallel_loop3A_260 = tpu.vector_load %arg8[%parallel_loop3A_258, %parallel_loop3A_259] {strides = array<i32>} : memref<128x128xf32, #tpu.memory_space<vmem>>, vector<1x16xf32>,
      %parallel_loop3A_261 = vector.shape_cast %parallel_loop3A_260 : vector<1x16xf32> to vector<16xf32>
      %parallel_loop3A_262 = vector.shape_cast %parallel_loop3A_257 : vector<16xf32> to vector<1x16xf32>
      tpu.vector_store %arg8[%parallel_loop3A_258, %parallel_loop3A_259], %parallel_loop3A_262 {strides = array<i32>} : memref<128x128xf32, #tpu.memory_space<vmem>>, vector<1x16xf32>,
      %parallel_loop3A_263 = arith.index_cast %parallel_loop3A_207 : i32 to index
      %parallel_loop3A_264 = arith.constant 80 : index
      %parallel_loop3A_265 = tpu.vector_load %arg8[%parallel_loop3A_263, %parallel_loop3A_264] {strides = array<i32>} : memref<128x128xf32, #tpu.memory_space<vmem>>, vector<1x16xf32>,
      %parallel_loop3A_266 = vector.shape_cast %parallel_loop3A_265 : vector<1x16xf32> to vector<16xf32>
      %parallel_loop3A_267 = vector.broadcast %squeeze3A : f32 to vector<16xf32>
      %parallel_loop3A_268 = arith.mulf %parallel_loop3A_266, %parallel_loop3A_267 : vector<16xf32>
      %parallel_loop3A_269 = arith.index_cast %parallel_loop3A_207 : i32 to index
      %parallel_loop3A_270 = arith.constant 80 : index
      %parallel_loop3A_271 = tpu.vector_load %arg8[%parallel_loop3A_269, %parallel_loop3A_270] {strides = array<i32>} : memref<128x128xf32, #tpu.memory_space<vmem>>, vector<1x16xf32>,
      %parallel_loop3A_272 = vector.shape_cast %parallel_loop3A_271 : vector<1x16xf32> to vector<16xf32>
      %parallel_loop3A_273 = vector.shape_cast %parallel_loop3A_268 : vector<16xf32> to vector<1x16xf32>
      tpu.vector_store %arg8[%parallel_loop3A_269, %parallel_loop3A_270], %parallel_loop3A_273 {strides = array<i32>} : memref<128x128xf32, #tpu.memory_space<vmem>>, vector<1x16xf32>,
      %parallel_loop3A_274 = arith.index_cast %parallel_loop3A_207 : i32 to index
      %parallel_loop3A_275 = arith.constant 96 : index
      %parallel_loop3A_276 = tpu.vector_load %arg8[%parallel_loop3A_274, %parallel_loop3A_275] {strides = array<i32>} : memref<128x128xf32, #tpu.memory_space<vmem>>, vector<1x16xf32>,
      %parallel_loop3A_277 = vector.shape_cast %parallel_loop3A_276 : vector<1x16xf32> to vector<16xf32>
      %parallel_loop3A_278 = vector.broadcast %squeeze3A : f32 to vector<16xf32>
      %parallel_loop3A_279 = arith.mulf %parallel_loop3A_277, %parallel_loop3A_278 : vector<16xf32>
      %parallel_loop3A_280 = arith.index_cast %parallel_loop3A_207 : i32 to index
      %parallel_loop3A_281 = arith.constant 96 : index
      %parallel_loop3A_282 = tpu.vector_load %arg8[%parallel_loop3A_280, %parallel_loop3A_281] {strides = array<i32>} : memref<128x128xf32, #tpu.memory_space<vmem>>, vector<1x16xf32>,
      %parallel_loop3A_283 = vector.shape_cast %parallel_loop3A_282 : vector<1x16xf32> to vector<16xf32>
      %parallel_loop3A_284 = vector.shape_cast %parallel_loop3A_279 : vector<16xf32> to vector<1x16xf32>
      tpu.vector_store %arg8[%parallel_loop3A_280, %parallel_loop3A_281], %parallel_loop3A_284 {strides = array<i32>} : memref<128x128xf32, #tpu.memory_space<vmem>>, vector<1x16xf32>,
      %parallel_loop3A_285 = arith.index_cast %parallel_loop3A_207 : i32 to index
      %parallel_loop3A_286 = arith.constant 112 : index
      %parallel_loop3A_287 = tpu.vector_load %arg8[%parallel_loop3A_285, %parallel_loop3A_286] {strides = array<i32>} : memref<128x128xf32, #tpu.memory_space<vmem>>, vector<1x16xf32>,
      %parallel_loop3A_288 = vector.shape_cast %parallel_loop3A_287 : vector<1x16xf32> to vector<16xf32>
      %parallel_loop3A_289 = vector.broadcast %squeeze3A : f32 to vector<16xf32>
      %parallel_loop3A_290 = arith.mulf %parallel_loop3A_288, %parallel_loop3A_289 : vector<16xf32>
      %parallel_loop3A_291 = arith.index_cast %parallel_loop3A_207 : i32 to index
      %parallel_loop3A_292 = arith.constant 112 : index
      %parallel_loop3A_293 = tpu.vector_load %arg8[%parallel_loop3A_291, %parallel_loop3A_292] {strides = array<i32>} : memref<128x128xf32, #tpu.memory_space<vmem>>, vector<1x16xf32>,
      %parallel_loop3A_294 = vector.shape_cast %parallel_loop3A_293 : vector<1x16xf32> to vector<16xf32>
      %parallel_loop3A_295 = vector.shape_cast %parallel_loop3A_290 : vector<16xf32> to vector<1x16xf32>
      tpu.vector_store %arg8[%parallel_loop3A_291, %parallel_loop3A_292], %parallel_loop3A_295 {strides = array<i32>} : memref<128x128xf32, #tpu.memory_space<vmem>>, vector<1x16xf32>,
    } {sc.loop_unroll_factor = 2 : i64, sc.parallel_access}
    %add3A_49 = arith.constant 128 : i32
    %add3A_50 = arith.addi %mul3A_4, %add3A_49 : i32
    %dma_start3A_51 = arith.constant 0 : i32
    %dma_start3A_52 = tpu.memref_slice %arg5[%add3A_50, %dma_start3A_51] : memref<204800x128xf32, #tpu.memory_space<hbm>> -> memref<128x128xf32, #tpu.memory_space<hbm>>
    %dma_start3A_53 = arith.constant 0 : i32
    %dma_start3A_54 = tpu.memref_slice %arg5[%add3A_50, %dma_start3A_53] : memref<204800x128xf32, #tpu.memory_space<hbm>> -> memref<128x128xf32, #tpu.memory_space<hbm>>
    tpu.enqueue_dma source(%arg8 : memref<128x128xf32, #tpu.memory_space<vmem>>) target(%dma_start3A_54 : memref<128x128xf32, #tpu.memory_space<hbm>>) target_semaphore(%arg20 : memref<!tpu.dma_semaphore, #tpu.memory_space<semaphore_mem>>)
    %dma_start3A_55 = arith.constant 640 : i32
    %dma_start3A_56 = tpu.memref_slice %arg6[%dma_start3A_55] : memref<6400xi32, #tpu.memory_space<vmem>> -> memref<128xi32, #tpu.memory_space<vmem>>
    %dma_start3A_57 = arith.constant 0 : i32
    %dma_start3A_58 = arith.constant 0 : i32
    %dma_start3A_59 = tpu.memref_slice %arg3[%dma_start3A_57, %dma_start3A_58] : memref<100000x128xf32, #tpu.memory_space<hbm>> -> memref<100000x128xf32, #tpu.memory_space<hbm>>
    tpu.enqueue_indirect_dma source(%dma_start3A_59 : memref<100000x128xf32, #tpu.memory_space<hbm>>) target(%arg12 : memref<128x128xf32, #tpu.memory_space<vmem>>) offsets(%dma_start3A_56 : memref<128xi32, #tpu.memory_space<vmem>>) semaphore(%arg18 : memref<!tpu.dma_semaphore, #tpu.memory_space<semaphore_mem>>)
    %dma_wait3A_60 = arith.constant 256 : i32
    %dma_wait3A_61 = tpu.memref_slice %arg6[%dma_wait3A_60] : memref<6400xi32, #tpu.memory_space<vmem>> -> memref<128xi32, #tpu.memory_space<vmem>>
    %dma_wait3A_62 = arith.constant 0 : i32
    %dma_wait3A_63 = arith.constant 0 : i32
    %dma_wait3A_64 = tpu.memref_slice %arg3[%dma_wait3A_62, %dma_wait3A_63] : memref<100000x128xf32, #tpu.memory_space<hbm>> -> memref<100000x128xf32, #tpu.memory_space<hbm>>
    tpu.wait_indirect_dma semaphore(%arg15 : memref<!tpu.dma_semaphore, #tpu.memory_space<semaphore_mem>>) src(%dma_wait3A_64 : memref<100000x128xf32, #tpu.memory_space<hbm>>) dst(%arg9 : memref<128x128xf32, #tpu.memory_space<vmem>>)
    %parallel_loop3A_65 = arith.constant 0 : i32
    %parallel_loop3A_66 = arith.constant 128 : i32
    %parallel_loop3A_67 = arith.constant 1 : i32
    scf.for %parallel_loop3A_207 = %parallel_loop3A_65 to %parallel_loop3A_66 step %parallel_loop3A_67  : i32 {
      %parallel_loop3A_208 = arith.index_cast %parallel_loop3A_207 : i32 to index
      %parallel_loop3A_209 = arith.constant 0 : index
      %parallel_loop3A_210 = tpu.vector_load %arg9[%parallel_loop3A_208, %parallel_loop3A_209] {strides = array<i32>} : memref<128x128xf32, #tpu.memory_space<vmem>>, vector<1x16xf32>,
      %parallel_loop3A_211 = vector.shape_cast %parallel_loop3A_210 : vector<1x16xf32> to vector<16xf32>
      %parallel_loop3A_212 = vector.broadcast %squeeze3A : f32 to vector<16xf32>
      %parallel_loop3A_213 = arith.mulf %parallel_loop3A_211, %parallel_loop3A_212 : vector<16xf32>
      %parallel_loop3A_214 = arith.index_cast %parallel_loop3A_207 : i32 to index
      %parallel_loop3A_215 = arith.constant 0 : index
      %parallel_loop3A_216 = tpu.vector_load %arg9[%parallel_loop3A_214, %parallel_loop3A_215] {strides = array<i32>} : memref<128x128xf32, #tpu.memory_space<vmem>>, vector<1x16xf32>,
      %parallel_loop3A_217 = vector.shape_cast %parallel_loop3A_216 : vector<1x16xf32> to vector<16xf32>
      %parallel_loop3A_218 = vector.shape_cast %parallel_loop3A_213 : vector<16xf32> to vector<1x16xf32>
      tpu.vector_store %arg9[%parallel_loop3A_214, %parallel_loop3A_215], %parallel_loop3A_218 {strides = array<i32>} : memref<128x128xf32, #tpu.memory_space<vmem>>, vector<1x16xf32>,
      %parallel_loop3A_219 = arith.index_cast %parallel_loop3A_207 : i32 to index
      %parallel_loop3A_220 = arith.constant 16 : index
      %parallel_loop3A_221 = tpu.vector_load %arg9[%parallel_loop3A_219, %parallel_loop3A_220] {strides = array<i32>} : memref<128x128xf32, #tpu.memory_space<vmem>>, vector<1x16xf32>,
      %parallel_loop3A_222 = vector.shape_cast %parallel_loop3A_221 : vector<1x16xf32> to vector<16xf32>
      %parallel_loop3A_223 = vector.broadcast %squeeze3A : f32 to vector<16xf32>
      %parallel_loop3A_224 = arith.mulf %parallel_loop3A_222, %parallel_loop3A_223 : vector<16xf32>
      %parallel_loop3A_225 = arith.index_cast %parallel_loop3A_207 : i32 to index
      %parallel_loop3A_226 = arith.constant 16 : index
      %parallel_loop3A_227 = tpu.vector_load %arg9[%parallel_loop3A_225, %parallel_loop3A_226] {strides = array<i32>} : memref<128x128xf32, #tpu.memory_space<vmem>>, vector<1x16xf32>,
      %parallel_loop3A_228 = vector.shape_cast %parallel_loop3A_227 : vector<1x16xf32> to vector<16xf32>
      %parallel_loop3A_229 = vector.shape_cast %parallel_loop3A_224 : vector<16xf32> to vector<1x16xf32>
      tpu.vector_store %arg9[%parallel_loop3A_225, %parallel_loop3A_226], %parallel_loop3A_229 {strides = array<i32>} : memref<128x128xf32, #tpu.memory_space<vmem>>, vector<1x16xf32>,
      %parallel_loop3A_230 = arith.index_cast %parallel_loop3A_207 : i32 to index
      %parallel_loop3A_231 = arith.constant 32 : index
      %parallel_loop3A_232 = tpu.vector_load %arg9[%parallel_loop3A_230, %parallel_loop3A_231] {strides = array<i32>} : memref<128x128xf32, #tpu.memory_space<vmem>>, vector<1x16xf32>,
      %parallel_loop3A_233 = vector.shape_cast %parallel_loop3A_232 : vector<1x16xf32> to vector<16xf32>
      %parallel_loop3A_234 = vector.broadcast %squeeze3A : f32 to vector<16xf32>
      %parallel_loop3A_235 = arith.mulf %parallel_loop3A_233, %parallel_loop3A_234 : vector<16xf32>
      %parallel_loop3A_236 = arith.index_cast %parallel_loop3A_207 : i32 to index
      %parallel_loop3A_237 = arith.constant 32 : index
      %parallel_loop3A_238 = tpu.vector_load %arg9[%parallel_loop3A_236, %parallel_loop3A_237] {strides = array<i32>} : memref<128x128xf32, #tpu.memory_space<vmem>>, vector<1x16xf32>,
      %parallel_loop3A_239 = vector.shape_cast %parallel_loop3A_238 : vector<1x16xf32> to vector<16xf32>
      %parallel_loop3A_240 = vector.shape_cast %parallel_loop3A_235 : vector<16xf32> to vector<1x16xf32>
      tpu.vector_store %arg9[%parallel_loop3A_236, %parallel_loop3A_237], %parallel_loop3A_240 {strides = array<i32>} : memref<128x128xf32, #tpu.memory_space<vmem>>, vector<1x16xf32>,
      %parallel_loop3A_241 = arith.index_cast %parallel_loop3A_207 : i32 to index
      %parallel_loop3A_242 = arith.constant 48 : index
      %parallel_loop3A_243 = tpu.vector_load %arg9[%parallel_loop3A_241, %parallel_loop3A_242] {strides = array<i32>} : memref<128x128xf32, #tpu.memory_space<vmem>>, vector<1x16xf32>,
      %parallel_loop3A_244 = vector.shape_cast %parallel_loop3A_243 : vector<1x16xf32> to vector<16xf32>
      %parallel_loop3A_245 = vector.broadcast %squeeze3A : f32 to vector<16xf32>
      %parallel_loop3A_246 = arith.mulf %parallel_loop3A_244, %parallel_loop3A_245 : vector<16xf32>
      %parallel_loop3A_247 = arith.index_cast %parallel_loop3A_207 : i32 to index
      %parallel_loop3A_248 = arith.constant 48 : index
      %parallel_loop3A_249 = tpu.vector_load %arg9[%parallel_loop3A_247, %parallel_loop3A_248] {strides = array<i32>} : memref<128x128xf32, #tpu.memory_space<vmem>>, vector<1x16xf32>,
      %parallel_loop3A_250 = vector.shape_cast %parallel_loop3A_249 : vector<1x16xf32> to vector<16xf32>
      %parallel_loop3A_251 = vector.shape_cast %parallel_loop3A_246 : vector<16xf32> to vector<1x16xf32>
      tpu.vector_store %arg9[%parallel_loop3A_247, %parallel_loop3A_248], %parallel_loop3A_251 {strides = array<i32>} : memref<128x128xf32, #tpu.memory_space<vmem>>, vector<1x16xf32>,
      %parallel_loop3A_252 = arith.index_cast %parallel_loop3A_207 : i32 to index
      %parallel_loop3A_253 = arith.constant 64 : index
      %parallel_loop3A_254 = tpu.vector_load %arg9[%parallel_loop3A_252, %parallel_loop3A_253] {strides = array<i32>} : memref<128x128xf32, #tpu.memory_space<vmem>>, vector<1x16xf32>,
      %parallel_loop3A_255 = vector.shape_cast %parallel_loop3A_254 : vector<1x16xf32> to vector<16xf32>
      %parallel_loop3A_256 = vector.broadcast %squeeze3A : f32 to vector<16xf32>
      %parallel_loop3A_257 = arith.mulf %parallel_loop3A_255, %parallel_loop3A_256 : vector<16xf32>
      %parallel_loop3A_258 = arith.index_cast %parallel_loop3A_207 : i32 to index
      %parallel_loop3A_259 = arith.constant 64 : index
      %parallel_loop3A_260 = tpu.vector_load %arg9[%parallel_loop3A_258, %parallel_loop3A_259] {strides = array<i32>} : memref<128x128xf32, #tpu.memory_space<vmem>>, vector<1x16xf32>,
      %parallel_loop3A_261 = vector.shape_cast %parallel_loop3A_260 : vector<1x16xf32> to vector<16xf32>
      %parallel_loop3A_262 = vector.shape_cast %parallel_loop3A_257 : vector<16xf32> to vector<1x16xf32>
      tpu.vector_store %arg9[%parallel_loop3A_258, %parallel_loop3A_259], %parallel_loop3A_262 {strides = array<i32>} : memref<128x128xf32, #tpu.memory_space<vmem>>, vector<1x16xf32>,
      %parallel_loop3A_263 = arith.index_cast %parallel_loop3A_207 : i32 to index
      %parallel_loop3A_264 = arith.constant 80 : index
      %parallel_loop3A_265 = tpu.vector_load %arg9[%parallel_loop3A_263, %parallel_loop3A_264] {strides = array<i32>} : memref<128x128xf32, #tpu.memory_space<vmem>>, vector<1x16xf32>,
      %parallel_loop3A_266 = vector.shape_cast %parallel_loop3A_265 : vector<1x16xf32> to vector<16xf32>
      %parallel_loop3A_267 = vector.broadcast %squeeze3A : f32 to vector<16xf32>
      %parallel_loop3A_268 = arith.mulf %parallel_loop3A_266, %parallel_loop3A_267 : vector<16xf32>
      %parallel_loop3A_269 = arith.index_cast %parallel_loop3A_207 : i32 to index
      %parallel_loop3A_270 = arith.constant 80 : index
      %parallel_loop3A_271 = tpu.vector_load %arg9[%parallel_loop3A_269, %parallel_loop3A_270] {strides = array<i32>} : memref<128x128xf32, #tpu.memory_space<vmem>>, vector<1x16xf32>,
      %parallel_loop3A_272 = vector.shape_cast %parallel_loop3A_271 : vector<1x16xf32> to vector<16xf32>
      %parallel_loop3A_273 = vector.shape_cast %parallel_loop3A_268 : vector<16xf32> to vector<1x16xf32>
      tpu.vector_store %arg9[%parallel_loop3A_269, %parallel_loop3A_270], %parallel_loop3A_273 {strides = array<i32>} : memref<128x128xf32, #tpu.memory_space<vmem>>, vector<1x16xf32>,
      %parallel_loop3A_274 = arith.index_cast %parallel_loop3A_207 : i32 to index
      %parallel_loop3A_275 = arith.constant 96 : index
      %parallel_loop3A_276 = tpu.vector_load %arg9[%parallel_loop3A_274, %parallel_loop3A_275] {strides = array<i32>} : memref<128x128xf32, #tpu.memory_space<vmem>>, vector<1x16xf32>,
      %parallel_loop3A_277 = vector.shape_cast %parallel_loop3A_276 : vector<1x16xf32> to vector<16xf32>
      %parallel_loop3A_278 = vector.broadcast %squeeze3A : f32 to vector<16xf32>
      %parallel_loop3A_279 = arith.mulf %parallel_loop3A_277, %parallel_loop3A_278 : vector<16xf32>
      %parallel_loop3A_280 = arith.index_cast %parallel_loop3A_207 : i32 to index
      %parallel_loop3A_281 = arith.constant 96 : index
      %parallel_loop3A_282 = tpu.vector_load %arg9[%parallel_loop3A_280, %parallel_loop3A_281] {strides = array<i32>} : memref<128x128xf32, #tpu.memory_space<vmem>>, vector<1x16xf32>,
      %parallel_loop3A_283 = vector.shape_cast %parallel_loop3A_282 : vector<1x16xf32> to vector<16xf32>
      %parallel_loop3A_284 = vector.shape_cast %parallel_loop3A_279 : vector<16xf32> to vector<1x16xf32>
      tpu.vector_store %arg9[%parallel_loop3A_280, %parallel_loop3A_281], %parallel_loop3A_284 {strides = array<i32>} : memref<128x128xf32, #tpu.memory_space<vmem>>, vector<1x16xf32>,
      %parallel_loop3A_285 = arith.index_cast %parallel_loop3A_207 : i32 to index
      %parallel_loop3A_286 = arith.constant 112 : index
      %parallel_loop3A_287 = tpu.vector_load %arg9[%parallel_loop3A_285, %parallel_loop3A_286] {strides = array<i32>} : memref<128x128xf32, #tpu.memory_space<vmem>>, vector<1x16xf32>,
      %parallel_loop3A_288 = vector.shape_cast %parallel_loop3A_287 : vector<1x16xf32> to vector<16xf32>
      %parallel_loop3A_289 = vector.broadcast %squeeze3A : f32 to vector<16xf32>
      %parallel_loop3A_290 = arith.mulf %parallel_loop3A_288, %parallel_loop3A_289 : vector<16xf32>
      %parallel_loop3A_291 = arith.index_cast %parallel_loop3A_207 : i32 to index
      %parallel_loop3A_292 = arith.constant 112 : index
      %parallel_loop3A_293 = tpu.vector_load %arg9[%parallel_loop3A_291, %parallel_loop3A_292] {strides = array<i32>} : memref<128x128xf32, #tpu.memory_space<vmem>>, vector<1x16xf32>,
      %parallel_loop3A_294 = vector.shape_cast %parallel_loop3A_293 : vector<1x16xf32> to vector<16xf32>
      %parallel_loop3A_295 = vector.shape_cast %parallel_loop3A_290 : vector<16xf32> to vector<1x16xf32>
      tpu.vector_store %arg9[%parallel_loop3A_291, %parallel_loop3A_292], %parallel_loop3A_295 {strides = array<i32>} : memref<128x128xf32, #tpu.memory_space<vmem>>, vector<1x16xf32>,
    } {sc.loop_unroll_factor = 2 : i64, sc.parallel_access}
    %add3A_68 = arith.constant 256 : i32
    %add3A_69 = arith.addi %mul3A_4, %add3A_68 : i32
    %dma_start3A_70 = arith.constant 0 : i32
    %dma_start3A_71 = tpu.memref_slice %arg5[%add3A_69, %dma_start3A_70] : memref<204800x128xf32, #tpu.memory_space<hbm>> -> memref<128x128xf32, #tpu.memory_space<hbm>>
    %dma_start3A_72 = arith.constant 0 : i32
    %dma_start3A_73 = tpu.memref_slice %arg5[%add3A_69, %dma_start3A_72] : memref<204800x128xf32, #tpu.memory_space<hbm>> -> memref<128x128xf32, #tpu.memory_space<hbm>>
    tpu.enqueue_dma source(%arg9 : memref<128x128xf32, #tpu.memory_space<vmem>>) target(%dma_start3A_73 : memref<128x128xf32, #tpu.memory_space<hbm>>) target_semaphore(%arg21 : memref<!tpu.dma_semaphore, #tpu.memory_space<semaphore_mem>>)
    %scan3A = arith.constant 0 : i32
    %scan3A_74 = arith.constant 0 : i32
    %scan3A_75 = arith.constant 7 : i32
    %scan3A_76 = arith.addi %scan3A_74, %scan3A_75 : i32
    %scan3A_77 = arith.constant 1 : i32
    scf.for %scan3A_207 = %scan3A_74 to %scan3A_76 step %scan3A_77  : i32 {
      %mul3A_208 = arith.constant 6 : i32
      %mul3A_209 = arith.muli %scan3A_207, %mul3A_208 : i32
      %add3A_210 = arith.constant 3 : i32
      %add3A_211 = arith.addi %add3A_210, %mul3A_209 : i32
      %add3A_212 = arith.constant 0 : i32
      %add3A_213 = arith.addi %add3A_211, %add3A_212 : i32
      %sub3A = arith.constant 3 : i32
      %sub3A_214 = arith.subi %add3A_213, %sub3A : i32
      %mul3A_215 = arith.constant 128 : i32
      %mul3A_216 = arith.muli %sub3A_214, %mul3A_215 : i32
      %add3A_217 = arith.addi %mul3A_4, %mul3A_216 : i32
      %dma_wait3A_218 = arith.constant 0 : i32
      %dma_wait3A_219 = tpu.memref_slice %arg5[%add3A_217, %dma_wait3A_218] : memref<204800x128xf32, #tpu.memory_space<hbm>> -> memref<128x128xf32, #tpu.memory_space<hbm>>
      %dma_wait3A_220 = arith.constant 0 : i32
      %dma_wait3A_221 = tpu.memref_slice %arg5[%add3A_217, %dma_wait3A_220] : memref<204800x128xf32, #tpu.memory_space<hbm>> -> memref<128x128xf32, #tpu.memory_space<hbm>>
      tpu.wait_dma2 semaphore(%arg19 : memref<!tpu.dma_semaphore, #tpu.memory_space<semaphore_mem>>) src(%arg7 : memref<128x128xf32, #tpu.memory_space<vmem>>) dst(%dma_wait3A_221 : memref<128x128xf32, #tpu.memory_space<hbm>>)
      %add3A_222 = arith.constant 3 : i32
      %add3A_223 = arith.addi %add3A_213, %add3A_222 : i32
      %mul3A_224 = arith.constant 128 : i32
      %mul3A_225 = arith.muli %add3A_223, %mul3A_224 : i32
      %dma_start3A_226 = tpu.memref_slice %arg6[%mul3A_225] : memref<6400xi32, #tpu.memory_space<vmem>> -> memref<128xi32, #tpu.memory_space<vmem>>
      %dma_start3A_227 = arith.constant 0 : i32
      %dma_start3A_228 = arith.constant 0 : i32
      %dma_start3A_229 = tpu.memref_slice %arg3[%dma_start3A_227, %dma_start3A_228] : memref<100000x128xf32, #tpu.memory_space<hbm>> -> memref<100000x128xf32, #tpu.memory_space<hbm>>
      tpu.enqueue_indirect_dma source(%dma_start3A_229 : memref<100000x128xf32, #tpu.memory_space<hbm>>) target(%arg7 : memref<128x128xf32, #tpu.memory_space<vmem>>) offsets(%dma_start3A_226 : memref<128xi32, #tpu.memory_space<vmem>>) semaphore(%arg13 : memref<!tpu.dma_semaphore, #tpu.memory_space<semaphore_mem>>)
      %mul3A_230 = arith.constant 128 : i32
      %mul3A_231 = arith.muli %add3A_213, %mul3A_230 : i32
      %dma_wait3A_232 = tpu.memref_slice %arg6[%mul3A_231] : memref<6400xi32, #tpu.memory_space<vmem>> -> memref<128xi32, #tpu.memory_space<vmem>>
      %dma_wait3A_233 = arith.constant 0 : i32
      %dma_wait3A_234 = arith.constant 0 : i32
      %dma_wait3A_235 = tpu.memref_slice %arg3[%dma_wait3A_233, %dma_wait3A_234] : memref<100000x128xf32, #tpu.memory_space<hbm>> -> memref<100000x128xf32, #tpu.memory_space<hbm>>
      tpu.wait_indirect_dma semaphore(%arg16 : memref<!tpu.dma_semaphore, #tpu.memory_space<semaphore_mem>>) src(%dma_wait3A_235 : memref<100000x128xf32, #tpu.memory_space<hbm>>) dst(%arg10 : memref<128x128xf32, #tpu.memory_space<vmem>>)
      %parallel_loop3A_236 = arith.constant 0 : i32
      %parallel_loop3A_237 = arith.constant 128 : i32
      %parallel_loop3A_238 = arith.constant 1 : i32
      scf.for %parallel_loop3A_441 = %parallel_loop3A_236 to %parallel_loop3A_237 step %parallel_loop3A_238  : i32 {
        %parallel_loop3A_442 = arith.index_cast %parallel_loop3A_441 : i32 to index
        %parallel_loop3A_443 = arith.constant 0 : index
        %parallel_loop3A_444 = tpu.vector_load %arg10[%parallel_loop3A_442, %parallel_loop3A_443] {strides = array<i32>} : memref<128x128xf32, #tpu.memory_space<vmem>>, vector<1x16xf32>,
        %parallel_loop3A_445 = vector.shape_cast %parallel_loop3A_444 : vector<1x16xf32> to vector<16xf32>
        %parallel_loop3A_446 = vector.broadcast %squeeze3A : f32 to vector<16xf32>
        %parallel_loop3A_447 = arith.mulf %parallel_loop3A_445, %parallel_loop3A_446 : vector<16xf32>
        %parallel_loop3A_448 = arith.index_cast %parallel_loop3A_441 : i32 to index
        %parallel_loop3A_449 = arith.constant 0 : index
        %parallel_loop3A_450 = tpu.vector_load %arg10[%parallel_loop3A_448, %parallel_loop3A_449] {strides = array<i32>} : memref<128x128xf32, #tpu.memory_space<vmem>>, vector<1x16xf32>,
        %parallel_loop3A_451 = vector.shape_cast %parallel_loop3A_450 : vector<1x16xf32> to vector<16xf32>
        %parallel_loop3A_452 = vector.shape_cast %parallel_loop3A_447 : vector<16xf32> to vector<1x16xf32>
        tpu.vector_store %arg10[%parallel_loop3A_448, %parallel_loop3A_449], %parallel_loop3A_452 {strides = array<i32>} : memref<128x128xf32, #tpu.memory_space<vmem>>, vector<1x16xf32>,
        %parallel_loop3A_453 = arith.index_cast %parallel_loop3A_441 : i32 to index
        %parallel_loop3A_454 = arith.constant 16 : index
        %parallel_loop3A_455 = tpu.vector_load %arg10[%parallel_loop3A_453, %parallel_loop3A_454] {strides = array<i32>} : memref<128x128xf32, #tpu.memory_space<vmem>>, vector<1x16xf32>,
        %parallel_loop3A_456 = vector.shape_cast %parallel_loop3A_455 : vector<1x16xf32> to vector<16xf32>
        %parallel_loop3A_457 = vector.broadcast %squeeze3A : f32 to vector<16xf32>
        %parallel_loop3A_458 = arith.mulf %parallel_loop3A_456, %parallel_loop3A_457 : vector<16xf32>
        %parallel_loop3A_459 = arith.index_cast %parallel_loop3A_441 : i32 to index
        %parallel_loop3A_460 = arith.constant 16 : index
        %parallel_loop3A_461 = tpu.vector_load %arg10[%parallel_loop3A_459, %parallel_loop3A_460] {strides = array<i32>} : memref<128x128xf32, #tpu.memory_space<vmem>>, vector<1x16xf32>,
        %parallel_loop3A_462 = vector.shape_cast %parallel_loop3A_461 : vector<1x16xf32> to vector<16xf32>
        %parallel_loop3A_463 = vector.shape_cast %parallel_loop3A_458 : vector<16xf32> to vector<1x16xf32>
        tpu.vector_store %arg10[%parallel_loop3A_459, %parallel_loop3A_460], %parallel_loop3A_463 {strides = array<i32>} : memref<128x128xf32, #tpu.memory_space<vmem>>, vector<1x16xf32>,
        %parallel_loop3A_464 = arith.index_cast %parallel_loop3A_441 : i32 to index
        %parallel_loop3A_465 = arith.constant 32 : index
        %parallel_loop3A_466 = tpu.vector_load %arg10[%parallel_loop3A_464, %parallel_loop3A_465] {strides = array<i32>} : memref<128x128xf32, #tpu.memory_space<vmem>>, vector<1x16xf32>,
        %parallel_loop3A_467 = vector.shape_cast %parallel_loop3A_466 : vector<1x16xf32> to vector<16xf32>
        %parallel_loop3A_468 = vector.broadcast %squeeze3A : f32 to vector<16xf32>
        %parallel_loop3A_469 = arith.mulf %parallel_loop3A_467, %parallel_loop3A_468 : vector<16xf32>
        %parallel_loop3A_470 = arith.index_cast %parallel_loop3A_441 : i32 to index
        %parallel_loop3A_471 = arith.constant 32 : index
        %parallel_loop3A_472 = tpu.vector_load %arg10[%parallel_loop3A_470, %parallel_loop3A_471] {strides = array<i32>} : memref<128x128xf32, #tpu.memory_space<vmem>>, vector<1x16xf32>,
        %parallel_loop3A_473 = vector.shape_cast %parallel_loop3A_472 : vector<1x16xf32> to vector<16xf32>
        %parallel_loop3A_474 = vector.shape_cast %parallel_loop3A_469 : vector<16xf32> to vector<1x16xf32>
        tpu.vector_store %arg10[%parallel_loop3A_470, %parallel_loop3A_471], %parallel_loop3A_474 {strides = array<i32>} : memref<128x128xf32, #tpu.memory_space<vmem>>, vector<1x16xf32>,
        %parallel_loop3A_475 = arith.index_cast %parallel_loop3A_441 : i32 to index
        %parallel_loop3A_476 = arith.constant 48 : index
        %parallel_loop3A_477 = tpu.vector_load %arg10[%parallel_loop3A_475, %parallel_loop3A_476] {strides = array<i32>} : memref<128x128xf32, #tpu.memory_space<vmem>>, vector<1x16xf32>,
        %parallel_loop3A_478 = vector.shape_cast %parallel_loop3A_477 : vector<1x16xf32> to vector<16xf32>
        %parallel_loop3A_479 = vector.broadcast %squeeze3A : f32 to vector<16xf32>
        %parallel_loop3A_480 = arith.mulf %parallel_loop3A_478, %parallel_loop3A_479 : vector<16xf32>
        %parallel_loop3A_481 = arith.index_cast %parallel_loop3A_441 : i32 to index
        %parallel_loop3A_482 = arith.constant 48 : index
        %parallel_loop3A_483 = tpu.vector_load %arg10[%parallel_loop3A_481, %parallel_loop3A_482] {strides = array<i32>} : memref<128x128xf32, #tpu.memory_space<vmem>>, vector<1x16xf32>,
        %parallel_loop3A_484 = vector.shape_cast %parallel_loop3A_483 : vector<1x16xf32> to vector<16xf32>
        %parallel_loop3A_485 = vector.shape_cast %parallel_loop3A_480 : vector<16xf32> to vector<1x16xf32>
        tpu.vector_store %arg10[%parallel_loop3A_481, %parallel_loop3A_482], %parallel_loop3A_485 {strides = array<i32>} : memref<128x128xf32, #tpu.memory_space<vmem>>, vector<1x16xf32>,
        %parallel_loop3A_486 = arith.index_cast %parallel_loop3A_441 : i32 to index
        %parallel_loop3A_487 = arith.constant 64 : index
        %parallel_loop3A_488 = tpu.vector_load %arg10[%parallel_loop3A_486, %parallel_loop3A_487] {strides = array<i32>} : memref<128x128xf32, #tpu.memory_space<vmem>>, vector<1x16xf32>,
        %parallel_loop3A_489 = vector.shape_cast %parallel_loop3A_488 : vector<1x16xf32> to vector<16xf32>
        %parallel_loop3A_490 = vector.broadcast %squeeze3A : f32 to vector<16xf32>
        %parallel_loop3A_491 = arith.mulf %parallel_loop3A_489, %parallel_loop3A_490 : vector<16xf32>
        %parallel_loop3A_492 = arith.index_cast %parallel_loop3A_441 : i32 to index
        %parallel_loop3A_493 = arith.constant 64 : index
        %parallel_loop3A_494 = tpu.vector_load %arg10[%parallel_loop3A_492, %parallel_loop3A_493] {strides = array<i32>} : memref<128x128xf32, #tpu.memory_space<vmem>>, vector<1x16xf32>,
        %parallel_loop3A_495 = vector.shape_cast %parallel_loop3A_494 : vector<1x16xf32> to vector<16xf32>
        %parallel_loop3A_496 = vector.shape_cast %parallel_loop3A_491 : vector<16xf32> to vector<1x16xf32>
        tpu.vector_store %arg10[%parallel_loop3A_492, %parallel_loop3A_493], %parallel_loop3A_496 {strides = array<i32>} : memref<128x128xf32, #tpu.memory_space<vmem>>, vector<1x16xf32>,
        %parallel_loop3A_497 = arith.index_cast %parallel_loop3A_441 : i32 to index
        %parallel_loop3A_498 = arith.constant 80 : index
        %parallel_loop3A_499 = tpu.vector_load %arg10[%parallel_loop3A_497, %parallel_loop3A_498] {strides = array<i32>} : memref<128x128xf32, #tpu.memory_space<vmem>>, vector<1x16xf32>,
        %parallel_loop3A_500 = vector.shape_cast %parallel_loop3A_499 : vector<1x16xf32> to vector<16xf32>
        %parallel_loop3A_501 = vector.broadcast %squeeze3A : f32 to vector<16xf32>
        %parallel_loop3A_502 = arith.mulf %parallel_loop3A_500, %parallel_loop3A_501 : vector<16xf32>
        %parallel_loop3A_503 = arith.index_cast %parallel_loop3A_441 : i32 to index
        %parallel_loop3A_504 = arith.constant 80 : index
        %parallel_loop3A_505 = tpu.vector_load %arg10[%parallel_loop3A_503, %parallel_loop3A_504] {strides = array<i32>} : memref<128x128xf32, #tpu.memory_space<vmem>>, vector<1x16xf32>,
        %parallel_loop3A_506 = vector.shape_cast %parallel_loop3A_505 : vector<1x16xf32> to vector<16xf32>
        %parallel_loop3A_507 = vector.shape_cast %parallel_loop3A_502 : vector<16xf32> to vector<1x16xf32>
        tpu.vector_store %arg10[%parallel_loop3A_503, %parallel_loop3A_504], %parallel_loop3A_507 {strides = array<i32>} : memref<128x128xf32, #tpu.memory_space<vmem>>, vector<1x16xf32>,
        %parallel_loop3A_508 = arith.index_cast %parallel_loop3A_441 : i32 to index
        %parallel_loop3A_509 = arith.constant 96 : index
        %parallel_loop3A_510 = tpu.vector_load %arg10[%parallel_loop3A_508, %parallel_loop3A_509] {strides = array<i32>} : memref<128x128xf32, #tpu.memory_space<vmem>>, vector<1x16xf32>,
        %parallel_loop3A_511 = vector.shape_cast %parallel_loop3A_510 : vector<1x16xf32> to vector<16xf32>
        %parallel_loop3A_512 = vector.broadcast %squeeze3A : f32 to vector<16xf32>
        %parallel_loop3A_513 = arith.mulf %parallel_loop3A_511, %parallel_loop3A_512 : vector<16xf32>
        %parallel_loop3A_514 = arith.index_cast %parallel_loop3A_441 : i32 to index
        %parallel_loop3A_515 = arith.constant 96 : index
        %parallel_loop3A_516 = tpu.vector_load %arg10[%parallel_loop3A_514, %parallel_loop3A_515] {strides = array<i32>} : memref<128x128xf32, #tpu.memory_space<vmem>>, vector<1x16xf32>,
        %parallel_loop3A_517 = vector.shape_cast %parallel_loop3A_516 : vector<1x16xf32> to vector<16xf32>
        %parallel_loop3A_518 = vector.shape_cast %parallel_loop3A_513 : vector<16xf32> to vector<1x16xf32>
        tpu.vector_store %arg10[%parallel_loop3A_514, %parallel_loop3A_515], %parallel_loop3A_518 {strides = array<i32>} : memref<128x128xf32, #tpu.memory_space<vmem>>, vector<1x16xf32>,
        %parallel_loop3A_519 = arith.index_cast %parallel_loop3A_441 : i32 to index
        %parallel_loop3A_520 = arith.constant 112 : index
        %parallel_loop3A_521 = tpu.vector_load %arg10[%parallel_loop3A_519, %parallel_loop3A_520] {strides = array<i32>} : memref<128x128xf32, #tpu.memory_space<vmem>>, vector<1x16xf32>,
        %parallel_loop3A_522 = vector.shape_cast %parallel_loop3A_521 : vector<1x16xf32> to vector<16xf32>
        %parallel_loop3A_523 = vector.broadcast %squeeze3A : f32 to vector<16xf32>
        %parallel_loop3A_524 = arith.mulf %parallel_loop3A_522, %parallel_loop3A_523 : vector<16xf32>
        %parallel_loop3A_525 = arith.index_cast %parallel_loop3A_441 : i32 to index
        %parallel_loop3A_526 = arith.constant 112 : index
        %parallel_loop3A_527 = tpu.vector_load %arg10[%parallel_loop3A_525, %parallel_loop3A_526] {strides = array<i32>} : memref<128x128xf32, #tpu.memory_space<vmem>>, vector<1x16xf32>,
        %parallel_loop3A_528 = vector.shape_cast %parallel_loop3A_527 : vector<1x16xf32> to vector<16xf32>
        %parallel_loop3A_529 = vector.shape_cast %parallel_loop3A_524 : vector<16xf32> to vector<1x16xf32>
        tpu.vector_store %arg10[%parallel_loop3A_525, %parallel_loop3A_526], %parallel_loop3A_529 {strides = array<i32>} : memref<128x128xf32, #tpu.memory_space<vmem>>, vector<1x16xf32>,
      } {sc.loop_unroll_factor = 2 : i64, sc.parallel_access}
      %mul3A_239 = arith.constant 128 : i32
      %mul3A_240 = arith.muli %add3A_213, %mul3A_239 : i32
      %add3A_241 = arith.addi %mul3A_4, %mul3A_240 : i32
      %dma_start3A_242 = arith.constant 0 : i32
      %dma_start3A_243 = tpu.memref_slice %arg5[%add3A_241, %dma_start3A_242] : memref<204800x128xf32, #tpu.memory_space<hbm>> -> memref<128x128xf32, #tpu.memory_space<hbm>>
      %dma_start3A_244 = arith.constant 0 : i32
      %dma_start3A_245 = tpu.memref_slice %arg5[%add3A_241, %dma_start3A_244] : memref<204800x128xf32, #tpu.memory_space<hbm>> -> memref<128x128xf32, #tpu.memory_space<hbm>>
      tpu.enqueue_dma source(%arg10 : memref<128x128xf32, #tpu.memory_space<vmem>>) target(%dma_start3A_245 : memref<128x128xf32, #tpu.memory_space<hbm>>) target_semaphore(%arg22 : memref<!tpu.dma_semaphore, #tpu.memory_space<semaphore_mem>>)
      %mul3A_246 = arith.constant 6 : i32
      %mul3A_247 = arith.muli %scan3A_207, %mul3A_246 : i32
      %add3A_248 = arith.constant 3 : i32
      %add3A_249 = arith.addi %add3A_248, %mul3A_247 : i32
      %add3A_250 = arith.constant 1 : i32
      %add3A_251 = arith.addi %add3A_249, %add3A_250 : i32
      %sub3A_252 = arith.constant 3 : i32
      %sub3A_253 = arith.subi %add3A_251, %sub3A_252 : i32
      %mul3A_254 = arith.constant 128 : i32
      %mul3A_255 = arith.muli %sub3A_253, %mul3A_254 : i32
      %add3A_256 = arith.addi %mul3A_4, %mul3A_255 : i32
      %dma_wait3A_257 = arith.constant 0 : i32
      %dma_wait3A_258 = tpu.memref_slice %arg5[%add3A_256, %dma_wait3A_257] : memref<204800x128xf32, #tpu.memory_space<hbm>> -> memref<128x128xf32, #tpu.memory_space<hbm>>
      %dma_wait3A_259 = arith.constant 0 : i32
      %dma_wait3A_260 = tpu.memref_slice %arg5[%add3A_256, %dma_wait3A_259] : memref<204800x128xf32, #tpu.memory_space<hbm>> -> memref<128x128xf32, #tpu.memory_space<hbm>>
      tpu.wait_dma2 semaphore(%arg20 : memref<!tpu.dma_semaphore, #tpu.memory_space<semaphore_mem>>) src(%arg8 : memref<128x128xf32, #tpu.memory_space<vmem>>) dst(%dma_wait3A_260 : memref<128x128xf32, #tpu.memory_space<hbm>>)
      %add3A_261 = arith.constant 3 : i32
      %add3A_262 = arith.addi %add3A_251, %add3A_261 : i32
      %mul3A_263 = arith.constant 128 : i32
      %mul3A_264 = arith.muli %add3A_262, %mul3A_263 : i32
      %dma_start3A_265 = tpu.memref_slice %arg6[%mul3A_264] : memref<6400xi32, #tpu.memory_space<vmem>> -> memref<128xi32, #tpu.memory_space<vmem>>
      %dma_start3A_266 = arith.constant 0 : i32
      %dma_start3A_267 = arith.constant 0 : i32
      %dma_start3A_268 = tpu.memref_slice %arg3[%dma_start3A_266, %dma_start3A_267] : memref<100000x128xf32, #tpu.memory_space<hbm>> -> memref<100000x128xf32, #tpu.memory_space<hbm>>
      tpu.enqueue_indirect_dma source(%dma_start3A_268 : memref<100000x128xf32, #tpu.memory_space<hbm>>) target(%arg8 : memref<128x128xf32, #tpu.memory_space<vmem>>) offsets(%dma_start3A_265 : memref<128xi32, #tpu.memory_space<vmem>>) semaphore(%arg14 : memref<!tpu.dma_semaphore, #tpu.memory_space<semaphore_mem>>)
      %mul3A_269 = arith.constant 128 : i32
      %mul3A_270 = arith.muli %add3A_251, %mul3A_269 : i32
      %dma_wait3A_271 = tpu.memref_slice %arg6[%mul3A_270] : memref<6400xi32, #tpu.memory_space<vmem>> -> memref<128xi32, #tpu.memory_space<vmem>>
      %dma_wait3A_272 = arith.constant 0 : i32
      %dma_wait3A_273 = arith.constant 0 : i32
      %dma_wait3A_274 = tpu.memref_slice %arg3[%dma_wait3A_272, %dma_wait3A_273] : memref<100000x128xf32, #tpu.memory_space<hbm>> -> memref<100000x128xf32, #tpu.memory_space<hbm>>
      tpu.wait_indirect_dma semaphore(%arg17 : memref<!tpu.dma_semaphore, #tpu.memory_space<semaphore_mem>>) src(%dma_wait3A_274 : memref<100000x128xf32, #tpu.memory_space<hbm>>) dst(%arg11 : memref<128x128xf32, #tpu.memory_space<vmem>>)
      %parallel_loop3A_275 = arith.constant 0 : i32
      %parallel_loop3A_276 = arith.constant 128 : i32
      %parallel_loop3A_277 = arith.constant 1 : i32
      scf.for %parallel_loop3A_441 = %parallel_loop3A_275 to %parallel_loop3A_276 step %parallel_loop3A_277  : i32 {
        %parallel_loop3A_442 = arith.index_cast %parallel_loop3A_441 : i32 to index
        %parallel_loop3A_443 = arith.constant 0 : index
        %parallel_loop3A_444 = tpu.vector_load %arg11[%parallel_loop3A_442, %parallel_loop3A_443] {strides = array<i32>} : memref<128x128xf32, #tpu.memory_space<vmem>>, vector<1x16xf32>,
        %parallel_loop3A_445 = vector.shape_cast %parallel_loop3A_444 : vector<1x16xf32> to vector<16xf32>
        %parallel_loop3A_446 = vector.broadcast %squeeze3A : f32 to vector<16xf32>
        %parallel_loop3A_447 = arith.mulf %parallel_loop3A_445, %parallel_loop3A_446 : vector<16xf32>
        %parallel_loop3A_448 = arith.index_cast %parallel_loop3A_441 : i32 to index
        %parallel_loop3A_449 = arith.constant 0 : index
        %parallel_loop3A_450 = tpu.vector_load %arg11[%parallel_loop3A_448, %parallel_loop3A_449] {strides = array<i32>} : memref<128x128xf32, #tpu.memory_space<vmem>>, vector<1x16xf32>,
        %parallel_loop3A_451 = vector.shape_cast %parallel_loop3A_450 : vector<1x16xf32> to vector<16xf32>
        %parallel_loop3A_452 = vector.shape_cast %parallel_loop3A_447 : vector<16xf32> to vector<1x16xf32>
        tpu.vector_store %arg11[%parallel_loop3A_448, %parallel_loop3A_449], %parallel_loop3A_452 {strides = array<i32>} : memref<128x128xf32, #tpu.memory_space<vmem>>, vector<1x16xf32>,
        %parallel_loop3A_453 = arith.index_cast %parallel_loop3A_441 : i32 to index
        %parallel_loop3A_454 = arith.constant 16 : index
        %parallel_loop3A_455 = tpu.vector_load %arg11[%parallel_loop3A_453, %parallel_loop3A_454] {strides = array<i32>} : memref<128x128xf32, #tpu.memory_space<vmem>>, vector<1x16xf32>,
        %parallel_loop3A_456 = vector.shape_cast %parallel_loop3A_455 : vector<1x16xf32> to vector<16xf32>
        %parallel_loop3A_457 = vector.broadcast %squeeze3A : f32 to vector<16xf32>
        %parallel_loop3A_458 = arith.mulf %parallel_loop3A_456, %parallel_loop3A_457 : vector<16xf32>
        %parallel_loop3A_459 = arith.index_cast %parallel_loop3A_441 : i32 to index
        %parallel_loop3A_460 = arith.constant 16 : index
        %parallel_loop3A_461 = tpu.vector_load %arg11[%parallel_loop3A_459, %parallel_loop3A_460] {strides = array<i32>} : memref<128x128xf32, #tpu.memory_space<vmem>>, vector<1x16xf32>,
        %parallel_loop3A_462 = vector.shape_cast %parallel_loop3A_461 : vector<1x16xf32> to vector<16xf32>
        %parallel_loop3A_463 = vector.shape_cast %parallel_loop3A_458 : vector<16xf32> to vector<1x16xf32>
        tpu.vector_store %arg11[%parallel_loop3A_459, %parallel_loop3A_460], %parallel_loop3A_463 {strides = array<i32>} : memref<128x128xf32, #tpu.memory_space<vmem>>, vector<1x16xf32>,
        %parallel_loop3A_464 = arith.index_cast %parallel_loop3A_441 : i32 to index
        %parallel_loop3A_465 = arith.constant 32 : index
        %parallel_loop3A_466 = tpu.vector_load %arg11[%parallel_loop3A_464, %parallel_loop3A_465] {strides = array<i32>} : memref<128x128xf32, #tpu.memory_space<vmem>>, vector<1x16xf32>,
        %parallel_loop3A_467 = vector.shape_cast %parallel_loop3A_466 : vector<1x16xf32> to vector<16xf32>
        %parallel_loop3A_468 = vector.broadcast %squeeze3A : f32 to vector<16xf32>
        %parallel_loop3A_469 = arith.mulf %parallel_loop3A_467, %parallel_loop3A_468 : vector<16xf32>
        %parallel_loop3A_470 = arith.index_cast %parallel_loop3A_441 : i32 to index
        %parallel_loop3A_471 = arith.constant 32 : index
        %parallel_loop3A_472 = tpu.vector_load %arg11[%parallel_loop3A_470, %parallel_loop3A_471] {strides = array<i32>} : memref<128x128xf32, #tpu.memory_space<vmem>>, vector<1x16xf32>,
        %parallel_loop3A_473 = vector.shape_cast %parallel_loop3A_472 : vector<1x16xf32> to vector<16xf32>
        %parallel_loop3A_474 = vector.shape_cast %parallel_loop3A_469 : vector<16xf32> to vector<1x16xf32>
        tpu.vector_store %arg11[%parallel_loop3A_470, %parallel_loop3A_471], %parallel_loop3A_474 {strides = array<i32>} : memref<128x128xf32, #tpu.memory_space<vmem>>, vector<1x16xf32>,
        %parallel_loop3A_475 = arith.index_cast %parallel_loop3A_441 : i32 to index
        %parallel_loop3A_476 = arith.constant 48 : index
        %parallel_loop3A_477 = tpu.vector_load %arg11[%parallel_loop3A_475, %parallel_loop3A_476] {strides = array<i32>} : memref<128x128xf32, #tpu.memory_space<vmem>>, vector<1x16xf32>,
        %parallel_loop3A_478 = vector.shape_cast %parallel_loop3A_477 : vector<1x16xf32> to vector<16xf32>
        %parallel_loop3A_479 = vector.broadcast %squeeze3A : f32 to vector<16xf32>
        %parallel_loop3A_480 = arith.mulf %parallel_loop3A_478, %parallel_loop3A_479 : vector<16xf32>
        %parallel_loop3A_481 = arith.index_cast %parallel_loop3A_441 : i32 to index
        %parallel_loop3A_482 = arith.constant 48 : index
        %parallel_loop3A_483 = tpu.vector_load %arg11[%parallel_loop3A_481, %parallel_loop3A_482] {strides = array<i32>} : memref<128x128xf32, #tpu.memory_space<vmem>>, vector<1x16xf32>,
        %parallel_loop3A_484 = vector.shape_cast %parallel_loop3A_483 : vector<1x16xf32> to vector<16xf32>
        %parallel_loop3A_485 = vector.shape_cast %parallel_loop3A_480 : vector<16xf32> to vector<1x16xf32>
        tpu.vector_store %arg11[%parallel_loop3A_481, %parallel_loop3A_482], %parallel_loop3A_485 {strides = array<i32>} : memref<128x128xf32, #tpu.memory_space<vmem>>, vector<1x16xf32>,
        %parallel_loop3A_486 = arith.index_cast %parallel_loop3A_441 : i32 to index
        %parallel_loop3A_487 = arith.constant 64 : index
        %parallel_loop3A_488 = tpu.vector_load %arg11[%parallel_loop3A_486, %parallel_loop3A_487] {strides = array<i32>} : memref<128x128xf32, #tpu.memory_space<vmem>>, vector<1x16xf32>,
        %parallel_loop3A_489 = vector.shape_cast %parallel_loop3A_488 : vector<1x16xf32> to vector<16xf32>
        %parallel_loop3A_490 = vector.broadcast %squeeze3A : f32 to vector<16xf32>
        %parallel_loop3A_491 = arith.mulf %parallel_loop3A_489, %parallel_loop3A_490 : vector<16xf32>
        %parallel_loop3A_492 = arith.index_cast %parallel_loop3A_441 : i32 to index
        %parallel_loop3A_493 = arith.constant 64 : index
        %parallel_loop3A_494 = tpu.vector_load %arg11[%parallel_loop3A_492, %parallel_loop3A_493] {strides = array<i32>} : memref<128x128xf32, #tpu.memory_space<vmem>>, vector<1x16xf32>,
        %parallel_loop3A_495 = vector.shape_cast %parallel_loop3A_494 : vector<1x16xf32> to vector<16xf32>
        %parallel_loop3A_496 = vector.shape_cast %parallel_loop3A_491 : vector<16xf32> to vector<1x16xf32>
        tpu.vector_store %arg11[%parallel_loop3A_492, %parallel_loop3A_493], %parallel_loop3A_496 {strides = array<i32>} : memref<128x128xf32, #tpu.memory_space<vmem>>, vector<1x16xf32>,
        %parallel_loop3A_497 = arith.index_cast %parallel_loop3A_441 : i32 to index
        %parallel_loop3A_498 = arith.constant 80 : index
        %parallel_loop3A_499 = tpu.vector_load %arg11[%parallel_loop3A_497, %parallel_loop3A_498] {strides = array<i32>} : memref<128x128xf32, #tpu.memory_space<vmem>>, vector<1x16xf32>,
        %parallel_loop3A_500 = vector.shape_cast %parallel_loop3A_499 : vector<1x16xf32> to vector<16xf32>
        %parallel_loop3A_501 = vector.broadcast %squeeze3A : f32 to vector<16xf32>
        %parallel_loop3A_502 = arith.mulf %parallel_loop3A_500, %parallel_loop3A_501 : vector<16xf32>
        %parallel_loop3A_503 = arith.index_cast %parallel_loop3A_441 : i32 to index
        %parallel_loop3A_504 = arith.constant 80 : index
        %parallel_loop3A_505 = tpu.vector_load %arg11[%parallel_loop3A_503, %parallel_loop3A_504] {strides = array<i32>} : memref<128x128xf32, #tpu.memory_space<vmem>>, vector<1x16xf32>,
        %parallel_loop3A_506 = vector.shape_cast %parallel_loop3A_505 : vector<1x16xf32> to vector<16xf32>
        %parallel_loop3A_507 = vector.shape_cast %parallel_loop3A_502 : vector<16xf32> to vector<1x16xf32>
        tpu.vector_store %arg11[%parallel_loop3A_503, %parallel_loop3A_504], %parallel_loop3A_507 {strides = array<i32>} : memref<128x128xf32, #tpu.memory_space<vmem>>, vector<1x16xf32>,
        %parallel_loop3A_508 = arith.index_cast %parallel_loop3A_441 : i32 to index
        %parallel_loop3A_509 = arith.constant 96 : index
        %parallel_loop3A_510 = tpu.vector_load %arg11[%parallel_loop3A_508, %parallel_loop3A_509] {strides = array<i32>} : memref<128x128xf32, #tpu.memory_space<vmem>>, vector<1x16xf32>,
        %parallel_loop3A_511 = vector.shape_cast %parallel_loop3A_510 : vector<1x16xf32> to vector<16xf32>
        %parallel_loop3A_512 = vector.broadcast %squeeze3A : f32 to vector<16xf32>
        %parallel_loop3A_513 = arith.mulf %parallel_loop3A_511, %parallel_loop3A_512 : vector<16xf32>
        %parallel_loop3A_514 = arith.index_cast %parallel_loop3A_441 : i32 to index
        %parallel_loop3A_515 = arith.constant 96 : index
        %parallel_loop3A_516 = tpu.vector_load %arg11[%parallel_loop3A_514, %parallel_loop3A_515] {strides = array<i32>} : memref<128x128xf32, #tpu.memory_space<vmem>>, vector<1x16xf32>,
        %parallel_loop3A_517 = vector.shape_cast %parallel_loop3A_516 : vector<1x16xf32> to vector<16xf32>
        %parallel_loop3A_518 = vector.shape_cast %parallel_loop3A_513 : vector<16xf32> to vector<1x16xf32>
        tpu.vector_store %arg11[%parallel_loop3A_514, %parallel_loop3A_515], %parallel_loop3A_518 {strides = array<i32>} : memref<128x128xf32, #tpu.memory_space<vmem>>, vector<1x16xf32>,
        %parallel_loop3A_519 = arith.index_cast %parallel_loop3A_441 : i32 to index
        %parallel_loop3A_520 = arith.constant 112 : index
        %parallel_loop3A_521 = tpu.vector_load %arg11[%parallel_loop3A_519, %parallel_loop3A_520] {strides = array<i32>} : memref<128x128xf32, #tpu.memory_space<vmem>>, vector<1x16xf32>,
        %parallel_loop3A_522 = vector.shape_cast %parallel_loop3A_521 : vector<1x16xf32> to vector<16xf32>
        %parallel_loop3A_523 = vector.broadcast %squeeze3A : f32 to vector<16xf32>
        %parallel_loop3A_524 = arith.mulf %parallel_loop3A_522, %parallel_loop3A_523 : vector<16xf32>
        %parallel_loop3A_525 = arith.index_cast %parallel_loop3A_441 : i32 to index
        %parallel_loop3A_526 = arith.constant 112 : index
        %parallel_loop3A_527 = tpu.vector_load %arg11[%parallel_loop3A_525, %parallel_loop3A_526] {strides = array<i32>} : memref<128x128xf32, #tpu.memory_space<vmem>>, vector<1x16xf32>,
        %parallel_loop3A_528 = vector.shape_cast %parallel_loop3A_527 : vector<1x16xf32> to vector<16xf32>
        %parallel_loop3A_529 = vector.shape_cast %parallel_loop3A_524 : vector<16xf32> to vector<1x16xf32>
        tpu.vector_store %arg11[%parallel_loop3A_525, %parallel_loop3A_526], %parallel_loop3A_529 {strides = array<i32>} : memref<128x128xf32, #tpu.memory_space<vmem>>, vector<1x16xf32>,
      } {sc.loop_unroll_factor = 2 : i64, sc.parallel_access}
      %mul3A_278 = arith.constant 128 : i32
      %mul3A_279 = arith.muli %add3A_251, %mul3A_278 : i32
      %add3A_280 = arith.addi %mul3A_4, %mul3A_279 : i32
      %dma_start3A_281 = arith.constant 0 : i32
      %dma_start3A_282 = tpu.memref_slice %arg5[%add3A_280, %dma_start3A_281] : memref<204800x128xf32, #tpu.memory_space<hbm>> -> memref<128x128xf32, #tpu.memory_space<hbm>>
      %dma_start3A_283 = arith.constant 0 : i32
      %dma_start3A_284 = tpu.memref_slice %arg5[%add3A_280, %dma_start3A_283] : memref<204800x128xf32, #tpu.memory_space<hbm>> -> memref<128x128xf32, #tpu.memory_space<hbm>>
      tpu.enqueue_dma source(%arg11 : memref<128x128xf32, #tpu.memory_space<vmem>>) target(%dma_start3A_284 : memref<128x128xf32, #tpu.memory_space<hbm>>) target_semaphore(%arg23 : memref<!tpu.dma_semaphore, #tpu.memory_space<semaphore_mem>>)
      %mul3A_285 = arith.constant 6 : i32
      %mul3A_286 = arith.muli %scan3A_207, %mul3A_285 : i32
      %add3A_287 = arith.constant 3 : i32
      %add3A_288 = arith.addi %add3A_287, %mul3A_286 : i32
      %add3A_289 = arith.constant 2 : i32
      %add3A_290 = arith.addi %add3A_288, %add3A_289 : i32
      %sub3A_291 = arith.constant 3 : i32
      %sub3A_292 = arith.subi %add3A_290, %sub3A_291 : i32
      %mul3A_293 = arith.constant 128 : i32
      %mul3A_294 = arith.muli %sub3A_292, %mul3A_293 : i32
      %add3A_295 = arith.addi %mul3A_4, %mul3A_294 : i32
      %dma_wait3A_296 = arith.constant 0 : i32
      %dma_wait3A_297 = tpu.memref_slice %arg5[%add3A_295, %dma_wait3A_296] : memref<204800x128xf32, #tpu.memory_space<hbm>> -> memref<128x128xf32, #tpu.memory_space<hbm>>
      %dma_wait3A_298 = arith.constant 0 : i32
      %dma_wait3A_299 = tpu.memref_slice %arg5[%add3A_295, %dma_wait3A_298] : memref<204800x128xf32, #tpu.memory_space<hbm>> -> memref<128x128xf32, #tpu.memory_space<hbm>>
      tpu.wait_dma2 semaphore(%arg21 : memref<!tpu.dma_semaphore, #tpu.memory_space<semaphore_mem>>) src(%arg9 : memref<128x128xf32, #tpu.memory_space<vmem>>) dst(%dma_wait3A_299 : memref<128x128xf32, #tpu.memory_space<hbm>>)
      %add3A_300 = arith.constant 3 : i32
      %add3A_301 = arith.addi %add3A_290, %add3A_300 : i32
      %mul3A_302 = arith.constant 128 : i32
      %mul3A_303 = arith.muli %add3A_301, %mul3A_302 : i32
      %dma_start3A_304 = tpu.memref_slice %arg6[%mul3A_303] : memref<6400xi32, #tpu.memory_space<vmem>> -> memref<128xi32, #tpu.memory_space<vmem>>
      %dma_start3A_305 = arith.constant 0 : i32
      %dma_start3A_306 = arith.constant 0 : i32
      %dma_start3A_307 = tpu.memref_slice %arg3[%dma_start3A_305, %dma_start3A_306] : memref<100000x128xf32, #tpu.memory_space<hbm>> -> memref<100000x128xf32, #tpu.memory_space<hbm>>
      tpu.enqueue_indirect_dma source(%dma_start3A_307 : memref<100000x128xf32, #tpu.memory_space<hbm>>) target(%arg9 : memref<128x128xf32, #tpu.memory_space<vmem>>) offsets(%dma_start3A_304 : memref<128xi32, #tpu.memory_space<vmem>>) semaphore(%arg15 : memref<!tpu.dma_semaphore, #tpu.memory_space<semaphore_mem>>)
      %mul3A_308 = arith.constant 128 : i32
      %mul3A_309 = arith.muli %add3A_290, %mul3A_308 : i32
      %dma_wait3A_310 = tpu.memref_slice %arg6[%mul3A_309] : memref<6400xi32, #tpu.memory_space<vmem>> -> memref<128xi32, #tpu.memory_space<vmem>>
      %dma_wait3A_311 = arith.constant 0 : i32
      %dma_wait3A_312 = arith.constant 0 : i32
      %dma_wait3A_313 = tpu.memref_slice %arg3[%dma_wait3A_311, %dma_wait3A_312] : memref<100000x128xf32, #tpu.memory_space<hbm>> -> memref<100000x128xf32, #tpu.memory_space<hbm>>
      tpu.wait_indirect_dma semaphore(%arg18 : memref<!tpu.dma_semaphore, #tpu.memory_space<semaphore_mem>>) src(%dma_wait3A_313 : memref<100000x128xf32, #tpu.memory_space<hbm>>) dst(%arg12 : memref<128x128xf32, #tpu.memory_space<vmem>>)
      %parallel_loop3A_314 = arith.constant 0 : i32
      %parallel_loop3A_315 = arith.constant 128 : i32
      %parallel_loop3A_316 = arith.constant 1 : i32
      scf.for %parallel_loop3A_441 = %parallel_loop3A_314 to %parallel_loop3A_315 step %parallel_loop3A_316  : i32 {
        %parallel_loop3A_442 = arith.index_cast %parallel_loop3A_441 : i32 to index
        %parallel_loop3A_443 = arith.constant 0 : index
        %parallel_loop3A_444 = tpu.vector_load %arg12[%parallel_loop3A_442, %parallel_loop3A_443] {strides = array<i32>} : memref<128x128xf32, #tpu.memory_space<vmem>>, vector<1x16xf32>,
        %parallel_loop3A_445 = vector.shape_cast %parallel_loop3A_444 : vector<1x16xf32> to vector<16xf32>
        %parallel_loop3A_446 = vector.broadcast %squeeze3A : f32 to vector<16xf32>
        %parallel_loop3A_447 = arith.mulf %parallel_loop3A_445, %parallel_loop3A_446 : vector<16xf32>
        %parallel_loop3A_448 = arith.index_cast %parallel_loop3A_441 : i32 to index
        %parallel_loop3A_449 = arith.constant 0 : index
        %parallel_loop3A_450 = tpu.vector_load %arg12[%parallel_loop3A_448, %parallel_loop3A_449] {strides = array<i32>} : memref<128x128xf32, #tpu.memory_space<vmem>>, vector<1x16xf32>,
        %parallel_loop3A_451 = vector.shape_cast %parallel_loop3A_450 : vector<1x16xf32> to vector<16xf32>
        %parallel_loop3A_452 = vector.shape_cast %parallel_loop3A_447 : vector<16xf32> to vector<1x16xf32>
        tpu.vector_store %arg12[%parallel_loop3A_448, %parallel_loop3A_449], %parallel_loop3A_452 {strides = array<i32>} : memref<128x128xf32, #tpu.memory_space<vmem>>, vector<1x16xf32>,
        %parallel_loop3A_453 = arith.index_cast %parallel_loop3A_441 : i32 to index
        %parallel_loop3A_454 = arith.constant 16 : index
        %parallel_loop3A_455 = tpu.vector_load %arg12[%parallel_loop3A_453, %parallel_loop3A_454] {strides = array<i32>} : memref<128x128xf32, #tpu.memory_space<vmem>>, vector<1x16xf32>,
        %parallel_loop3A_456 = vector.shape_cast %parallel_loop3A_455 : vector<1x16xf32> to vector<16xf32>
        %parallel_loop3A_457 = vector.broadcast %squeeze3A : f32 to vector<16xf32>
        %parallel_loop3A_458 = arith.mulf %parallel_loop3A_456, %parallel_loop3A_457 : vector<16xf32>
        %parallel_loop3A_459 = arith.index_cast %parallel_loop3A_441 : i32 to index
        %parallel_loop3A_460 = arith.constant 16 : index
        %parallel_loop3A_461 = tpu.vector_load %arg12[%parallel_loop3A_459, %parallel_loop3A_460] {strides = array<i32>} : memref<128x128xf32, #tpu.memory_space<vmem>>, vector<1x16xf32>,
        %parallel_loop3A_462 = vector.shape_cast %parallel_loop3A_461 : vector<1x16xf32> to vector<16xf32>
        %parallel_loop3A_463 = vector.shape_cast %parallel_loop3A_458 : vector<16xf32> to vector<1x16xf32>
        tpu.vector_store %arg12[%parallel_loop3A_459, %parallel_loop3A_460], %parallel_loop3A_463 {strides = array<i32>} : memref<128x128xf32, #tpu.memory_space<vmem>>, vector<1x16xf32>,
        %parallel_loop3A_464 = arith.index_cast %parallel_loop3A_441 : i32 to index
        %parallel_loop3A_465 = arith.constant 32 : index
        %parallel_loop3A_466 = tpu.vector_load %arg12[%parallel_loop3A_464, %parallel_loop3A_465] {strides = array<i32>} : memref<128x128xf32, #tpu.memory_space<vmem>>, vector<1x16xf32>,
        %parallel_loop3A_467 = vector.shape_cast %parallel_loop3A_466 : vector<1x16xf32> to vector<16xf32>
        %parallel_loop3A_468 = vector.broadcast %squeeze3A : f32 to vector<16xf32>
        %parallel_loop3A_469 = arith.mulf %parallel_loop3A_467, %parallel_loop3A_468 : vector<16xf32>
        %parallel_loop3A_470 = arith.index_cast %parallel_loop3A_441 : i32 to index
        %parallel_loop3A_471 = arith.constant 32 : index
        %parallel_loop3A_472 = tpu.vector_load %arg12[%parallel_loop3A_470, %parallel_loop3A_471] {strides = array<i32>} : memref<128x128xf32, #tpu.memory_space<vmem>>, vector<1x16xf32>,
        %parallel_loop3A_473 = vector.shape_cast %parallel_loop3A_472 : vector<1x16xf32> to vector<16xf32>
        %parallel_loop3A_474 = vector.shape_cast %parallel_loop3A_469 : vector<16xf32> to vector<1x16xf32>
        tpu.vector_store %arg12[%parallel_loop3A_470, %parallel_loop3A_471], %parallel_loop3A_474 {strides = array<i32>} : memref<128x128xf32, #tpu.memory_space<vmem>>, vector<1x16xf32>,
        %parallel_loop3A_475 = arith.index_cast %parallel_loop3A_441 : i32 to index
        %parallel_loop3A_476 = arith.constant 48 : index
        %parallel_loop3A_477 = tpu.vector_load %arg12[%parallel_loop3A_475, %parallel_loop3A_476] {strides = array<i32>} : memref<128x128xf32, #tpu.memory_space<vmem>>, vector<1x16xf32>,
        %parallel_loop3A_478 = vector.shape_cast %parallel_loop3A_477 : vector<1x16xf32> to vector<16xf32>
        %parallel_loop3A_479 = vector.broadcast %squeeze3A : f32 to vector<16xf32>
        %parallel_loop3A_480 = arith.mulf %parallel_loop3A_478, %parallel_loop3A_479 : vector<16xf32>
        %parallel_loop3A_481 = arith.index_cast %parallel_loop3A_441 : i32 to index
        %parallel_loop3A_482 = arith.constant 48 : index
        %parallel_loop3A_483 = tpu.vector_load %arg12[%parallel_loop3A_481, %parallel_loop3A_482] {strides = array<i32>} : memref<128x128xf32, #tpu.memory_space<vmem>>, vector<1x16xf32>,
        %parallel_loop3A_484 = vector.shape_cast %parallel_loop3A_483 : vector<1x16xf32> to vector<16xf32>
        %parallel_loop3A_485 = vector.shape_cast %parallel_loop3A_480 : vector<16xf32> to vector<1x16xf32>
        tpu.vector_store %arg12[%parallel_loop3A_481, %parallel_loop3A_482], %parallel_loop3A_485 {strides = array<i32>} : memref<128x128xf32, #tpu.memory_space<vmem>>, vector<1x16xf32>,
        %parallel_loop3A_486 = arith.index_cast %parallel_loop3A_441 : i32 to index
        %parallel_loop3A_487 = arith.constant 64 : index
        %parallel_loop3A_488 = tpu.vector_load %arg12[%parallel_loop3A_486, %parallel_loop3A_487] {strides = array<i32>} : memref<128x128xf32, #tpu.memory_space<vmem>>, vector<1x16xf32>,
        %parallel_loop3A_489 = vector.shape_cast %parallel_loop3A_488 : vector<1x16xf32> to vector<16xf32>
        %parallel_loop3A_490 = vector.broadcast %squeeze3A : f32 to vector<16xf32>
        %parallel_loop3A_491 = arith.mulf %parallel_loop3A_489, %parallel_loop3A_490 : vector<16xf32>
        %parallel_loop3A_492 = arith.index_cast %parallel_loop3A_441 : i32 to index
        %parallel_loop3A_493 = arith.constant 64 : index
        %parallel_loop3A_494 = tpu.vector_load %arg12[%parallel_loop3A_492, %parallel_loop3A_493] {strides = array<i32>} : memref<128x128xf32, #tpu.memory_space<vmem>>, vector<1x16xf32>,
        %parallel_loop3A_495 = vector.shape_cast %parallel_loop3A_494 : vector<1x16xf32> to vector<16xf32>
        %parallel_loop3A_496 = vector.shape_cast %parallel_loop3A_491 : vector<16xf32> to vector<1x16xf32>
        tpu.vector_store %arg12[%parallel_loop3A_492, %parallel_loop3A_493], %parallel_loop3A_496 {strides = array<i32>} : memref<128x128xf32, #tpu.memory_space<vmem>>, vector<1x16xf32>,
        %parallel_loop3A_497 = arith.index_cast %parallel_loop3A_441 : i32 to index
        %parallel_loop3A_498 = arith.constant 80 : index
        %parallel_loop3A_499 = tpu.vector_load %arg12[%parallel_loop3A_497, %parallel_loop3A_498] {strides = array<i32>} : memref<128x128xf32, #tpu.memory_space<vmem>>, vector<1x16xf32>,
        %parallel_loop3A_500 = vector.shape_cast %parallel_loop3A_499 : vector<1x16xf32> to vector<16xf32>
        %parallel_loop3A_501 = vector.broadcast %squeeze3A : f32 to vector<16xf32>
        %parallel_loop3A_502 = arith.mulf %parallel_loop3A_500, %parallel_loop3A_501 : vector<16xf32>
        %parallel_loop3A_503 = arith.index_cast %parallel_loop3A_441 : i32 to index
        %parallel_loop3A_504 = arith.constant 80 : index
        %parallel_loop3A_505 = tpu.vector_load %arg12[%parallel_loop3A_503, %parallel_loop3A_504] {strides = array<i32>} : memref<128x128xf32, #tpu.memory_space<vmem>>, vector<1x16xf32>,
        %parallel_loop3A_506 = vector.shape_cast %parallel_loop3A_505 : vector<1x16xf32> to vector<16xf32>
        %parallel_loop3A_507 = vector.shape_cast %parallel_loop3A_502 : vector<16xf32> to vector<1x16xf32>
        tpu.vector_store %arg12[%parallel_loop3A_503, %parallel_loop3A_504], %parallel_loop3A_507 {strides = array<i32>} : memref<128x128xf32, #tpu.memory_space<vmem>>, vector<1x16xf32>,
        %parallel_loop3A_508 = arith.index_cast %parallel_loop3A_441 : i32 to index
        %parallel_loop3A_509 = arith.constant 96 : index
        %parallel_loop3A_510 = tpu.vector_load %arg12[%parallel_loop3A_508, %parallel_loop3A_509] {strides = array<i32>} : memref<128x128xf32, #tpu.memory_space<vmem>>, vector<1x16xf32>,
        %parallel_loop3A_511 = vector.shape_cast %parallel_loop3A_510 : vector<1x16xf32> to vector<16xf32>
        %parallel_loop3A_512 = vector.broadcast %squeeze3A : f32 to vector<16xf32>
        %parallel_loop3A_513 = arith.mulf %parallel_loop3A_511, %parallel_loop3A_512 : vector<16xf32>
        %parallel_loop3A_514 = arith.index_cast %parallel_loop3A_441 : i32 to index
        %parallel_loop3A_515 = arith.constant 96 : index
        %parallel_loop3A_516 = tpu.vector_load %arg12[%parallel_loop3A_514, %parallel_loop3A_515] {strides = array<i32>} : memref<128x128xf32, #tpu.memory_space<vmem>>, vector<1x16xf32>,
        %parallel_loop3A_517 = vector.shape_cast %parallel_loop3A_516 : vector<1x16xf32> to vector<16xf32>
        %parallel_loop3A_518 = vector.shape_cast %parallel_loop3A_513 : vector<16xf32> to vector<1x16xf32>
        tpu.vector_store %arg12[%parallel_loop3A_514, %parallel_loop3A_515], %parallel_loop3A_518 {strides = array<i32>} : memref<128x128xf32, #tpu.memory_space<vmem>>, vector<1x16xf32>,
        %parallel_loop3A_519 = arith.index_cast %parallel_loop3A_441 : i32 to index
        %parallel_loop3A_520 = arith.constant 112 : index
        %parallel_loop3A_521 = tpu.vector_load %arg12[%parallel_loop3A_519, %parallel_loop3A_520] {strides = array<i32>} : memref<128x128xf32, #tpu.memory_space<vmem>>, vector<1x16xf32>,
        %parallel_loop3A_522 = vector.shape_cast %parallel_loop3A_521 : vector<1x16xf32> to vector<16xf32>
        %parallel_loop3A_523 = vector.broadcast %squeeze3A : f32 to vector<16xf32>
        %parallel_loop3A_524 = arith.mulf %parallel_loop3A_522, %parallel_loop3A_523 : vector<16xf32>
        %parallel_loop3A_525 = arith.index_cast %parallel_loop3A_441 : i32 to index
        %parallel_loop3A_526 = arith.constant 112 : index
        %parallel_loop3A_527 = tpu.vector_load %arg12[%parallel_loop3A_525, %parallel_loop3A_526] {strides = array<i32>} : memref<128x128xf32, #tpu.memory_space<vmem>>, vector<1x16xf32>,
        %parallel_loop3A_528 = vector.shape_cast %parallel_loop3A_527 : vector<1x16xf32> to vector<16xf32>
        %parallel_loop3A_529 = vector.shape_cast %parallel_loop3A_524 : vector<16xf32> to vector<1x16xf32>
        tpu.vector_store %arg12[%parallel_loop3A_525, %parallel_loop3A_526], %parallel_loop3A_529 {strides = array<i32>} : memref<128x128xf32, #tpu.memory_space<vmem>>, vector<1x16xf32>,
      } {sc.loop_unroll_factor = 2 : i64, sc.parallel_access}
      %mul3A_317 = arith.constant 128 : i32
      %mul3A_318 = arith.muli %add3A_290, %mul3A_317 : i32
      %add3A_319 = arith.addi %mul3A_4, %mul3A_318 : i32
      %dma_start3A_320 = arith.constant 0 : i32
      %dma_start3A_321 = tpu.memref_slice %arg5[%add3A_319, %dma_start3A_320] : memref<204800x128xf32, #tpu.memory_space<hbm>> -> memref<128x128xf32, #tpu.memory_space<hbm>>
      %dma_start3A_322 = arith.constant 0 : i32
      %dma_start3A_323 = tpu.memref_slice %arg5[%add3A_319, %dma_start3A_322] : memref<204800x128xf32, #tpu.memory_space<hbm>> -> memref<128x128xf32, #tpu.memory_space<hbm>>
      tpu.enqueue_dma source(%arg12 : memref<128x128xf32, #tpu.memory_space<vmem>>) target(%dma_start3A_323 : memref<128x128xf32, #tpu.memory_space<hbm>>) target_semaphore(%arg24 : memref<!tpu.dma_semaphore, #tpu.memory_space<semaphore_mem>>)
      %mul3A_324 = arith.constant 6 : i32
      %mul3A_325 = arith.muli %scan3A_207, %mul3A_324 : i32
      %add3A_326 = arith.constant 3 : i32
      %add3A_327 = arith.addi %add3A_326, %mul3A_325 : i32
      %add3A_328 = arith.constant 3 : i32
      %add3A_329 = arith.addi %add3A_327, %add3A_328 : i32
      %sub3A_330 = arith.constant 3 : i32
      %sub3A_331 = arith.subi %add3A_329, %sub3A_330 : i32
      %mul3A_332 = arith.constant 128 : i32
      %mul3A_333 = arith.muli %sub3A_331, %mul3A_332 : i32
      %add3A_334 = arith.addi %mul3A_4, %mul3A_333 : i32
      %dma_wait3A_335 = arith.constant 0 : i32
      %dma_wait3A_336 = tpu.memref_slice %arg5[%add3A_334, %dma_wait3A_335] : memref<204800x128xf32, #tpu.memory_space<hbm>> -> memref<128x128xf32, #tpu.memory_space<hbm>>
      %dma_wait3A_337 = arith.constant 0 : i32
      %dma_wait3A_338 = tpu.memref_slice %arg5[%add3A_334, %dma_wait3A_337] : memref<204800x128xf32, #tpu.memory_space<hbm>> -> memref<128x128xf32, #tpu.memory_space<hbm>>
      tpu.wait_dma2 semaphore(%arg22 : memref<!tpu.dma_semaphore, #tpu.memory_space<semaphore_mem>>) src(%arg10 : memref<128x128xf32, #tpu.memory_space<vmem>>) dst(%dma_wait3A_338 : memref<128x128xf32, #tpu.memory_space<hbm>>)
      %add3A_339 = arith.constant 3 : i32
      %add3A_340 = arith.addi %add3A_329, %add3A_339 : i32
      %mul3A_341 = arith.constant 128 : i32
      %mul3A_342 = arith.muli %add3A_340, %mul3A_341 : i32
      %dma_start3A_343 = tpu.memref_slice %arg6[%mul3A_342] : memref<6400xi32, #tpu.memory_space<vmem>> -> memref<128xi32, #tpu.memory_space<vmem>>
      %dma_start3A_344 = arith.constant 0 : i32
      %dma_start3A_345 = arith.constant 0 : i32
      %dma_start3A_346 = tpu.memref_slice %arg3[%dma_start3A_344, %dma_start3A_345] : memref<100000x128xf32, #tpu.memory_space<hbm>> -> memref<100000x128xf32, #tpu.memory_space<hbm>>
      tpu.enqueue_indirect_dma source(%dma_start3A_346 : memref<100000x128xf32, #tpu.memory_space<hbm>>) target(%arg10 : memref<128x128xf32, #tpu.memory_space<vmem>>) offsets(%dma_start3A_343 : memref<128xi32, #tpu.memory_space<vmem>>) semaphore(%arg16 : memref<!tpu.dma_semaphore, #tpu.memory_space<semaphore_mem>>)
      %mul3A_347 = arith.constant 128 : i32
      %mul3A_348 = arith.muli %add3A_329, %mul3A_347 : i32
      %dma_wait3A_349 = tpu.memref_slice %arg6[%mul3A_348] : memref<6400xi32, #tpu.memory_space<vmem>> -> memref<128xi32, #tpu.memory_space<vmem>>
      %dma_wait3A_350 = arith.constant 0 : i32
      %dma_wait3A_351 = arith.constant 0 : i32
      %dma_wait3A_352 = tpu.memref_slice %arg3[%dma_wait3A_350, %dma_wait3A_351] : memref<100000x128xf32, #tpu.memory_space<hbm>> -> memref<100000x128xf32, #tpu.memory_space<hbm>>
      tpu.wait_indirect_dma semaphore(%arg13 : memref<!tpu.dma_semaphore, #tpu.memory_space<semaphore_mem>>) src(%dma_wait3A_352 : memref<100000x128xf32, #tpu.memory_space<hbm>>) dst(%arg7 : memref<128x128xf32, #tpu.memory_space<vmem>>)
      %parallel_loop3A_353 = arith.constant 0 : i32
      %parallel_loop3A_354 = arith.constant 128 : i32
      %parallel_loop3A_355 = arith.constant 1 : i32
      scf.for %parallel_loop3A_441 = %parallel_loop3A_353 to %parallel_loop3A_354 step %parallel_loop3A_355  : i32 {
        %parallel_loop3A_442 = arith.index_cast %parallel_loop3A_441 : i32 to index
        %parallel_loop3A_443 = arith.constant 0 : index
        %parallel_loop3A_444 = tpu.vector_load %arg7[%parallel_loop3A_442, %parallel_loop3A_443] {strides = array<i32>} : memref<128x128xf32, #tpu.memory_space<vmem>>, vector<1x16xf32>,
        %parallel_loop3A_445 = vector.shape_cast %parallel_loop3A_444 : vector<1x16xf32> to vector<16xf32>
        %parallel_loop3A_446 = vector.broadcast %squeeze3A : f32 to vector<16xf32>
        %parallel_loop3A_447 = arith.mulf %parallel_loop3A_445, %parallel_loop3A_446 : vector<16xf32>
        %parallel_loop3A_448 = arith.index_cast %parallel_loop3A_441 : i32 to index
        %parallel_loop3A_449 = arith.constant 0 : index
        %parallel_loop3A_450 = tpu.vector_load %arg7[%parallel_loop3A_448, %parallel_loop3A_449] {strides = array<i32>} : memref<128x128xf32, #tpu.memory_space<vmem>>, vector<1x16xf32>,
        %parallel_loop3A_451 = vector.shape_cast %parallel_loop3A_450 : vector<1x16xf32> to vector<16xf32>
        %parallel_loop3A_452 = vector.shape_cast %parallel_loop3A_447 : vector<16xf32> to vector<1x16xf32>
        tpu.vector_store %arg7[%parallel_loop3A_448, %parallel_loop3A_449], %parallel_loop3A_452 {strides = array<i32>} : memref<128x128xf32, #tpu.memory_space<vmem>>, vector<1x16xf32>,
        %parallel_loop3A_453 = arith.index_cast %parallel_loop3A_441 : i32 to index
        %parallel_loop3A_454 = arith.constant 16 : index
        %parallel_loop3A_455 = tpu.vector_load %arg7[%parallel_loop3A_453, %parallel_loop3A_454] {strides = array<i32>} : memref<128x128xf32, #tpu.memory_space<vmem>>, vector<1x16xf32>,
        %parallel_loop3A_456 = vector.shape_cast %parallel_loop3A_455 : vector<1x16xf32> to vector<16xf32>
        %parallel_loop3A_457 = vector.broadcast %squeeze3A : f32 to vector<16xf32>
        %parallel_loop3A_458 = arith.mulf %parallel_loop3A_456, %parallel_loop3A_457 : vector<16xf32>
        %parallel_loop3A_459 = arith.index_cast %parallel_loop3A_441 : i32 to index
        %parallel_loop3A_460 = arith.constant 16 : index
        %parallel_loop3A_461 = tpu.vector_load %arg7[%parallel_loop3A_459, %parallel_loop3A_460] {strides = array<i32>} : memref<128x128xf32, #tpu.memory_space<vmem>>, vector<1x16xf32>,
        %parallel_loop3A_462 = vector.shape_cast %parallel_loop3A_461 : vector<1x16xf32> to vector<16xf32>
        %parallel_loop3A_463 = vector.shape_cast %parallel_loop3A_458 : vector<16xf32> to vector<1x16xf32>
        tpu.vector_store %arg7[%parallel_loop3A_459, %parallel_loop3A_460], %parallel_loop3A_463 {strides = array<i32>} : memref<128x128xf32, #tpu.memory_space<vmem>>, vector<1x16xf32>,
        %parallel_loop3A_464 = arith.index_cast %parallel_loop3A_441 : i32 to index
        %parallel_loop3A_465 = arith.constant 32 : index
        %parallel_loop3A_466 = tpu.vector_load %arg7[%parallel_loop3A_464, %parallel_loop3A_465] {strides = array<i32>} : memref<128x128xf32, #tpu.memory_space<vmem>>, vector<1x16xf32>,
        %parallel_loop3A_467 = vector.shape_cast %parallel_loop3A_466 : vector<1x16xf32> to vector<16xf32>
        %parallel_loop3A_468 = vector.broadcast %squeeze3A : f32 to vector<16xf32>
        %parallel_loop3A_469 = arith.mulf %parallel_loop3A_467, %parallel_loop3A_468 : vector<16xf32>
        %parallel_loop3A_470 = arith.index_cast %parallel_loop3A_441 : i32 to index
        %parallel_loop3A_471 = arith.constant 32 : index
        %parallel_loop3A_472 = tpu.vector_load %arg7[%parallel_loop3A_470, %parallel_loop3A_471] {strides = array<i32>} : memref<128x128xf32, #tpu.memory_space<vmem>>, vector<1x16xf32>,
        %parallel_loop3A_473 = vector.shape_cast %parallel_loop3A_472 : vector<1x16xf32> to vector<16xf32>
        %parallel_loop3A_474 = vector.shape_cast %parallel_loop3A_469 : vector<16xf32> to vector<1x16xf32>
        tpu.vector_store %arg7[%parallel_loop3A_470, %parallel_loop3A_471], %parallel_loop3A_474 {strides = array<i32>} : memref<128x128xf32, #tpu.memory_space<vmem>>, vector<1x16xf32>,
        %parallel_loop3A_475 = arith.index_cast %parallel_loop3A_441 : i32 to index
        %parallel_loop3A_476 = arith.constant 48 : index
        %parallel_loop3A_477 = tpu.vector_load %arg7[%parallel_loop3A_475, %parallel_loop3A_476] {strides = array<i32>} : memref<128x128xf32, #tpu.memory_space<vmem>>, vector<1x16xf32>,
        %parallel_loop3A_478 = vector.shape_cast %parallel_loop3A_477 : vector<1x16xf32> to vector<16xf32>
        %parallel_loop3A_479 = vector.broadcast %squeeze3A : f32 to vector<16xf32>
        %parallel_loop3A_480 = arith.mulf %parallel_loop3A_478, %parallel_loop3A_479 : vector<16xf32>
        %parallel_loop3A_481 = arith.index_cast %parallel_loop3A_441 : i32 to index
        %parallel_loop3A_482 = arith.constant 48 : index
        %parallel_loop3A_483 = tpu.vector_load %arg7[%parallel_loop3A_481, %parallel_loop3A_482] {strides = array<i32>} : memref<128x128xf32, #tpu.memory_space<vmem>>, vector<1x16xf32>,
        %parallel_loop3A_484 = vector.shape_cast %parallel_loop3A_483 : vector<1x16xf32> to vector<16xf32>
        %parallel_loop3A_485 = vector.shape_cast %parallel_loop3A_480 : vector<16xf32> to vector<1x16xf32>
        tpu.vector_store %arg7[%parallel_loop3A_481, %parallel_loop3A_482], %parallel_loop3A_485 {strides = array<i32>} : memref<128x128xf32, #tpu.memory_space<vmem>>, vector<1x16xf32>,
        %parallel_loop3A_486 = arith.index_cast %parallel_loop3A_441 : i32 to index
        %parallel_loop3A_487 = arith.constant 64 : index
        %parallel_loop3A_488 = tpu.vector_load %arg7[%parallel_loop3A_486, %parallel_loop3A_487] {strides = array<i32>} : memref<128x128xf32, #tpu.memory_space<vmem>>, vector<1x16xf32>,
        %parallel_loop3A_489 = vector.shape_cast %parallel_loop3A_488 : vector<1x16xf32> to vector<16xf32>
        %parallel_loop3A_490 = vector.broadcast %squeeze3A : f32 to vector<16xf32>
        %parallel_loop3A_491 = arith.mulf %parallel_loop3A_489, %parallel_loop3A_490 : vector<16xf32>
        %parallel_loop3A_492 = arith.index_cast %parallel_loop3A_441 : i32 to index
        %parallel_loop3A_493 = arith.constant 64 : index
        %parallel_loop3A_494 = tpu.vector_load %arg7[%parallel_loop3A_492, %parallel_loop3A_493] {strides = array<i32>} : memref<128x128xf32, #tpu.memory_space<vmem>>, vector<1x16xf32>,
        %parallel_loop3A_495 = vector.shape_cast %parallel_loop3A_494 : vector<1x16xf32> to vector<16xf32>
        %parallel_loop3A_496 = vector.shape_cast %parallel_loop3A_491 : vector<16xf32> to vector<1x16xf32>
        tpu.vector_store %arg7[%parallel_loop3A_492, %parallel_loop3A_493], %parallel_loop3A_496 {strides = array<i32>} : memref<128x128xf32, #tpu.memory_space<vmem>>, vector<1x16xf32>,
        %parallel_loop3A_497 = arith.index_cast %parallel_loop3A_441 : i32 to index
        %parallel_loop3A_498 = arith.constant 80 : index
        %parallel_loop3A_499 = tpu.vector_load %arg7[%parallel_loop3A_497, %parallel_loop3A_498] {strides = array<i32>} : memref<128x128xf32, #tpu.memory_space<vmem>>, vector<1x16xf32>,
        %parallel_loop3A_500 = vector.shape_cast %parallel_loop3A_499 : vector<1x16xf32> to vector<16xf32>
        %parallel_loop3A_501 = vector.broadcast %squeeze3A : f32 to vector<16xf32>
        %parallel_loop3A_502 = arith.mulf %parallel_loop3A_500, %parallel_loop3A_501 : vector<16xf32>
        %parallel_loop3A_503 = arith.index_cast %parallel_loop3A_441 : i32 to index
        %parallel_loop3A_504 = arith.constant 80 : index
        %parallel_loop3A_505 = tpu.vector_load %arg7[%parallel_loop3A_503, %parallel_loop3A_504] {strides = array<i32>} : memref<128x128xf32, #tpu.memory_space<vmem>>, vector<1x16xf32>,
        %parallel_loop3A_506 = vector.shape_cast %parallel_loop3A_505 : vector<1x16xf32> to vector<16xf32>
        %parallel_loop3A_507 = vector.shape_cast %parallel_loop3A_502 : vector<16xf32> to vector<1x16xf32>
        tpu.vector_store %arg7[%parallel_loop3A_503, %parallel_loop3A_504], %parallel_loop3A_507 {strides = array<i32>} : memref<128x128xf32, #tpu.memory_space<vmem>>, vector<1x16xf32>,
        %parallel_loop3A_508 = arith.index_cast %parallel_loop3A_441 : i32 to index
        %parallel_loop3A_509 = arith.constant 96 : index
        %parallel_loop3A_510 = tpu.vector_load %arg7[%parallel_loop3A_508, %parallel_loop3A_509] {strides = array<i32>} : memref<128x128xf32, #tpu.memory_space<vmem>>, vector<1x16xf32>,
        %parallel_loop3A_511 = vector.shape_cast %parallel_loop3A_510 : vector<1x16xf32> to vector<16xf32>
        %parallel_loop3A_512 = vector.broadcast %squeeze3A : f32 to vector<16xf32>
        %parallel_loop3A_513 = arith.mulf %parallel_loop3A_511, %parallel_loop3A_512 : vector<16xf32>
        %parallel_loop3A_514 = arith.index_cast %parallel_loop3A_441 : i32 to index
        %parallel_loop3A_515 = arith.constant 96 : index
        %parallel_loop3A_516 = tpu.vector_load %arg7[%parallel_loop3A_514, %parallel_loop3A_515] {strides = array<i32>} : memref<128x128xf32, #tpu.memory_space<vmem>>, vector<1x16xf32>,
        %parallel_loop3A_517 = vector.shape_cast %parallel_loop3A_516 : vector<1x16xf32> to vector<16xf32>
        %parallel_loop3A_518 = vector.shape_cast %parallel_loop3A_513 : vector<16xf32> to vector<1x16xf32>
        tpu.vector_store %arg7[%parallel_loop3A_514, %parallel_loop3A_515], %parallel_loop3A_518 {strides = array<i32>} : memref<128x128xf32, #tpu.memory_space<vmem>>, vector<1x16xf32>,
        %parallel_loop3A_519 = arith.index_cast %parallel_loop3A_441 : i32 to index
        %parallel_loop3A_520 = arith.constant 112 : index
        %parallel_loop3A_521 = tpu.vector_load %arg7[%parallel_loop3A_519, %parallel_loop3A_520] {strides = array<i32>} : memref<128x128xf32, #tpu.memory_space<vmem>>, vector<1x16xf32>,
        %parallel_loop3A_522 = vector.shape_cast %parallel_loop3A_521 : vector<1x16xf32> to vector<16xf32>
        %parallel_loop3A_523 = vector.broadcast %squeeze3A : f32 to vector<16xf32>
        %parallel_loop3A_524 = arith.mulf %parallel_loop3A_522, %parallel_loop3A_523 : vector<16xf32>
        %parallel_loop3A_525 = arith.index_cast %parallel_loop3A_441 : i32 to index
        %parallel_loop3A_526 = arith.constant 112 : index
        %parallel_loop3A_527 = tpu.vector_load %arg7[%parallel_loop3A_525, %parallel_loop3A_526] {strides = array<i32>} : memref<128x128xf32, #tpu.memory_space<vmem>>, vector<1x16xf32>,
        %parallel_loop3A_528 = vector.shape_cast %parallel_loop3A_527 : vector<1x16xf32> to vector<16xf32>
        %parallel_loop3A_529 = vector.shape_cast %parallel_loop3A_524 : vector<16xf32> to vector<1x16xf32>
        tpu.vector_store %arg7[%parallel_loop3A_525, %parallel_loop3A_526], %parallel_loop3A_529 {strides = array<i32>} : memref<128x128xf32, #tpu.memory_space<vmem>>, vector<1x16xf32>,
      } {sc.loop_unroll_factor = 2 : i64, sc.parallel_access}
      %mul3A_356 = arith.constant 128 : i32
      %mul3A_357 = arith.muli %add3A_329, %mul3A_356 : i32
      %add3A_358 = arith.addi %mul3A_4, %mul3A_357 : i32
      %dma_start3A_359 = arith.constant 0 : i32
      %dma_start3A_360 = tpu.memref_slice %arg5[%add3A_358, %dma_start3A_359] : memref<204800x128xf32, #tpu.memory_space<hbm>> -> memref<128x128xf32, #tpu.memory_space<hbm>>
      %dma_start3A_361 = arith.constant 0 : i32
      %dma_start3A_362 = tpu.memref_slice %arg5[%add3A_358, %dma_start3A_361] : memref<204800x128xf32, #tpu.memory_space<hbm>> -> memref<128x128xf32, #tpu.memory_space<hbm>>
      tpu.enqueue_dma source(%arg7 : memref<128x128xf32, #tpu.memory_space<vmem>>) target(%dma_start3A_362 : memref<128x128xf32, #tpu.memory_space<hbm>>) target_semaphore(%arg19 : memref<!tpu.dma_semaphore, #tpu.memory_space<semaphore_mem>>)
      %mul3A_363 = arith.constant 6 : i32
      %mul3A_364 = arith.muli %scan3A_207, %mul3A_363 : i32
      %add3A_365 = arith.constant 3 : i32
      %add3A_366 = arith.addi %add3A_365, %mul3A_364 : i32
      %add3A_367 = arith.constant 4 : i32
      %add3A_368 = arith.addi %add3A_366, %add3A_367 : i32
      %sub3A_369 = arith.constant 3 : i32
      %sub3A_370 = arith.subi %add3A_368, %sub3A_369 : i32
      %mul3A_371 = arith.constant 128 : i32
      %mul3A_372 = arith.muli %sub3A_370, %mul3A_371 : i32
      %add3A_373 = arith.addi %mul3A_4, %mul3A_372 : i32
      %dma_wait3A_374 = arith.constant 0 : i32
      %dma_wait3A_375 = tpu.memref_slice %arg5[%add3A_373, %dma_wait3A_374] : memref<204800x128xf32, #tpu.memory_space<hbm>> -> memref<128x128xf32, #tpu.memory_space<hbm>>
      %dma_wait3A_376 = arith.constant 0 : i32
      %dma_wait3A_377 = tpu.memref_slice %arg5[%add3A_373, %dma_wait3A_376] : memref<204800x128xf32, #tpu.memory_space<hbm>> -> memref<128x128xf32, #tpu.memory_space<hbm>>
      tpu.wait_dma2 semaphore(%arg23 : memref<!tpu.dma_semaphore, #tpu.memory_space<semaphore_mem>>) src(%arg11 : memref<128x128xf32, #tpu.memory_space<vmem>>) dst(%dma_wait3A_377 : memref<128x128xf32, #tpu.memory_space<hbm>>)
      %add3A_378 = arith.constant 3 : i32
      %add3A_379 = arith.addi %add3A_368, %add3A_378 : i32
      %mul3A_380 = arith.constant 128 : i32
      %mul3A_381 = arith.muli %add3A_379, %mul3A_380 : i32
      %dma_start3A_382 = tpu.memref_slice %arg6[%mul3A_381] : memref<6400xi32, #tpu.memory_space<vmem>> -> memref<128xi32, #tpu.memory_space<vmem>>
      %dma_start3A_383 = arith.constant 0 : i32
      %dma_start3A_384 = arith.constant 0 : i32
      %dma_start3A_385 = tpu.memref_slice %arg3[%dma_start3A_383, %dma_start3A_384] : memref<100000x128xf32, #tpu.memory_space<hbm>> -> memref<100000x128xf32, #tpu.memory_space<hbm>>
      tpu.enqueue_indirect_dma source(%dma_start3A_385 : memref<100000x128xf32, #tpu.memory_space<hbm>>) target(%arg11 : memref<128x128xf32, #tpu.memory_space<vmem>>) offsets(%dma_start3A_382 : memref<128xi32, #tpu.memory_space<vmem>>) semaphore(%arg17 : memref<!tpu.dma_semaphore, #tpu.memory_space<semaphore_mem>>)
      %mul3A_386 = arith.constant 128 : i32
      %mul3A_387 = arith.muli %add3A_368, %mul3A_386 : i32
      %dma_wait3A_388 = tpu.memref_slice %arg6[%mul3A_387] : memref<6400xi32, #tpu.memory_space<vmem>> -> memref<128xi32, #tpu.memory_space<vmem>>
      %dma_wait3A_389 = arith.constant 0 : i32
      %dma_wait3A_390 = arith.constant 0 : i32
      %dma_wait3A_391 = tpu.memref_slice %arg3[%dma_wait3A_389, %dma_wait3A_390] : memref<100000x128xf32, #tpu.memory_space<hbm>> -> memref<100000x128xf32, #tpu.memory_space<hbm>>
      tpu.wait_indirect_dma semaphore(%arg14 : memref<!tpu.dma_semaphore, #tpu.memory_space<semaphore_mem>>) src(%dma_wait3A_391 : memref<100000x128xf32, #tpu.memory_space<hbm>>) dst(%arg8 : memref<128x128xf32, #tpu.memory_space<vmem>>)
      %parallel_loop3A_392 = arith.constant 0 : i32
      %parallel_loop3A_393 = arith.constant 128 : i32
      %parallel_loop3A_394 = arith.constant 1 : i32
      scf.for %parallel_loop3A_441 = %parallel_loop3A_392 to %parallel_loop3A_393 step %parallel_loop3A_394  : i32 {
        %parallel_loop3A_442 = arith.index_cast %parallel_loop3A_441 : i32 to index
        %parallel_loop3A_443 = arith.constant 0 : index
        %parallel_loop3A_444 = tpu.vector_load %arg8[%parallel_loop3A_442, %parallel_loop3A_443] {strides = array<i32>} : memref<128x128xf32, #tpu.memory_space<vmem>>, vector<1x16xf32>,
        %parallel_loop3A_445 = vector.shape_cast %parallel_loop3A_444 : vector<1x16xf32> to vector<16xf32>
        %parallel_loop3A_446 = vector.broadcast %squeeze3A : f32 to vector<16xf32>
        %parallel_loop3A_447 = arith.mulf %parallel_loop3A_445, %parallel_loop3A_446 : vector<16xf32>
        %parallel_loop3A_448 = arith.index_cast %parallel_loop3A_441 : i32 to index
        %parallel_loop3A_449 = arith.constant 0 : index
        %parallel_loop3A_450 = tpu.vector_load %arg8[%parallel_loop3A_448, %parallel_loop3A_449] {strides = array<i32>} : memref<128x128xf32, #tpu.memory_space<vmem>>, vector<1x16xf32>,
        %parallel_loop3A_451 = vector.shape_cast %parallel_loop3A_450 : vector<1x16xf32> to vector<16xf32>
        %parallel_loop3A_452 = vector.shape_cast %parallel_loop3A_447 : vector<16xf32> to vector<1x16xf32>
        tpu.vector_store %arg8[%parallel_loop3A_448, %parallel_loop3A_449], %parallel_loop3A_452 {strides = array<i32>} : memref<128x128xf32, #tpu.memory_space<vmem>>, vector<1x16xf32>,
        %parallel_loop3A_453 = arith.index_cast %parallel_loop3A_441 : i32 to index
        %parallel_loop3A_454 = arith.constant 16 : index
        %parallel_loop3A_455 = tpu.vector_load %arg8[%parallel_loop3A_453, %parallel_loop3A_454] {strides = array<i32>} : memref<128x128xf32, #tpu.memory_space<vmem>>, vector<1x16xf32>,
        %parallel_loop3A_456 = vector.shape_cast %parallel_loop3A_455 : vector<1x16xf32> to vector<16xf32>
        %parallel_loop3A_457 = vector.broadcast %squeeze3A : f32 to vector<16xf32>
        %parallel_loop3A_458 = arith.mulf %parallel_loop3A_456, %parallel_loop3A_457 : vector<16xf32>
        %parallel_loop3A_459 = arith.index_cast %parallel_loop3A_441 : i32 to index
        %parallel_loop3A_460 = arith.constant 16 : index
        %parallel_loop3A_461 = tpu.vector_load %arg8[%parallel_loop3A_459, %parallel_loop3A_460] {strides = array<i32>} : memref<128x128xf32, #tpu.memory_space<vmem>>, vector<1x16xf32>,
        %parallel_loop3A_462 = vector.shape_cast %parallel_loop3A_461 : vector<1x16xf32> to vector<16xf32>
        %parallel_loop3A_463 = vector.shape_cast %parallel_loop3A_458 : vector<16xf32> to vector<1x16xf32>
        tpu.vector_store %arg8[%parallel_loop3A_459, %parallel_loop3A_460], %parallel_loop3A_463 {strides = array<i32>} : memref<128x128xf32, #tpu.memory_space<vmem>>, vector<1x16xf32>,
        %parallel_loop3A_464 = arith.index_cast %parallel_loop3A_441 : i32 to index
        %parallel_loop3A_465 = arith.constant 32 : index
        %parallel_loop3A_466 = tpu.vector_load %arg8[%parallel_loop3A_464, %parallel_loop3A_465] {strides = array<i32>} : memref<128x128xf32, #tpu.memory_space<vmem>>, vector<1x16xf32>,
        %parallel_loop3A_467 = vector.shape_cast %parallel_loop3A_466 : vector<1x16xf32> to vector<16xf32>
        %parallel_loop3A_468 = vector.broadcast %squeeze3A : f32 to vector<16xf32>
        %parallel_loop3A_469 = arith.mulf %parallel_loop3A_467, %parallel_loop3A_468 : vector<16xf32>
        %parallel_loop3A_470 = arith.index_cast %parallel_loop3A_441 : i32 to index
        %parallel_loop3A_471 = arith.constant 32 : index
        %parallel_loop3A_472 = tpu.vector_load %arg8[%parallel_loop3A_470, %parallel_loop3A_471] {strides = array<i32>} : memref<128x128xf32, #tpu.memory_space<vmem>>, vector<1x16xf32>,
        %parallel_loop3A_473 = vector.shape_cast %parallel_loop3A_472 : vector<1x16xf32> to vector<16xf32>
        %parallel_loop3A_474 = vector.shape_cast %parallel_loop3A_469 : vector<16xf32> to vector<1x16xf32>
        tpu.vector_store %arg8[%parallel_loop3A_470, %parallel_loop3A_471], %parallel_loop3A_474 {strides = array<i32>} : memref<128x128xf32, #tpu.memory_space<vmem>>, vector<1x16xf32>,
        %parallel_loop3A_475 = arith.index_cast %parallel_loop3A_441 : i32 to index
        %parallel_loop3A_476 = arith.constant 48 : index
        %parallel_loop3A_477 = tpu.vector_load %arg8[%parallel_loop3A_475, %parallel_loop3A_476] {strides = array<i32>} : memref<128x128xf32, #tpu.memory_space<vmem>>, vector<1x16xf32>,
        %parallel_loop3A_478 = vector.shape_cast %parallel_loop3A_477 : vector<1x16xf32> to vector<16xf32>
        %parallel_loop3A_479 = vector.broadcast %squeeze3A : f32 to vector<16xf32>
        %parallel_loop3A_480 = arith.mulf %parallel_loop3A_478, %parallel_loop3A_479 : vector<16xf32>
        %parallel_loop3A_481 = arith.index_cast %parallel_loop3A_441 : i32 to index
        %parallel_loop3A_482 = arith.constant 48 : index
        %parallel_loop3A_483 = tpu.vector_load %arg8[%parallel_loop3A_481, %parallel_loop3A_482] {strides = array<i32>} : memref<128x128xf32, #tpu.memory_space<vmem>>, vector<1x16xf32>,
        %parallel_loop3A_484 = vector.shape_cast %parallel_loop3A_483 : vector<1x16xf32> to vector<16xf32>
        %parallel_loop3A_485 = vector.shape_cast %parallel_loop3A_480 : vector<16xf32> to vector<1x16xf32>
        tpu.vector_store %arg8[%parallel_loop3A_481, %parallel_loop3A_482], %parallel_loop3A_485 {strides = array<i32>} : memref<128x128xf32, #tpu.memory_space<vmem>>, vector<1x16xf32>,
        %parallel_loop3A_486 = arith.index_cast %parallel_loop3A_441 : i32 to index
        %parallel_loop3A_487 = arith.constant 64 : index
        %parallel_loop3A_488 = tpu.vector_load %arg8[%parallel_loop3A_486, %parallel_loop3A_487] {strides = array<i32>} : memref<128x128xf32, #tpu.memory_space<vmem>>, vector<1x16xf32>,
        %parallel_loop3A_489 = vector.shape_cast %parallel_loop3A_488 : vector<1x16xf32> to vector<16xf32>
        %parallel_loop3A_490 = vector.broadcast %squeeze3A : f32 to vector<16xf32>
        %parallel_loop3A_491 = arith.mulf %parallel_loop3A_489, %parallel_loop3A_490 : vector<16xf32>
        %parallel_loop3A_492 = arith.index_cast %parallel_loop3A_441 : i32 to index
        %parallel_loop3A_493 = arith.constant 64 : index
        %parallel_loop3A_494 = tpu.vector_load %arg8[%parallel_loop3A_492, %parallel_loop3A_493] {strides = array<i32>} : memref<128x128xf32, #tpu.memory_space<vmem>>, vector<1x16xf32>,
        %parallel_loop3A_495 = vector.shape_cast %parallel_loop3A_494 : vector<1x16xf32> to vector<16xf32>
        %parallel_loop3A_496 = vector.shape_cast %parallel_loop3A_491 : vector<16xf32> to vector<1x16xf32>
        tpu.vector_store %arg8[%parallel_loop3A_492, %parallel_loop3A_493], %parallel_loop3A_496 {strides = array<i32>} : memref<128x128xf32, #tpu.memory_space<vmem>>, vector<1x16xf32>,
        %parallel_loop3A_497 = arith.index_cast %parallel_loop3A_441 : i32 to index
        %parallel_loop3A_498 = arith.constant 80 : index
        %parallel_loop3A_499 = tpu.vector_load %arg8[%parallel_loop3A_497, %parallel_loop3A_498] {strides = array<i32>} : memref<128x128xf32, #tpu.memory_space<vmem>>, vector<1x16xf32>,
        %parallel_loop3A_500 = vector.shape_cast %parallel_loop3A_499 : vector<1x16xf32> to vector<16xf32>
        %parallel_loop3A_501 = vector.broadcast %squeeze3A : f32 to vector<16xf32>
        %parallel_loop3A_502 = arith.mulf %parallel_loop3A_500, %parallel_loop3A_501 : vector<16xf32>
        %parallel_loop3A_503 = arith.index_cast %parallel_loop3A_441 : i32 to index
        %parallel_loop3A_504 = arith.constant 80 : index
        %parallel_loop3A_505 = tpu.vector_load %arg8[%parallel_loop3A_503, %parallel_loop3A_504] {strides = array<i32>} : memref<128x128xf32, #tpu.memory_space<vmem>>, vector<1x16xf32>,
        %parallel_loop3A_506 = vector.shape_cast %parallel_loop3A_505 : vector<1x16xf32> to vector<16xf32>
        %parallel_loop3A_507 = vector.shape_cast %parallel_loop3A_502 : vector<16xf32> to vector<1x16xf32>
        tpu.vector_store %arg8[%parallel_loop3A_503, %parallel_loop3A_504], %parallel_loop3A_507 {strides = array<i32>} : memref<128x128xf32, #tpu.memory_space<vmem>>, vector<1x16xf32>,
        %parallel_loop3A_508 = arith.index_cast %parallel_loop3A_441 : i32 to index
        %parallel_loop3A_509 = arith.constant 96 : index
        %parallel_loop3A_510 = tpu.vector_load %arg8[%parallel_loop3A_508, %parallel_loop3A_509] {strides = array<i32>} : memref<128x128xf32, #tpu.memory_space<vmem>>, vector<1x16xf32>,
        %parallel_loop3A_511 = vector.shape_cast %parallel_loop3A_510 : vector<1x16xf32> to vector<16xf32>
        %parallel_loop3A_512 = vector.broadcast %squeeze3A : f32 to vector<16xf32>
        %parallel_loop3A_513 = arith.mulf %parallel_loop3A_511, %parallel_loop3A_512 : vector<16xf32>
        %parallel_loop3A_514 = arith.index_cast %parallel_loop3A_441 : i32 to index
        %parallel_loop3A_515 = arith.constant 96 : index
        %parallel_loop3A_516 = tpu.vector_load %arg8[%parallel_loop3A_514, %parallel_loop3A_515] {strides = array<i32>} : memref<128x128xf32, #tpu.memory_space<vmem>>, vector<1x16xf32>,
        %parallel_loop3A_517 = vector.shape_cast %parallel_loop3A_516 : vector<1x16xf32> to vector<16xf32>
        %parallel_loop3A_518 = vector.shape_cast %parallel_loop3A_513 : vector<16xf32> to vector<1x16xf32>
        tpu.vector_store %arg8[%parallel_loop3A_514, %parallel_loop3A_515], %parallel_loop3A_518 {strides = array<i32>} : memref<128x128xf32, #tpu.memory_space<vmem>>, vector<1x16xf32>,
        %parallel_loop3A_519 = arith.index_cast %parallel_loop3A_441 : i32 to index
        %parallel_loop3A_520 = arith.constant 112 : index
        %parallel_loop3A_521 = tpu.vector_load %arg8[%parallel_loop3A_519, %parallel_loop3A_520] {strides = array<i32>} : memref<128x128xf32, #tpu.memory_space<vmem>>, vector<1x16xf32>,
        %parallel_loop3A_522 = vector.shape_cast %parallel_loop3A_521 : vector<1x16xf32> to vector<16xf32>
        %parallel_loop3A_523 = vector.broadcast %squeeze3A : f32 to vector<16xf32>
        %parallel_loop3A_524 = arith.mulf %parallel_loop3A_522, %parallel_loop3A_523 : vector<16xf32>
        %parallel_loop3A_525 = arith.index_cast %parallel_loop3A_441 : i32 to index
        %parallel_loop3A_526 = arith.constant 112 : index
        %parallel_loop3A_527 = tpu.vector_load %arg8[%parallel_loop3A_525, %parallel_loop3A_526] {strides = array<i32>} : memref<128x128xf32, #tpu.memory_space<vmem>>, vector<1x16xf32>,
        %parallel_loop3A_528 = vector.shape_cast %parallel_loop3A_527 : vector<1x16xf32> to vector<16xf32>
        %parallel_loop3A_529 = vector.shape_cast %parallel_loop3A_524 : vector<16xf32> to vector<1x16xf32>
        tpu.vector_store %arg8[%parallel_loop3A_525, %parallel_loop3A_526], %parallel_loop3A_529 {strides = array<i32>} : memref<128x128xf32, #tpu.memory_space<vmem>>, vector<1x16xf32>,
      } {sc.loop_unroll_factor = 2 : i64, sc.parallel_access}
      %mul3A_395 = arith.constant 128 : i32
      %mul3A_396 = arith.muli %add3A_368, %mul3A_395 : i32
      %add3A_397 = arith.addi %mul3A_4, %mul3A_396 : i32
      %dma_start3A_398 = arith.constant 0 : i32
      %dma_start3A_399 = tpu.memref_slice %arg5[%add3A_397, %dma_start3A_398] : memref<204800x128xf32, #tpu.memory_space<hbm>> -> memref<128x128xf32, #tpu.memory_space<hbm>>
      %dma_start3A_400 = arith.constant 0 : i32
      %dma_start3A_401 = tpu.memref_slice %arg5[%add3A_397, %dma_start3A_400] : memref<204800x128xf32, #tpu.memory_space<hbm>> -> memref<128x128xf32, #tpu.memory_space<hbm>>
      tpu.enqueue_dma source(%arg8 : memref<128x128xf32, #tpu.memory_space<vmem>>) target(%dma_start3A_401 : memref<128x128xf32, #tpu.memory_space<hbm>>) target_semaphore(%arg20 : memref<!tpu.dma_semaphore, #tpu.memory_space<semaphore_mem>>)
      %mul3A_402 = arith.constant 6 : i32
      %mul3A_403 = arith.muli %scan3A_207, %mul3A_402 : i32
      %add3A_404 = arith.constant 3 : i32
      %add3A_405 = arith.addi %add3A_404, %mul3A_403 : i32
      %add3A_406 = arith.constant 5 : i32
      %add3A_407 = arith.addi %add3A_405, %add3A_406 : i32
      %sub3A_408 = arith.constant 3 : i32
      %sub3A_409 = arith.subi %add3A_407, %sub3A_408 : i32
      %mul3A_410 = arith.constant 128 : i32
      %mul3A_411 = arith.muli %sub3A_409, %mul3A_410 : i32
      %add3A_412 = arith.addi %mul3A_4, %mul3A_411 : i32
      %dma_wait3A_413 = arith.constant 0 : i32
      %dma_wait3A_414 = tpu.memref_slice %arg5[%add3A_412, %dma_wait3A_413] : memref<204800x128xf32, #tpu.memory_space<hbm>> -> memref<128x128xf32, #tpu.memory_space<hbm>>
      %dma_wait3A_415 = arith.constant 0 : i32
      %dma_wait3A_416 = tpu.memref_slice %arg5[%add3A_412, %dma_wait3A_415] : memref<204800x128xf32, #tpu.memory_space<hbm>> -> memref<128x128xf32, #tpu.memory_space<hbm>>
      tpu.wait_dma2 semaphore(%arg24 : memref<!tpu.dma_semaphore, #tpu.memory_space<semaphore_mem>>) src(%arg12 : memref<128x128xf32, #tpu.memory_space<vmem>>) dst(%dma_wait3A_416 : memref<128x128xf32, #tpu.memory_space<hbm>>)
      %add3A_417 = arith.constant 3 : i32
      %add3A_418 = arith.addi %add3A_407, %add3A_417 : i32
      %mul3A_419 = arith.constant 128 : i32
      %mul3A_420 = arith.muli %add3A_418, %mul3A_419 : i32
      %dma_start3A_421 = tpu.memref_slice %arg6[%mul3A_420] : memref<6400xi32, #tpu.memory_space<vmem>> -> memref<128xi32, #tpu.memory_space<vmem>>
      %dma_start3A_422 = arith.constant 0 : i32
      %dma_start3A_423 = arith.constant 0 : i32
      %dma_start3A_424 = tpu.memref_slice %arg3[%dma_start3A_422, %dma_start3A_423] : memref<100000x128xf32, #tpu.memory_space<hbm>> -> memref<100000x128xf32, #tpu.memory_space<hbm>>
      tpu.enqueue_indirect_dma source(%dma_start3A_424 : memref<100000x128xf32, #tpu.memory_space<hbm>>) target(%arg12 : memref<128x128xf32, #tpu.memory_space<vmem>>) offsets(%dma_start3A_421 : memref<128xi32, #tpu.memory_space<vmem>>) semaphore(%arg18 : memref<!tpu.dma_semaphore, #tpu.memory_space<semaphore_mem>>)
      %mul3A_425 = arith.constant 128 : i32
      %mul3A_426 = arith.muli %add3A_407, %mul3A_425 : i32
      %dma_wait3A_427 = tpu.memref_slice %arg6[%mul3A_426] : memref<6400xi32, #tpu.memory_space<vmem>> -> memref<128xi32, #tpu.memory_space<vmem>>
      %dma_wait3A_428 = arith.constant 0 : i32
      %dma_wait3A_429 = arith.constant 0 : i32
      %dma_wait3A_430 = tpu.memref_slice %arg3[%dma_wait3A_428, %dma_wait3A_429] : memref<100000x128xf32, #tpu.memory_space<hbm>> -> memref<100000x128xf32, #tpu.memory_space<hbm>>
      tpu.wait_indirect_dma semaphore(%arg15 : memref<!tpu.dma_semaphore, #tpu.memory_space<semaphore_mem>>) src(%dma_wait3A_430 : memref<100000x128xf32, #tpu.memory_space<hbm>>) dst(%arg9 : memref<128x128xf32, #tpu.memory_space<vmem>>)
      %parallel_loop3A_431 = arith.constant 0 : i32
      %parallel_loop3A_432 = arith.constant 128 : i32
      %parallel_loop3A_433 = arith.constant 1 : i32
      scf.for %parallel_loop3A_441 = %parallel_loop3A_431 to %parallel_loop3A_432 step %parallel_loop3A_433  : i32 {
        %parallel_loop3A_442 = arith.index_cast %parallel_loop3A_441 : i32 to index
        %parallel_loop3A_443 = arith.constant 0 : index
        %parallel_loop3A_444 = tpu.vector_load %arg9[%parallel_loop3A_442, %parallel_loop3A_443] {strides = array<i32>} : memref<128x128xf32, #tpu.memory_space<vmem>>, vector<1x16xf32>,
        %parallel_loop3A_445 = vector.shape_cast %parallel_loop3A_444 : vector<1x16xf32> to vector<16xf32>
        %parallel_loop3A_446 = vector.broadcast %squeeze3A : f32 to vector<16xf32>
        %parallel_loop3A_447 = arith.mulf %parallel_loop3A_445, %parallel_loop3A_446 : vector<16xf32>
        %parallel_loop3A_448 = arith.index_cast %parallel_loop3A_441 : i32 to index
        %parallel_loop3A_449 = arith.constant 0 : index
        %parallel_loop3A_450 = tpu.vector_load %arg9[%parallel_loop3A_448, %parallel_loop3A_449] {strides = array<i32>} : memref<128x128xf32, #tpu.memory_space<vmem>>, vector<1x16xf32>,
        %parallel_loop3A_451 = vector.shape_cast %parallel_loop3A_450 : vector<1x16xf32> to vector<16xf32>
        %parallel_loop3A_452 = vector.shape_cast %parallel_loop3A_447 : vector<16xf32> to vector<1x16xf32>
        tpu.vector_store %arg9[%parallel_loop3A_448, %parallel_loop3A_449], %parallel_loop3A_452 {strides = array<i32>} : memref<128x128xf32, #tpu.memory_space<vmem>>, vector<1x16xf32>,
        %parallel_loop3A_453 = arith.index_cast %parallel_loop3A_441 : i32 to index
        %parallel_loop3A_454 = arith.constant 16 : index
        %parallel_loop3A_455 = tpu.vector_load %arg9[%parallel_loop3A_453, %parallel_loop3A_454] {strides = array<i32>} : memref<128x128xf32, #tpu.memory_space<vmem>>, vector<1x16xf32>,
        %parallel_loop3A_456 = vector.shape_cast %parallel_loop3A_455 : vector<1x16xf32> to vector<16xf32>
        %parallel_loop3A_457 = vector.broadcast %squeeze3A : f32 to vector<16xf32>
        %parallel_loop3A_458 = arith.mulf %parallel_loop3A_456, %parallel_loop3A_457 : vector<16xf32>
        %parallel_loop3A_459 = arith.index_cast %parallel_loop3A_441 : i32 to index
        %parallel_loop3A_460 = arith.constant 16 : index
        %parallel_loop3A_461 = tpu.vector_load %arg9[%parallel_loop3A_459, %parallel_loop3A_460] {strides = array<i32>} : memref<128x128xf32, #tpu.memory_space<vmem>>, vector<1x16xf32>,
        %parallel_loop3A_462 = vector.shape_cast %parallel_loop3A_461 : vector<1x16xf32> to vector<16xf32>
        %parallel_loop3A_463 = vector.shape_cast %parallel_loop3A_458 : vector<16xf32> to vector<1x16xf32>
        tpu.vector_store %arg9[%parallel_loop3A_459, %parallel_loop3A_460], %parallel_loop3A_463 {strides = array<i32>} : memref<128x128xf32, #tpu.memory_space<vmem>>, vector<1x16xf32>,
        %parallel_loop3A_464 = arith.index_cast %parallel_loop3A_441 : i32 to index
        %parallel_loop3A_465 = arith.constant 32 : index
        %parallel_loop3A_466 = tpu.vector_load %arg9[%parallel_loop3A_464, %parallel_loop3A_465] {strides = array<i32>} : memref<128x128xf32, #tpu.memory_space<vmem>>, vector<1x16xf32>,
        %parallel_loop3A_467 = vector.shape_cast %parallel_loop3A_466 : vector<1x16xf32> to vector<16xf32>
        %parallel_loop3A_468 = vector.broadcast %squeeze3A : f32 to vector<16xf32>
        %parallel_loop3A_469 = arith.mulf %parallel_loop3A_467, %parallel_loop3A_468 : vector<16xf32>
        %parallel_loop3A_470 = arith.index_cast %parallel_loop3A_441 : i32 to index
        %parallel_loop3A_471 = arith.constant 32 : index
        %parallel_loop3A_472 = tpu.vector_load %arg9[%parallel_loop3A_470, %parallel_loop3A_471] {strides = array<i32>} : memref<128x128xf32, #tpu.memory_space<vmem>>, vector<1x16xf32>,
        %parallel_loop3A_473 = vector.shape_cast %parallel_loop3A_472 : vector<1x16xf32> to vector<16xf32>
        %parallel_loop3A_474 = vector.shape_cast %parallel_loop3A_469 : vector<16xf32> to vector<1x16xf32>
        tpu.vector_store %arg9[%parallel_loop3A_470, %parallel_loop3A_471], %parallel_loop3A_474 {strides = array<i32>} : memref<128x128xf32, #tpu.memory_space<vmem>>, vector<1x16xf32>,
        %parallel_loop3A_475 = arith.index_cast %parallel_loop3A_441 : i32 to index
        %parallel_loop3A_476 = arith.constant 48 : index
        %parallel_loop3A_477 = tpu.vector_load %arg9[%parallel_loop3A_475, %parallel_loop3A_476] {strides = array<i32>} : memref<128x128xf32, #tpu.memory_space<vmem>>, vector<1x16xf32>,
        %parallel_loop3A_478 = vector.shape_cast %parallel_loop3A_477 : vector<1x16xf32> to vector<16xf32>
        %parallel_loop3A_479 = vector.broadcast %squeeze3A : f32 to vector<16xf32>
        %parallel_loop3A_480 = arith.mulf %parallel_loop3A_478, %parallel_loop3A_479 : vector<16xf32>
        %parallel_loop3A_481 = arith.index_cast %parallel_loop3A_441 : i32 to index
        %parallel_loop3A_482 = arith.constant 48 : index
        %parallel_loop3A_483 = tpu.vector_load %arg9[%parallel_loop3A_481, %parallel_loop3A_482] {strides = array<i32>} : memref<128x128xf32, #tpu.memory_space<vmem>>, vector<1x16xf32>,
        %parallel_loop3A_484 = vector.shape_cast %parallel_loop3A_483 : vector<1x16xf32> to vector<16xf32>
        %parallel_loop3A_485 = vector.shape_cast %parallel_loop3A_480 : vector<16xf32> to vector<1x16xf32>
        tpu.vector_store %arg9[%parallel_loop3A_481, %parallel_loop3A_482], %parallel_loop3A_485 {strides = array<i32>} : memref<128x128xf32, #tpu.memory_space<vmem>>, vector<1x16xf32>,
        %parallel_loop3A_486 = arith.index_cast %parallel_loop3A_441 : i32 to index
        %parallel_loop3A_487 = arith.constant 64 : index
        %parallel_loop3A_488 = tpu.vector_load %arg9[%parallel_loop3A_486, %parallel_loop3A_487] {strides = array<i32>} : memref<128x128xf32, #tpu.memory_space<vmem>>, vector<1x16xf32>,
        %parallel_loop3A_489 = vector.shape_cast %parallel_loop3A_488 : vector<1x16xf32> to vector<16xf32>
        %parallel_loop3A_490 = vector.broadcast %squeeze3A : f32 to vector<16xf32>
        %parallel_loop3A_491 = arith.mulf %parallel_loop3A_489, %parallel_loop3A_490 : vector<16xf32>
        %parallel_loop3A_492 = arith.index_cast %parallel_loop3A_441 : i32 to index
        %parallel_loop3A_493 = arith.constant 64 : index
        %parallel_loop3A_494 = tpu.vector_load %arg9[%parallel_loop3A_492, %parallel_loop3A_493] {strides = array<i32>} : memref<128x128xf32, #tpu.memory_space<vmem>>, vector<1x16xf32>,
        %parallel_loop3A_495 = vector.shape_cast %parallel_loop3A_494 : vector<1x16xf32> to vector<16xf32>
        %parallel_loop3A_496 = vector.shape_cast %parallel_loop3A_491 : vector<16xf32> to vector<1x16xf32>
        tpu.vector_store %arg9[%parallel_loop3A_492, %parallel_loop3A_493], %parallel_loop3A_496 {strides = array<i32>} : memref<128x128xf32, #tpu.memory_space<vmem>>, vector<1x16xf32>,
        %parallel_loop3A_497 = arith.index_cast %parallel_loop3A_441 : i32 to index
        %parallel_loop3A_498 = arith.constant 80 : index
        %parallel_loop3A_499 = tpu.vector_load %arg9[%parallel_loop3A_497, %parallel_loop3A_498] {strides = array<i32>} : memref<128x128xf32, #tpu.memory_space<vmem>>, vector<1x16xf32>,
        %parallel_loop3A_500 = vector.shape_cast %parallel_loop3A_499 : vector<1x16xf32> to vector<16xf32>
        %parallel_loop3A_501 = vector.broadcast %squeeze3A : f32 to vector<16xf32>
        %parallel_loop3A_502 = arith.mulf %parallel_loop3A_500, %parallel_loop3A_501 : vector<16xf32>
        %parallel_loop3A_503 = arith.index_cast %parallel_loop3A_441 : i32 to index
        %parallel_loop3A_504 = arith.constant 80 : index
        %parallel_loop3A_505 = tpu.vector_load %arg9[%parallel_loop3A_503, %parallel_loop3A_504] {strides = array<i32>} : memref<128x128xf32, #tpu.memory_space<vmem>>, vector<1x16xf32>,
        %parallel_loop3A_506 = vector.shape_cast %parallel_loop3A_505 : vector<1x16xf32> to vector<16xf32>
        %parallel_loop3A_507 = vector.shape_cast %parallel_loop3A_502 : vector<16xf32> to vector<1x16xf32>
        tpu.vector_store %arg9[%parallel_loop3A_503, %parallel_loop3A_504], %parallel_loop3A_507 {strides = array<i32>} : memref<128x128xf32, #tpu.memory_space<vmem>>, vector<1x16xf32>,
        %parallel_loop3A_508 = arith.index_cast %parallel_loop3A_441 : i32 to index
        %parallel_loop3A_509 = arith.constant 96 : index
        %parallel_loop3A_510 = tpu.vector_load %arg9[%parallel_loop3A_508, %parallel_loop3A_509] {strides = array<i32>} : memref<128x128xf32, #tpu.memory_space<vmem>>, vector<1x16xf32>,
        %parallel_loop3A_511 = vector.shape_cast %parallel_loop3A_510 : vector<1x16xf32> to vector<16xf32>
        %parallel_loop3A_512 = vector.broadcast %squeeze3A : f32 to vector<16xf32>
        %parallel_loop3A_513 = arith.mulf %parallel_loop3A_511, %parallel_loop3A_512 : vector<16xf32>
        %parallel_loop3A_514 = arith.index_cast %parallel_loop3A_441 : i32 to index
        %parallel_loop3A_515 = arith.constant 96 : index
        %parallel_loop3A_516 = tpu.vector_load %arg9[%parallel_loop3A_514, %parallel_loop3A_515] {strides = array<i32>} : memref<128x128xf32, #tpu.memory_space<vmem>>, vector<1x16xf32>,
        %parallel_loop3A_517 = vector.shape_cast %parallel_loop3A_516 : vector<1x16xf32> to vector<16xf32>
        %parallel_loop3A_518 = vector.shape_cast %parallel_loop3A_513 : vector<16xf32> to vector<1x16xf32>
        tpu.vector_store %arg9[%parallel_loop3A_514, %parallel_loop3A_515], %parallel_loop3A_518 {strides = array<i32>} : memref<128x128xf32, #tpu.memory_space<vmem>>, vector<1x16xf32>,
        %parallel_loop3A_519 = arith.index_cast %parallel_loop3A_441 : i32 to index
        %parallel_loop3A_520 = arith.constant 112 : index
        %parallel_loop3A_521 = tpu.vector_load %arg9[%parallel_loop3A_519, %parallel_loop3A_520] {strides = array<i32>} : memref<128x128xf32, #tpu.memory_space<vmem>>, vector<1x16xf32>,
        %parallel_loop3A_522 = vector.shape_cast %parallel_loop3A_521 : vector<1x16xf32> to vector<16xf32>
        %parallel_loop3A_523 = vector.broadcast %squeeze3A : f32 to vector<16xf32>
        %parallel_loop3A_524 = arith.mulf %parallel_loop3A_522, %parallel_loop3A_523 : vector<16xf32>
        %parallel_loop3A_525 = arith.index_cast %parallel_loop3A_441 : i32 to index
        %parallel_loop3A_526 = arith.constant 112 : index
        %parallel_loop3A_527 = tpu.vector_load %arg9[%parallel_loop3A_525, %parallel_loop3A_526] {strides = array<i32>} : memref<128x128xf32, #tpu.memory_space<vmem>>, vector<1x16xf32>,
        %parallel_loop3A_528 = vector.shape_cast %parallel_loop3A_527 : vector<1x16xf32> to vector<16xf32>
        %parallel_loop3A_529 = vector.shape_cast %parallel_loop3A_524 : vector<16xf32> to vector<1x16xf32>
        tpu.vector_store %arg9[%parallel_loop3A_525, %parallel_loop3A_526], %parallel_loop3A_529 {strides = array<i32>} : memref<128x128xf32, #tpu.memory_space<vmem>>, vector<1x16xf32>,
      } {sc.loop_unroll_factor = 2 : i64, sc.parallel_access}
      %mul3A_434 = arith.constant 128 : i32
      %mul3A_435 = arith.muli %add3A_407, %mul3A_434 : i32
      %add3A_436 = arith.addi %mul3A_4, %mul3A_435 : i32
      %dma_start3A_437 = arith.constant 0 : i32
      %dma_start3A_438 = tpu.memref_slice %arg5[%add3A_436, %dma_start3A_437] : memref<204800x128xf32, #tpu.memory_space<hbm>> -> memref<128x128xf32, #tpu.memory_space<hbm>>
      %dma_start3A_439 = arith.constant 0 : i32
      %dma_start3A_440 = tpu.memref_slice %arg5[%add3A_436, %dma_start3A_439] : memref<204800x128xf32, #tpu.memory_space<hbm>> -> memref<128x128xf32, #tpu.memory_space<hbm>>
      tpu.enqueue_dma source(%arg9 : memref<128x128xf32, #tpu.memory_space<vmem>>) target(%dma_start3A_440 : memref<128x128xf32, #tpu.memory_space<hbm>>) target_semaphore(%arg21 : memref<!tpu.dma_semaphore, #tpu.memory_space<semaphore_mem>>)
    }
    %scan3A_78 = arith.constant 7 : i32
    %add3A_79 = arith.constant 5376 : i32
    %add3A_80 = arith.addi %mul3A_4, %add3A_79 : i32
    %dma_wait3A_81 = arith.constant 0 : i32
    %dma_wait3A_82 = tpu.memref_slice %arg5[%add3A_80, %dma_wait3A_81] : memref<204800x128xf32, #tpu.memory_space<hbm>> -> memref<128x128xf32, #tpu.memory_space<hbm>>
    %dma_wait3A_83 = arith.constant 0 : i32
    %dma_wait3A_84 = tpu.memref_slice %arg5[%add3A_80, %dma_wait3A_83] : memref<204800x128xf32, #tpu.memory_space<hbm>> -> memref<128x128xf32, #tpu.memory_space<hbm>>
    tpu.wait_dma2 semaphore(%arg19 : memref<!tpu.dma_semaphore, #tpu.memory_space<semaphore_mem>>) src(%arg7 : memref<128x128xf32, #tpu.memory_space<vmem>>) dst(%dma_wait3A_84 : memref<128x128xf32, #tpu.memory_space<hbm>>)
    %dma_start3A_85 = arith.constant 6144 : i32
    %dma_start3A_86 = tpu.memref_slice %arg6[%dma_start3A_85] : memref<6400xi32, #tpu.memory_space<vmem>> -> memref<128xi32, #tpu.memory_space<vmem>>
    %dma_start3A_87 = arith.constant 0 : i32
    %dma_start3A_88 = arith.constant 0 : i32
    %dma_start3A_89 = tpu.memref_slice %arg3[%dma_start3A_87, %dma_start3A_88] : memref<100000x128xf32, #tpu.memory_space<hbm>> -> memref<100000x128xf32, #tpu.memory_space<hbm>>
    tpu.enqueue_indirect_dma source(%dma_start3A_89 : memref<100000x128xf32, #tpu.memory_space<hbm>>) target(%arg7 : memref<128x128xf32, #tpu.memory_space<vmem>>) offsets(%dma_start3A_86 : memref<128xi32, #tpu.memory_space<vmem>>) semaphore(%arg13 : memref<!tpu.dma_semaphore, #tpu.memory_space<semaphore_mem>>)
    %dma_wait3A_90 = arith.constant 5760 : i32
    %dma_wait3A_91 = tpu.memref_slice %arg6[%dma_wait3A_90] : memref<6400xi32, #tpu.memory_space<vmem>> -> memref<128xi32, #tpu.memory_space<vmem>>
    %dma_wait3A_92 = arith.constant 0 : i32
    %dma_wait3A_93 = arith.constant 0 : i32
    %dma_wait3A_94 = tpu.memref_slice %arg3[%dma_wait3A_92, %dma_wait3A_93] : memref<100000x128xf32, #tpu.memory_space<hbm>> -> memref<100000x128xf32, #tpu.memory_space<hbm>>
    tpu.wait_indirect_dma semaphore(%arg16 : memref<!tpu.dma_semaphore, #tpu.memory_space<semaphore_mem>>) src(%dma_wait3A_94 : memref<100000x128xf32, #tpu.memory_space<hbm>>) dst(%arg10 : memref<128x128xf32, #tpu.memory_space<vmem>>)
    %parallel_loop3A_95 = arith.constant 0 : i32
    %parallel_loop3A_96 = arith.constant 128 : i32
    %parallel_loop3A_97 = arith.constant 1 : i32
    scf.for %parallel_loop3A_207 = %parallel_loop3A_95 to %parallel_loop3A_96 step %parallel_loop3A_97  : i32 {
      %parallel_loop3A_208 = arith.index_cast %parallel_loop3A_207 : i32 to index
      %parallel_loop3A_209 = arith.constant 0 : index
      %parallel_loop3A_210 = tpu.vector_load %arg10[%parallel_loop3A_208, %parallel_loop3A_209] {strides = array<i32>} : memref<128x128xf32, #tpu.memory_space<vmem>>, vector<1x16xf32>,
      %parallel_loop3A_211 = vector.shape_cast %parallel_loop3A_210 : vector<1x16xf32> to vector<16xf32>
      %parallel_loop3A_212 = vector.broadcast %squeeze3A : f32 to vector<16xf32>
      %parallel_loop3A_213 = arith.mulf %parallel_loop3A_211, %parallel_loop3A_212 : vector<16xf32>
      %parallel_loop3A_214 = arith.index_cast %parallel_loop3A_207 : i32 to index
      %parallel_loop3A_215 = arith.constant 0 : index
      %parallel_loop3A_216 = tpu.vector_load %arg10[%parallel_loop3A_214, %parallel_loop3A_215] {strides = array<i32>} : memref<128x128xf32, #tpu.memory_space<vmem>>, vector<1x16xf32>,
      %parallel_loop3A_217 = vector.shape_cast %parallel_loop3A_216 : vector<1x16xf32> to vector<16xf32>
      %parallel_loop3A_218 = vector.shape_cast %parallel_loop3A_213 : vector<16xf32> to vector<1x16xf32>
      tpu.vector_store %arg10[%parallel_loop3A_214, %parallel_loop3A_215], %parallel_loop3A_218 {strides = array<i32>} : memref<128x128xf32, #tpu.memory_space<vmem>>, vector<1x16xf32>,
      %parallel_loop3A_219 = arith.index_cast %parallel_loop3A_207 : i32 to index
      %parallel_loop3A_220 = arith.constant 16 : index
      %parallel_loop3A_221 = tpu.vector_load %arg10[%parallel_loop3A_219, %parallel_loop3A_220] {strides = array<i32>} : memref<128x128xf32, #tpu.memory_space<vmem>>, vector<1x16xf32>,
      %parallel_loop3A_222 = vector.shape_cast %parallel_loop3A_221 : vector<1x16xf32> to vector<16xf32>
      %parallel_loop3A_223 = vector.broadcast %squeeze3A : f32 to vector<16xf32>
      %parallel_loop3A_224 = arith.mulf %parallel_loop3A_222, %parallel_loop3A_223 : vector<16xf32>
      %parallel_loop3A_225 = arith.index_cast %parallel_loop3A_207 : i32 to index
      %parallel_loop3A_226 = arith.constant 16 : index
      %parallel_loop3A_227 = tpu.vector_load %arg10[%parallel_loop3A_225, %parallel_loop3A_226] {strides = array<i32>} : memref<128x128xf32, #tpu.memory_space<vmem>>, vector<1x16xf32>,
      %parallel_loop3A_228 = vector.shape_cast %parallel_loop3A_227 : vector<1x16xf32> to vector<16xf32>
      %parallel_loop3A_229 = vector.shape_cast %parallel_loop3A_224 : vector<16xf32> to vector<1x16xf32>
      tpu.vector_store %arg10[%parallel_loop3A_225, %parallel_loop3A_226], %parallel_loop3A_229 {strides = array<i32>} : memref<128x128xf32, #tpu.memory_space<vmem>>, vector<1x16xf32>,
      %parallel_loop3A_230 = arith.index_cast %parallel_loop3A_207 : i32 to index
      %parallel_loop3A_231 = arith.constant 32 : index
      %parallel_loop3A_232 = tpu.vector_load %arg10[%parallel_loop3A_230, %parallel_loop3A_231] {strides = array<i32>} : memref<128x128xf32, #tpu.memory_space<vmem>>, vector<1x16xf32>,
      %parallel_loop3A_233 = vector.shape_cast %parallel_loop3A_232 : vector<1x16xf32> to vector<16xf32>
      %parallel_loop3A_234 = vector.broadcast %squeeze3A : f32 to vector<16xf32>
      %parallel_loop3A_235 = arith.mulf %parallel_loop3A_233, %parallel_loop3A_234 : vector<16xf32>
      %parallel_loop3A_236 = arith.index_cast %parallel_loop3A_207 : i32 to index
      %parallel_loop3A_237 = arith.constant 32 : index
      %parallel_loop3A_238 = tpu.vector_load %arg10[%parallel_loop3A_236, %parallel_loop3A_237] {strides = array<i32>} : memref<128x128xf32, #tpu.memory_space<vmem>>, vector<1x16xf32>,
      %parallel_loop3A_239 = vector.shape_cast %parallel_loop3A_238 : vector<1x16xf32> to vector<16xf32>
      %parallel_loop3A_240 = vector.shape_cast %parallel_loop3A_235 : vector<16xf32> to vector<1x16xf32>
      tpu.vector_store %arg10[%parallel_loop3A_236, %parallel_loop3A_237], %parallel_loop3A_240 {strides = array<i32>} : memref<128x128xf32, #tpu.memory_space<vmem>>, vector<1x16xf32>,
      %parallel_loop3A_241 = arith.index_cast %parallel_loop3A_207 : i32 to index
      %parallel_loop3A_242 = arith.constant 48 : index
      %parallel_loop3A_243 = tpu.vector_load %arg10[%parallel_loop3A_241, %parallel_loop3A_242] {strides = array<i32>} : memref<128x128xf32, #tpu.memory_space<vmem>>, vector<1x16xf32>,
      %parallel_loop3A_244 = vector.shape_cast %parallel_loop3A_243 : vector<1x16xf32> to vector<16xf32>
      %parallel_loop3A_245 = vector.broadcast %squeeze3A : f32 to vector<16xf32>
      %parallel_loop3A_246 = arith.mulf %parallel_loop3A_244, %parallel_loop3A_245 : vector<16xf32>
      %parallel_loop3A_247 = arith.index_cast %parallel_loop3A_207 : i32 to index
      %parallel_loop3A_248 = arith.constant 48 : index
      %parallel_loop3A_249 = tpu.vector_load %arg10[%parallel_loop3A_247, %parallel_loop3A_248] {strides = array<i32>} : memref<128x128xf32, #tpu.memory_space<vmem>>, vector<1x16xf32>,
      %parallel_loop3A_250 = vector.shape_cast %parallel_loop3A_249 : vector<1x16xf32> to vector<16xf32>
      %parallel_loop3A_251 = vector.shape_cast %parallel_loop3A_246 : vector<16xf32> to vector<1x16xf32>
      tpu.vector_store %arg10[%parallel_loop3A_247, %parallel_loop3A_248], %parallel_loop3A_251 {strides = array<i32>} : memref<128x128xf32, #tpu.memory_space<vmem>>, vector<1x16xf32>,
      %parallel_loop3A_252 = arith.index_cast %parallel_loop3A_207 : i32 to index
      %parallel_loop3A_253 = arith.constant 64 : index
      %parallel_loop3A_254 = tpu.vector_load %arg10[%parallel_loop3A_252, %parallel_loop3A_253] {strides = array<i32>} : memref<128x128xf32, #tpu.memory_space<vmem>>, vector<1x16xf32>,
      %parallel_loop3A_255 = vector.shape_cast %parallel_loop3A_254 : vector<1x16xf32> to vector<16xf32>
      %parallel_loop3A_256 = vector.broadcast %squeeze3A : f32 to vector<16xf32>
      %parallel_loop3A_257 = arith.mulf %parallel_loop3A_255, %parallel_loop3A_256 : vector<16xf32>
      %parallel_loop3A_258 = arith.index_cast %parallel_loop3A_207 : i32 to index
      %parallel_loop3A_259 = arith.constant 64 : index
      %parallel_loop3A_260 = tpu.vector_load %arg10[%parallel_loop3A_258, %parallel_loop3A_259] {strides = array<i32>} : memref<128x128xf32, #tpu.memory_space<vmem>>, vector<1x16xf32>,
      %parallel_loop3A_261 = vector.shape_cast %parallel_loop3A_260 : vector<1x16xf32> to vector<16xf32>
      %parallel_loop3A_262 = vector.shape_cast %parallel_loop3A_257 : vector<16xf32> to vector<1x16xf32>
      tpu.vector_store %arg10[%parallel_loop3A_258, %parallel_loop3A_259], %parallel_loop3A_262 {strides = array<i32>} : memref<128x128xf32, #tpu.memory_space<vmem>>, vector<1x16xf32>,
      %parallel_loop3A_263 = arith.index_cast %parallel_loop3A_207 : i32 to index
      %parallel_loop3A_264 = arith.constant 80 : index
      %parallel_loop3A_265 = tpu.vector_load %arg10[%parallel_loop3A_263, %parallel_loop3A_264] {strides = array<i32>} : memref<128x128xf32, #tpu.memory_space<vmem>>, vector<1x16xf32>,
      %parallel_loop3A_266 = vector.shape_cast %parallel_loop3A_265 : vector<1x16xf32> to vector<16xf32>
      %parallel_loop3A_267 = vector.broadcast %squeeze3A : f32 to vector<16xf32>
      %parallel_loop3A_268 = arith.mulf %parallel_loop3A_266, %parallel_loop3A_267 : vector<16xf32>
      %parallel_loop3A_269 = arith.index_cast %parallel_loop3A_207 : i32 to index
      %parallel_loop3A_270 = arith.constant 80 : index
      %parallel_loop3A_271 = tpu.vector_load %arg10[%parallel_loop3A_269, %parallel_loop3A_270] {strides = array<i32>} : memref<128x128xf32, #tpu.memory_space<vmem>>, vector<1x16xf32>,
      %parallel_loop3A_272 = vector.shape_cast %parallel_loop3A_271 : vector<1x16xf32> to vector<16xf32>
      %parallel_loop3A_273 = vector.shape_cast %parallel_loop3A_268 : vector<16xf32> to vector<1x16xf32>
      tpu.vector_store %arg10[%parallel_loop3A_269, %parallel_loop3A_270], %parallel_loop3A_273 {strides = array<i32>} : memref<128x128xf32, #tpu.memory_space<vmem>>, vector<1x16xf32>,
      %parallel_loop3A_274 = arith.index_cast %parallel_loop3A_207 : i32 to index
      %parallel_loop3A_275 = arith.constant 96 : index
      %parallel_loop3A_276 = tpu.vector_load %arg10[%parallel_loop3A_274, %parallel_loop3A_275] {strides = array<i32>} : memref<128x128xf32, #tpu.memory_space<vmem>>, vector<1x16xf32>,
      %parallel_loop3A_277 = vector.shape_cast %parallel_loop3A_276 : vector<1x16xf32> to vector<16xf32>
      %parallel_loop3A_278 = vector.broadcast %squeeze3A : f32 to vector<16xf32>
      %parallel_loop3A_279 = arith.mulf %parallel_loop3A_277, %parallel_loop3A_278 : vector<16xf32>
      %parallel_loop3A_280 = arith.index_cast %parallel_loop3A_207 : i32 to index
      %parallel_loop3A_281 = arith.constant 96 : index
      %parallel_loop3A_282 = tpu.vector_load %arg10[%parallel_loop3A_280, %parallel_loop3A_281] {strides = array<i32>} : memref<128x128xf32, #tpu.memory_space<vmem>>, vector<1x16xf32>,
      %parallel_loop3A_283 = vector.shape_cast %parallel_loop3A_282 : vector<1x16xf32> to vector<16xf32>
      %parallel_loop3A_284 = vector.shape_cast %parallel_loop3A_279 : vector<16xf32> to vector<1x16xf32>
      tpu.vector_store %arg10[%parallel_loop3A_280, %parallel_loop3A_281], %parallel_loop3A_284 {strides = array<i32>} : memref<128x128xf32, #tpu.memory_space<vmem>>, vector<1x16xf32>,
      %parallel_loop3A_285 = arith.index_cast %parallel_loop3A_207 : i32 to index
      %parallel_loop3A_286 = arith.constant 112 : index
      %parallel_loop3A_287 = tpu.vector_load %arg10[%parallel_loop3A_285, %parallel_loop3A_286] {strides = array<i32>} : memref<128x128xf32, #tpu.memory_space<vmem>>, vector<1x16xf32>,
      %parallel_loop3A_288 = vector.shape_cast %parallel_loop3A_287 : vector<1x16xf32> to vector<16xf32>
      %parallel_loop3A_289 = vector.broadcast %squeeze3A : f32 to vector<16xf32>
      %parallel_loop3A_290 = arith.mulf %parallel_loop3A_288, %parallel_loop3A_289 : vector<16xf32>
      %parallel_loop3A_291 = arith.index_cast %parallel_loop3A_207 : i32 to index
      %parallel_loop3A_292 = arith.constant 112 : index
      %parallel_loop3A_293 = tpu.vector_load %arg10[%parallel_loop3A_291, %parallel_loop3A_292] {strides = array<i32>} : memref<128x128xf32, #tpu.memory_space<vmem>>, vector<1x16xf32>,
      %parallel_loop3A_294 = vector.shape_cast %parallel_loop3A_293 : vector<1x16xf32> to vector<16xf32>
      %parallel_loop3A_295 = vector.shape_cast %parallel_loop3A_290 : vector<16xf32> to vector<1x16xf32>
      tpu.vector_store %arg10[%parallel_loop3A_291, %parallel_loop3A_292], %parallel_loop3A_295 {strides = array<i32>} : memref<128x128xf32, #tpu.memory_space<vmem>>, vector<1x16xf32>,
    } {sc.loop_unroll_factor = 2 : i64, sc.parallel_access}
    %add3A_98 = arith.constant 5760 : i32
    %add3A_99 = arith.addi %mul3A_4, %add3A_98 : i32
    %dma_start3A_100 = arith.constant 0 : i32
    %dma_start3A_101 = tpu.memref_slice %arg5[%add3A_99, %dma_start3A_100] : memref<204800x128xf32, #tpu.memory_space<hbm>> -> memref<128x128xf32, #tpu.memory_space<hbm>>
    %dma_start3A_102 = arith.constant 0 : i32
    %dma_start3A_103 = tpu.memref_slice %arg5[%add3A_99, %dma_start3A_102] : memref<204800x128xf32, #tpu.memory_space<hbm>> -> memref<128x128xf32, #tpu.memory_space<hbm>>
    tpu.enqueue_dma source(%arg10 : memref<128x128xf32, #tpu.memory_space<vmem>>) target(%dma_start3A_103 : memref<128x128xf32, #tpu.memory_space<hbm>>) target_semaphore(%arg22 : memref<!tpu.dma_semaphore, #tpu.memory_space<semaphore_mem>>)
    %add3A_104 = arith.constant 5504 : i32
    %add3A_105 = arith.addi %mul3A_4, %add3A_104 : i32
    %dma_wait3A_106 = arith.constant 0 : i32
    %dma_wait3A_107 = tpu.memref_slice %arg5[%add3A_105, %dma_wait3A_106] : memref<204800x128xf32, #tpu.memory_space<hbm>> -> memref<128x128xf32, #tpu.memory_space<hbm>>
    %dma_wait3A_108 = arith.constant 0 : i32
    %dma_wait3A_109 = tpu.memref_slice %arg5[%add3A_105, %dma_wait3A_108] : memref<204800x128xf32, #tpu.memory_space<hbm>> -> memref<128x128xf32, #tpu.memory_space<hbm>>
    tpu.wait_dma2 semaphore(%arg20 : memref<!tpu.dma_semaphore, #tpu.memory_space<semaphore_mem>>) src(%arg8 : memref<128x128xf32, #tpu.memory_space<vmem>>) dst(%dma_wait3A_109 : memref<128x128xf32, #tpu.memory_space<hbm>>)
    %dma_start3A_110 = arith.constant 6272 : i32
    %dma_start3A_111 = tpu.memref_slice %arg6[%dma_start3A_110] : memref<6400xi32, #tpu.memory_space<vmem>> -> memref<128xi32, #tpu.memory_space<vmem>>
    %dma_start3A_112 = arith.constant 0 : i32
    %dma_start3A_113 = arith.constant 0 : i32
    %dma_start3A_114 = tpu.memref_slice %arg3[%dma_start3A_112, %dma_start3A_113] : memref<100000x128xf32, #tpu.memory_space<hbm>> -> memref<100000x128xf32, #tpu.memory_space<hbm>>
    tpu.enqueue_indirect_dma source(%dma_start3A_114 : memref<100000x128xf32, #tpu.memory_space<hbm>>) target(%arg8 : memref<128x128xf32, #tpu.memory_space<vmem>>) offsets(%dma_start3A_111 : memref<128xi32, #tpu.memory_space<vmem>>) semaphore(%arg14 : memref<!tpu.dma_semaphore, #tpu.memory_space<semaphore_mem>>)
    %dma_wait3A_115 = arith.constant 5888 : i32
    %dma_wait3A_116 = tpu.memref_slice %arg6[%dma_wait3A_115] : memref<6400xi32, #tpu.memory_space<vmem>> -> memref<128xi32, #tpu.memory_space<vmem>>
    %dma_wait3A_117 = arith.constant 0 : i32
    %dma_wait3A_118 = arith.constant 0 : i32
    %dma_wait3A_119 = tpu.memref_slice %arg3[%dma_wait3A_117, %dma_wait3A_118] : memref<100000x128xf32, #tpu.memory_space<hbm>> -> memref<100000x128xf32, #tpu.memory_space<hbm>>
    tpu.wait_indirect_dma semaphore(%arg17 : memref<!tpu.dma_semaphore, #tpu.memory_space<semaphore_mem>>) src(%dma_wait3A_119 : memref<100000x128xf32, #tpu.memory_space<hbm>>) dst(%arg11 : memref<128x128xf32, #tpu.memory_space<vmem>>)
    %parallel_loop3A_120 = arith.constant 0 : i32
    %parallel_loop3A_121 = arith.constant 128 : i32
    %parallel_loop3A_122 = arith.constant 1 : i32
    scf.for %parallel_loop3A_207 = %parallel_loop3A_120 to %parallel_loop3A_121 step %parallel_loop3A_122  : i32 {
      %parallel_loop3A_208 = arith.index_cast %parallel_loop3A_207 : i32 to index
      %parallel_loop3A_209 = arith.constant 0 : index
      %parallel_loop3A_210 = tpu.vector_load %arg11[%parallel_loop3A_208, %parallel_loop3A_209] {strides = array<i32>} : memref<128x128xf32, #tpu.memory_space<vmem>>, vector<1x16xf32>,
      %parallel_loop3A_211 = vector.shape_cast %parallel_loop3A_210 : vector<1x16xf32> to vector<16xf32>
      %parallel_loop3A_212 = vector.broadcast %squeeze3A : f32 to vector<16xf32>
      %parallel_loop3A_213 = arith.mulf %parallel_loop3A_211, %parallel_loop3A_212 : vector<16xf32>
      %parallel_loop3A_214 = arith.index_cast %parallel_loop3A_207 : i32 to index
      %parallel_loop3A_215 = arith.constant 0 : index
      %parallel_loop3A_216 = tpu.vector_load %arg11[%parallel_loop3A_214, %parallel_loop3A_215] {strides = array<i32>} : memref<128x128xf32, #tpu.memory_space<vmem>>, vector<1x16xf32>,
      %parallel_loop3A_217 = vector.shape_cast %parallel_loop3A_216 : vector<1x16xf32> to vector<16xf32>
      %parallel_loop3A_218 = vector.shape_cast %parallel_loop3A_213 : vector<16xf32> to vector<1x16xf32>
      tpu.vector_store %arg11[%parallel_loop3A_214, %parallel_loop3A_215], %parallel_loop3A_218 {strides = array<i32>} : memref<128x128xf32, #tpu.memory_space<vmem>>, vector<1x16xf32>,
      %parallel_loop3A_219 = arith.index_cast %parallel_loop3A_207 : i32 to index
      %parallel_loop3A_220 = arith.constant 16 : index
      %parallel_loop3A_221 = tpu.vector_load %arg11[%parallel_loop3A_219, %parallel_loop3A_220] {strides = array<i32>} : memref<128x128xf32, #tpu.memory_space<vmem>>, vector<1x16xf32>,
      %parallel_loop3A_222 = vector.shape_cast %parallel_loop3A_221 : vector<1x16xf32> to vector<16xf32>
      %parallel_loop3A_223 = vector.broadcast %squeeze3A : f32 to vector<16xf32>
      %parallel_loop3A_224 = arith.mulf %parallel_loop3A_222, %parallel_loop3A_223 : vector<16xf32>
      %parallel_loop3A_225 = arith.index_cast %parallel_loop3A_207 : i32 to index
      %parallel_loop3A_226 = arith.constant 16 : index
      %parallel_loop3A_227 = tpu.vector_load %arg11[%parallel_loop3A_225, %parallel_loop3A_226] {strides = array<i32>} : memref<128x128xf32, #tpu.memory_space<vmem>>, vector<1x16xf32>,
      %parallel_loop3A_228 = vector.shape_cast %parallel_loop3A_227 : vector<1x16xf32> to vector<16xf32>
      %parallel_loop3A_229 = vector.shape_cast %parallel_loop3A_224 : vector<16xf32> to vector<1x16xf32>
      tpu.vector_store %arg11[%parallel_loop3A_225, %parallel_loop3A_226], %parallel_loop3A_229 {strides = array<i32>} : memref<128x128xf32, #tpu.memory_space<vmem>>, vector<1x16xf32>,
      %parallel_loop3A_230 = arith.index_cast %parallel_loop3A_207 : i32 to index
      %parallel_loop3A_231 = arith.constant 32 : index
      %parallel_loop3A_232 = tpu.vector_load %arg11[%parallel_loop3A_230, %parallel_loop3A_231] {strides = array<i32>} : memref<128x128xf32, #tpu.memory_space<vmem>>, vector<1x16xf32>,
      %parallel_loop3A_233 = vector.shape_cast %parallel_loop3A_232 : vector<1x16xf32> to vector<16xf32>
      %parallel_loop3A_234 = vector.broadcast %squeeze3A : f32 to vector<16xf32>
      %parallel_loop3A_235 = arith.mulf %parallel_loop3A_233, %parallel_loop3A_234 : vector<16xf32>
      %parallel_loop3A_236 = arith.index_cast %parallel_loop3A_207 : i32 to index
      %parallel_loop3A_237 = arith.constant 32 : index
      %parallel_loop3A_238 = tpu.vector_load %arg11[%parallel_loop3A_236, %parallel_loop3A_237] {strides = array<i32>} : memref<128x128xf32, #tpu.memory_space<vmem>>, vector<1x16xf32>,
      %parallel_loop3A_239 = vector.shape_cast %parallel_loop3A_238 : vector<1x16xf32> to vector<16xf32>
      %parallel_loop3A_240 = vector.shape_cast %parallel_loop3A_235 : vector<16xf32> to vector<1x16xf32>
      tpu.vector_store %arg11[%parallel_loop3A_236, %parallel_loop3A_237], %parallel_loop3A_240 {strides = array<i32>} : memref<128x128xf32, #tpu.memory_space<vmem>>, vector<1x16xf32>,
      %parallel_loop3A_241 = arith.index_cast %parallel_loop3A_207 : i32 to index
      %parallel_loop3A_242 = arith.constant 48 : index
      %parallel_loop3A_243 = tpu.vector_load %arg11[%parallel_loop3A_241, %parallel_loop3A_242] {strides = array<i32>} : memref<128x128xf32, #tpu.memory_space<vmem>>, vector<1x16xf32>,
      %parallel_loop3A_244 = vector.shape_cast %parallel_loop3A_243 : vector<1x16xf32> to vector<16xf32>
      %parallel_loop3A_245 = vector.broadcast %squeeze3A : f32 to vector<16xf32>
      %parallel_loop3A_246 = arith.mulf %parallel_loop3A_244, %parallel_loop3A_245 : vector<16xf32>
      %parallel_loop3A_247 = arith.index_cast %parallel_loop3A_207 : i32 to index
      %parallel_loop3A_248 = arith.constant 48 : index
      %parallel_loop3A_249 = tpu.vector_load %arg11[%parallel_loop3A_247, %parallel_loop3A_248] {strides = array<i32>} : memref<128x128xf32, #tpu.memory_space<vmem>>, vector<1x16xf32>,
      %parallel_loop3A_250 = vector.shape_cast %parallel_loop3A_249 : vector<1x16xf32> to vector<16xf32>
      %parallel_loop3A_251 = vector.shape_cast %parallel_loop3A_246 : vector<16xf32> to vector<1x16xf32>
      tpu.vector_store %arg11[%parallel_loop3A_247, %parallel_loop3A_248], %parallel_loop3A_251 {strides = array<i32>} : memref<128x128xf32, #tpu.memory_space<vmem>>, vector<1x16xf32>,
      %parallel_loop3A_252 = arith.index_cast %parallel_loop3A_207 : i32 to index
      %parallel_loop3A_253 = arith.constant 64 : index
      %parallel_loop3A_254 = tpu.vector_load %arg11[%parallel_loop3A_252, %parallel_loop3A_253] {strides = array<i32>} : memref<128x128xf32, #tpu.memory_space<vmem>>, vector<1x16xf32>,
      %parallel_loop3A_255 = vector.shape_cast %parallel_loop3A_254 : vector<1x16xf32> to vector<16xf32>
      %parallel_loop3A_256 = vector.broadcast %squeeze3A : f32 to vector<16xf32>
      %parallel_loop3A_257 = arith.mulf %parallel_loop3A_255, %parallel_loop3A_256 : vector<16xf32>
      %parallel_loop3A_258 = arith.index_cast %parallel_loop3A_207 : i32 to index
      %parallel_loop3A_259 = arith.constant 64 : index
      %parallel_loop3A_260 = tpu.vector_load %arg11[%parallel_loop3A_258, %parallel_loop3A_259] {strides = array<i32>} : memref<128x128xf32, #tpu.memory_space<vmem>>, vector<1x16xf32>,
      %parallel_loop3A_261 = vector.shape_cast %parallel_loop3A_260 : vector<1x16xf32> to vector<16xf32>
      %parallel_loop3A_262 = vector.shape_cast %parallel_loop3A_257 : vector<16xf32> to vector<1x16xf32>
      tpu.vector_store %arg11[%parallel_loop3A_258, %parallel_loop3A_259], %parallel_loop3A_262 {strides = array<i32>} : memref<128x128xf32, #tpu.memory_space<vmem>>, vector<1x16xf32>,
      %parallel_loop3A_263 = arith.index_cast %parallel_loop3A_207 : i32 to index
      %parallel_loop3A_264 = arith.constant 80 : index
      %parallel_loop3A_265 = tpu.vector_load %arg11[%parallel_loop3A_263, %parallel_loop3A_264] {strides = array<i32>} : memref<128x128xf32, #tpu.memory_space<vmem>>, vector<1x16xf32>,
      %parallel_loop3A_266 = vector.shape_cast %parallel_loop3A_265 : vector<1x16xf32> to vector<16xf32>
      %parallel_loop3A_267 = vector.broadcast %squeeze3A : f32 to vector<16xf32>
      %parallel_loop3A_268 = arith.mulf %parallel_loop3A_266, %parallel_loop3A_267 : vector<16xf32>
      %parallel_loop3A_269 = arith.index_cast %parallel_loop3A_207 : i32 to index
      %parallel_loop3A_270 = arith.constant 80 : index
      %parallel_loop3A_271 = tpu.vector_load %arg11[%parallel_loop3A_269, %parallel_loop3A_270] {strides = array<i32>} : memref<128x128xf32, #tpu.memory_space<vmem>>, vector<1x16xf32>,
      %parallel_loop3A_272 = vector.shape_cast %parallel_loop3A_271 : vector<1x16xf32> to vector<16xf32>
      %parallel_loop3A_273 = vector.shape_cast %parallel_loop3A_268 : vector<16xf32> to vector<1x16xf32>
      tpu.vector_store %arg11[%parallel_loop3A_269, %parallel_loop3A_270], %parallel_loop3A_273 {strides = array<i32>} : memref<128x128xf32, #tpu.memory_space<vmem>>, vector<1x16xf32>,
      %parallel_loop3A_274 = arith.index_cast %parallel_loop3A_207 : i32 to index
      %parallel_loop3A_275 = arith.constant 96 : index
      %parallel_loop3A_276 = tpu.vector_load %arg11[%parallel_loop3A_274, %parallel_loop3A_275] {strides = array<i32>} : memref<128x128xf32, #tpu.memory_space<vmem>>, vector<1x16xf32>,
      %parallel_loop3A_277 = vector.shape_cast %parallel_loop3A_276 : vector<1x16xf32> to vector<16xf32>
      %parallel_loop3A_278 = vector.broadcast %squeeze3A : f32 to vector<16xf32>
      %parallel_loop3A_279 = arith.mulf %parallel_loop3A_277, %parallel_loop3A_278 : vector<16xf32>
      %parallel_loop3A_280 = arith.index_cast %parallel_loop3A_207 : i32 to index
      %parallel_loop3A_281 = arith.constant 96 : index
      %parallel_loop3A_282 = tpu.vector_load %arg11[%parallel_loop3A_280, %parallel_loop3A_281] {strides = array<i32>} : memref<128x128xf32, #tpu.memory_space<vmem>>, vector<1x16xf32>,
      %parallel_loop3A_283 = vector.shape_cast %parallel_loop3A_282 : vector<1x16xf32> to vector<16xf32>
      %parallel_loop3A_284 = vector.shape_cast %parallel_loop3A_279 : vector<16xf32> to vector<1x16xf32>
      tpu.vector_store %arg11[%parallel_loop3A_280, %parallel_loop3A_281], %parallel_loop3A_284 {strides = array<i32>} : memref<128x128xf32, #tpu.memory_space<vmem>>, vector<1x16xf32>,
      %parallel_loop3A_285 = arith.index_cast %parallel_loop3A_207 : i32 to index
      %parallel_loop3A_286 = arith.constant 112 : index
      %parallel_loop3A_287 = tpu.vector_load %arg11[%parallel_loop3A_285, %parallel_loop3A_286] {strides = array<i32>} : memref<128x128xf32, #tpu.memory_space<vmem>>, vector<1x16xf32>,
      %parallel_loop3A_288 = vector.shape_cast %parallel_loop3A_287 : vector<1x16xf32> to vector<16xf32>
      %parallel_loop3A_289 = vector.broadcast %squeeze3A : f32 to vector<16xf32>
      %parallel_loop3A_290 = arith.mulf %parallel_loop3A_288, %parallel_loop3A_289 : vector<16xf32>
      %parallel_loop3A_291 = arith.index_cast %parallel_loop3A_207 : i32 to index
      %parallel_loop3A_292 = arith.constant 112 : index
      %parallel_loop3A_293 = tpu.vector_load %arg11[%parallel_loop3A_291, %parallel_loop3A_292] {strides = array<i32>} : memref<128x128xf32, #tpu.memory_space<vmem>>, vector<1x16xf32>,
      %parallel_loop3A_294 = vector.shape_cast %parallel_loop3A_293 : vector<1x16xf32> to vector<16xf32>
      %parallel_loop3A_295 = vector.shape_cast %parallel_loop3A_290 : vector<16xf32> to vector<1x16xf32>
      tpu.vector_store %arg11[%parallel_loop3A_291, %parallel_loop3A_292], %parallel_loop3A_295 {strides = array<i32>} : memref<128x128xf32, #tpu.memory_space<vmem>>, vector<1x16xf32>,
    } {sc.loop_unroll_factor = 2 : i64, sc.parallel_access}
    %add3A_123 = arith.constant 5888 : i32
    %add3A_124 = arith.addi %mul3A_4, %add3A_123 : i32
    %dma_start3A_125 = arith.constant 0 : i32
    %dma_start3A_126 = tpu.memref_slice %arg5[%add3A_124, %dma_start3A_125] : memref<204800x128xf32, #tpu.memory_space<hbm>> -> memref<128x128xf32, #tpu.memory_space<hbm>>
    %dma_start3A_127 = arith.constant 0 : i32
    %dma_start3A_128 = tpu.memref_slice %arg5[%add3A_124, %dma_start3A_127] : memref<204800x128xf32, #tpu.memory_space<hbm>> -> memref<128x128xf32, #tpu.memory_space<hbm>>
    tpu.enqueue_dma source(%arg11 : memref<128x128xf32, #tpu.memory_space<vmem>>) target(%dma_start3A_128 : memref<128x128xf32, #tpu.memory_space<hbm>>) target_semaphore(%arg23 : memref<!tpu.dma_semaphore, #tpu.memory_space<semaphore_mem>>)
    %dma_wait3A_129 = arith.constant 6016 : i32
    %dma_wait3A_130 = tpu.memref_slice %arg6[%dma_wait3A_129] : memref<6400xi32, #tpu.memory_space<vmem>> -> memref<128xi32, #tpu.memory_space<vmem>>
    %dma_wait3A_131 = arith.constant 0 : i32
    %dma_wait3A_132 = arith.constant 0 : i32
    %dma_wait3A_133 = tpu.memref_slice %arg3[%dma_wait3A_131, %dma_wait3A_132] : memref<100000x128xf32, #tpu.memory_space<hbm>> -> memref<100000x128xf32, #tpu.memory_space<hbm>>
    tpu.wait_indirect_dma semaphore(%arg18 : memref<!tpu.dma_semaphore, #tpu.memory_space<semaphore_mem>>) src(%dma_wait3A_133 : memref<100000x128xf32, #tpu.memory_space<hbm>>) dst(%arg12 : memref<128x128xf32, #tpu.memory_space<vmem>>)
    %parallel_loop3A_134 = arith.constant 0 : i32
    %parallel_loop3A_135 = arith.constant 128 : i32
    %parallel_loop3A_136 = arith.constant 1 : i32
    scf.for %parallel_loop3A_207 = %parallel_loop3A_134 to %parallel_loop3A_135 step %parallel_loop3A_136  : i32 {
      %parallel_loop3A_208 = arith.index_cast %parallel_loop3A_207 : i32 to index
      %parallel_loop3A_209 = arith.constant 0 : index
      %parallel_loop3A_210 = tpu.vector_load %arg12[%parallel_loop3A_208, %parallel_loop3A_209] {strides = array<i32>} : memref<128x128xf32, #tpu.memory_space<vmem>>, vector<1x16xf32>,
      %parallel_loop3A_211 = vector.shape_cast %parallel_loop3A_210 : vector<1x16xf32> to vector<16xf32>
      %parallel_loop3A_212 = vector.broadcast %squeeze3A : f32 to vector<16xf32>
      %parallel_loop3A_213 = arith.mulf %parallel_loop3A_211, %parallel_loop3A_212 : vector<16xf32>
      %parallel_loop3A_214 = arith.index_cast %parallel_loop3A_207 : i32 to index
      %parallel_loop3A_215 = arith.constant 0 : index
      %parallel_loop3A_216 = tpu.vector_load %arg12[%parallel_loop3A_214, %parallel_loop3A_215] {strides = array<i32>} : memref<128x128xf32, #tpu.memory_space<vmem>>, vector<1x16xf32>,
      %parallel_loop3A_217 = vector.shape_cast %parallel_loop3A_216 : vector<1x16xf32> to vector<16xf32>
      %parallel_loop3A_218 = vector.shape_cast %parallel_loop3A_213 : vector<16xf32> to vector<1x16xf32>
      tpu.vector_store %arg12[%parallel_loop3A_214, %parallel_loop3A_215], %parallel_loop3A_218 {strides = array<i32>} : memref<128x128xf32, #tpu.memory_space<vmem>>, vector<1x16xf32>,
      %parallel_loop3A_219 = arith.index_cast %parallel_loop3A_207 : i32 to index
      %parallel_loop3A_220 = arith.constant 16 : index
      %parallel_loop3A_221 = tpu.vector_load %arg12[%parallel_loop3A_219, %parallel_loop3A_220] {strides = array<i32>} : memref<128x128xf32, #tpu.memory_space<vmem>>, vector<1x16xf32>,
      %parallel_loop3A_222 = vector.shape_cast %parallel_loop3A_221 : vector<1x16xf32> to vector<16xf32>
      %parallel_loop3A_223 = vector.broadcast %squeeze3A : f32 to vector<16xf32>
      %parallel_loop3A_224 = arith.mulf %parallel_loop3A_222, %parallel_loop3A_223 : vector<16xf32>
      %parallel_loop3A_225 = arith.index_cast %parallel_loop3A_207 : i32 to index
      %parallel_loop3A_226 = arith.constant 16 : index
      %parallel_loop3A_227 = tpu.vector_load %arg12[%parallel_loop3A_225, %parallel_loop3A_226] {strides = array<i32>} : memref<128x128xf32, #tpu.memory_space<vmem>>, vector<1x16xf32>,
      %parallel_loop3A_228 = vector.shape_cast %parallel_loop3A_227 : vector<1x16xf32> to vector<16xf32>
      %parallel_loop3A_229 = vector.shape_cast %parallel_loop3A_224 : vector<16xf32> to vector<1x16xf32>
      tpu.vector_store %arg12[%parallel_loop3A_225, %parallel_loop3A_226], %parallel_loop3A_229 {strides = array<i32>} : memref<128x128xf32, #tpu.memory_space<vmem>>, vector<1x16xf32>,
      %parallel_loop3A_230 = arith.index_cast %parallel_loop3A_207 : i32 to index
      %parallel_loop3A_231 = arith.constant 32 : index
      %parallel_loop3A_232 = tpu.vector_load %arg12[%parallel_loop3A_230, %parallel_loop3A_231] {strides = array<i32>} : memref<128x128xf32, #tpu.memory_space<vmem>>, vector<1x16xf32>,
      %parallel_loop3A_233 = vector.shape_cast %parallel_loop3A_232 : vector<1x16xf32> to vector<16xf32>
      %parallel_loop3A_234 = vector.broadcast %squeeze3A : f32 to vector<16xf32>
      %parallel_loop3A_235 = arith.mulf %parallel_loop3A_233, %parallel_loop3A_234 : vector<16xf32>
      %parallel_loop3A_236 = arith.index_cast %parallel_loop3A_207 : i32 to index
      %parallel_loop3A_237 = arith.constant 32 : index
      %parallel_loop3A_238 = tpu.vector_load %arg12[%parallel_loop3A_236, %parallel_loop3A_237] {strides = array<i32>} : memref<128x128xf32, #tpu.memory_space<vmem>>, vector<1x16xf32>,
      %parallel_loop3A_239 = vector.shape_cast %parallel_loop3A_238 : vector<1x16xf32> to vector<16xf32>
      %parallel_loop3A_240 = vector.shape_cast %parallel_loop3A_235 : vector<16xf32> to vector<1x16xf32>
      tpu.vector_store %arg12[%parallel_loop3A_236, %parallel_loop3A_237], %parallel_loop3A_240 {strides = array<i32>} : memref<128x128xf32, #tpu.memory_space<vmem>>, vector<1x16xf32>,
      %parallel_loop3A_241 = arith.index_cast %parallel_loop3A_207 : i32 to index
      %parallel_loop3A_242 = arith.constant 48 : index
      %parallel_loop3A_243 = tpu.vector_load %arg12[%parallel_loop3A_241, %parallel_loop3A_242] {strides = array<i32>} : memref<128x128xf32, #tpu.memory_space<vmem>>, vector<1x16xf32>,
      %parallel_loop3A_244 = vector.shape_cast %parallel_loop3A_243 : vector<1x16xf32> to vector<16xf32>
      %parallel_loop3A_245 = vector.broadcast %squeeze3A : f32 to vector<16xf32>
      %parallel_loop3A_246 = arith.mulf %parallel_loop3A_244, %parallel_loop3A_245 : vector<16xf32>
      %parallel_loop3A_247 = arith.index_cast %parallel_loop3A_207 : i32 to index
      %parallel_loop3A_248 = arith.constant 48 : index
      %parallel_loop3A_249 = tpu.vector_load %arg12[%parallel_loop3A_247, %parallel_loop3A_248] {strides = array<i32>} : memref<128x128xf32, #tpu.memory_space<vmem>>, vector<1x16xf32>,
      %parallel_loop3A_250 = vector.shape_cast %parallel_loop3A_249 : vector<1x16xf32> to vector<16xf32>
      %parallel_loop3A_251 = vector.shape_cast %parallel_loop3A_246 : vector<16xf32> to vector<1x16xf32>
      tpu.vector_store %arg12[%parallel_loop3A_247, %parallel_loop3A_248], %parallel_loop3A_251 {strides = array<i32>} : memref<128x128xf32, #tpu.memory_space<vmem>>, vector<1x16xf32>,
      %parallel_loop3A_252 = arith.index_cast %parallel_loop3A_207 : i32 to index
      %parallel_loop3A_253 = arith.constant 64 : index
      %parallel_loop3A_254 = tpu.vector_load %arg12[%parallel_loop3A_252, %parallel_loop3A_253] {strides = array<i32>} : memref<128x128xf32, #tpu.memory_space<vmem>>, vector<1x16xf32>,
      %parallel_loop3A_255 = vector.shape_cast %parallel_loop3A_254 : vector<1x16xf32> to vector<16xf32>
      %parallel_loop3A_256 = vector.broadcast %squeeze3A : f32 to vector<16xf32>
      %parallel_loop3A_257 = arith.mulf %parallel_loop3A_255, %parallel_loop3A_256 : vector<16xf32>
      %parallel_loop3A_258 = arith.index_cast %parallel_loop3A_207 : i32 to index
      %parallel_loop3A_259 = arith.constant 64 : index
      %parallel_loop3A_260 = tpu.vector_load %arg12[%parallel_loop3A_258, %parallel_loop3A_259] {strides = array<i32>} : memref<128x128xf32, #tpu.memory_space<vmem>>, vector<1x16xf32>,
      %parallel_loop3A_261 = vector.shape_cast %parallel_loop3A_260 : vector<1x16xf32> to vector<16xf32>
      %parallel_loop3A_262 = vector.shape_cast %parallel_loop3A_257 : vector<16xf32> to vector<1x16xf32>
      tpu.vector_store %arg12[%parallel_loop3A_258, %parallel_loop3A_259], %parallel_loop3A_262 {strides = array<i32>} : memref<128x128xf32, #tpu.memory_space<vmem>>, vector<1x16xf32>,
      %parallel_loop3A_263 = arith.index_cast %parallel_loop3A_207 : i32 to index
      %parallel_loop3A_264 = arith.constant 80 : index
      %parallel_loop3A_265 = tpu.vector_load %arg12[%parallel_loop3A_263, %parallel_loop3A_264] {strides = array<i32>} : memref<128x128xf32, #tpu.memory_space<vmem>>, vector<1x16xf32>,
      %parallel_loop3A_266 = vector.shape_cast %parallel_loop3A_265 : vector<1x16xf32> to vector<16xf32>
      %parallel_loop3A_267 = vector.broadcast %squeeze3A : f32 to vector<16xf32>
      %parallel_loop3A_268 = arith.mulf %parallel_loop3A_266, %parallel_loop3A_267 : vector<16xf32>
      %parallel_loop3A_269 = arith.index_cast %parallel_loop3A_207 : i32 to index
      %parallel_loop3A_270 = arith.constant 80 : index
      %parallel_loop3A_271 = tpu.vector_load %arg12[%parallel_loop3A_269, %parallel_loop3A_270] {strides = array<i32>} : memref<128x128xf32, #tpu.memory_space<vmem>>, vector<1x16xf32>,
      %parallel_loop3A_272 = vector.shape_cast %parallel_loop3A_271 : vector<1x16xf32> to vector<16xf32>
      %parallel_loop3A_273 = vector.shape_cast %parallel_loop3A_268 : vector<16xf32> to vector<1x16xf32>
      tpu.vector_store %arg12[%parallel_loop3A_269, %parallel_loop3A_270], %parallel_loop3A_273 {strides = array<i32>} : memref<128x128xf32, #tpu.memory_space<vmem>>, vector<1x16xf32>,
      %parallel_loop3A_274 = arith.index_cast %parallel_loop3A_207 : i32 to index
      %parallel_loop3A_275 = arith.constant 96 : index
      %parallel_loop3A_276 = tpu.vector_load %arg12[%parallel_loop3A_274, %parallel_loop3A_275] {strides = array<i32>} : memref<128x128xf32, #tpu.memory_space<vmem>>, vector<1x16xf32>,
      %parallel_loop3A_277 = vector.shape_cast %parallel_loop3A_276 : vector<1x16xf32> to vector<16xf32>
      %parallel_loop3A_278 = vector.broadcast %squeeze3A : f32 to vector<16xf32>
      %parallel_loop3A_279 = arith.mulf %parallel_loop3A_277, %parallel_loop3A_278 : vector<16xf32>
      %parallel_loop3A_280 = arith.index_cast %parallel_loop3A_207 : i32 to index
      %parallel_loop3A_281 = arith.constant 96 : index
      %parallel_loop3A_282 = tpu.vector_load %arg12[%parallel_loop3A_280, %parallel_loop3A_281] {strides = array<i32>} : memref<128x128xf32, #tpu.memory_space<vmem>>, vector<1x16xf32>,
      %parallel_loop3A_283 = vector.shape_cast %parallel_loop3A_282 : vector<1x16xf32> to vector<16xf32>
      %parallel_loop3A_284 = vector.shape_cast %parallel_loop3A_279 : vector<16xf32> to vector<1x16xf32>
      tpu.vector_store %arg12[%parallel_loop3A_280, %parallel_loop3A_281], %parallel_loop3A_284 {strides = array<i32>} : memref<128x128xf32, #tpu.memory_space<vmem>>, vector<1x16xf32>,
      %parallel_loop3A_285 = arith.index_cast %parallel_loop3A_207 : i32 to index
      %parallel_loop3A_286 = arith.constant 112 : index
      %parallel_loop3A_287 = tpu.vector_load %arg12[%parallel_loop3A_285, %parallel_loop3A_286] {strides = array<i32>} : memref<128x128xf32, #tpu.memory_space<vmem>>, vector<1x16xf32>,
      %parallel_loop3A_288 = vector.shape_cast %parallel_loop3A_287 : vector<1x16xf32> to vector<16xf32>
      %parallel_loop3A_289 = vector.broadcast %squeeze3A : f32 to vector<16xf32>
      %parallel_loop3A_290 = arith.mulf %parallel_loop3A_288, %parallel_loop3A_289 : vector<16xf32>
      %parallel_loop3A_291 = arith.index_cast %parallel_loop3A_207 : i32 to index
      %parallel_loop3A_292 = arith.constant 112 : index
      %parallel_loop3A_293 = tpu.vector_load %arg12[%parallel_loop3A_291, %parallel_loop3A_292] {strides = array<i32>} : memref<128x128xf32, #tpu.memory_space<vmem>>, vector<1x16xf32>,
      %parallel_loop3A_294 = vector.shape_cast %parallel_loop3A_293 : vector<1x16xf32> to vector<16xf32>
      %parallel_loop3A_295 = vector.shape_cast %parallel_loop3A_290 : vector<16xf32> to vector<1x16xf32>
      tpu.vector_store %arg12[%parallel_loop3A_291, %parallel_loop3A_292], %parallel_loop3A_295 {strides = array<i32>} : memref<128x128xf32, #tpu.memory_space<vmem>>, vector<1x16xf32>,
    } {sc.loop_unroll_factor = 2 : i64, sc.parallel_access}
    %add3A_137 = arith.constant 6016 : i32
    %add3A_138 = arith.addi %mul3A_4, %add3A_137 : i32
    %dma_start3A_139 = arith.constant 0 : i32
    %dma_start3A_140 = tpu.memref_slice %arg5[%add3A_138, %dma_start3A_139] : memref<204800x128xf32, #tpu.memory_space<hbm>> -> memref<128x128xf32, #tpu.memory_space<hbm>>
    %dma_start3A_141 = arith.constant 0 : i32
    %dma_start3A_142 = tpu.memref_slice %arg5[%add3A_138, %dma_start3A_141] : memref<204800x128xf32, #tpu.memory_space<hbm>> -> memref<128x128xf32, #tpu.memory_space<hbm>>
    tpu.enqueue_dma source(%arg12 : memref<128x128xf32, #tpu.memory_space<vmem>>) target(%dma_start3A_142 : memref<128x128xf32, #tpu.memory_space<hbm>>) target_semaphore(%arg24 : memref<!tpu.dma_semaphore, #tpu.memory_space<semaphore_mem>>)
    %dma_wait3A_143 = arith.constant 6144 : i32
    %dma_wait3A_144 = tpu.memref_slice %arg6[%dma_wait3A_143] : memref<6400xi32, #tpu.memory_space<vmem>> -> memref<128xi32, #tpu.memory_space<vmem>>
    %dma_wait3A_145 = arith.constant 0 : i32
    %dma_wait3A_146 = arith.constant 0 : i32
    %dma_wait3A_147 = tpu.memref_slice %arg3[%dma_wait3A_145, %dma_wait3A_146] : memref<100000x128xf32, #tpu.memory_space<hbm>> -> memref<100000x128xf32, #tpu.memory_space<hbm>>
    tpu.wait_indirect_dma semaphore(%arg13 : memref<!tpu.dma_semaphore, #tpu.memory_space<semaphore_mem>>) src(%dma_wait3A_147 : memref<100000x128xf32, #tpu.memory_space<hbm>>) dst(%arg7 : memref<128x128xf32, #tpu.memory_space<vmem>>)
    %parallel_loop3A_148 = arith.constant 0 : i32
    %parallel_loop3A_149 = arith.constant 128 : i32
    %parallel_loop3A_150 = arith.constant 1 : i32
    scf.for %parallel_loop3A_207 = %parallel_loop3A_148 to %parallel_loop3A_149 step %parallel_loop3A_150  : i32 {
      %parallel_loop3A_208 = arith.index_cast %parallel_loop3A_207 : i32 to index
      %parallel_loop3A_209 = arith.constant 0 : index
      %parallel_loop3A_210 = tpu.vector_load %arg7[%parallel_loop3A_208, %parallel_loop3A_209] {strides = array<i32>} : memref<128x128xf32, #tpu.memory_space<vmem>>, vector<1x16xf32>,
      %parallel_loop3A_211 = vector.shape_cast %parallel_loop3A_210 : vector<1x16xf32> to vector<16xf32>
      %parallel_loop3A_212 = vector.broadcast %squeeze3A : f32 to vector<16xf32>
      %parallel_loop3A_213 = arith.mulf %parallel_loop3A_211, %parallel_loop3A_212 : vector<16xf32>
      %parallel_loop3A_214 = arith.index_cast %parallel_loop3A_207 : i32 to index
      %parallel_loop3A_215 = arith.constant 0 : index
      %parallel_loop3A_216 = tpu.vector_load %arg7[%parallel_loop3A_214, %parallel_loop3A_215] {strides = array<i32>} : memref<128x128xf32, #tpu.memory_space<vmem>>, vector<1x16xf32>,
      %parallel_loop3A_217 = vector.shape_cast %parallel_loop3A_216 : vector<1x16xf32> to vector<16xf32>
      %parallel_loop3A_218 = vector.shape_cast %parallel_loop3A_213 : vector<16xf32> to vector<1x16xf32>
      tpu.vector_store %arg7[%parallel_loop3A_214, %parallel_loop3A_215], %parallel_loop3A_218 {strides = array<i32>} : memref<128x128xf32, #tpu.memory_space<vmem>>, vector<1x16xf32>,
      %parallel_loop3A_219 = arith.index_cast %parallel_loop3A_207 : i32 to index
      %parallel_loop3A_220 = arith.constant 16 : index
      %parallel_loop3A_221 = tpu.vector_load %arg7[%parallel_loop3A_219, %parallel_loop3A_220] {strides = array<i32>} : memref<128x128xf32, #tpu.memory_space<vmem>>, vector<1x16xf32>,
      %parallel_loop3A_222 = vector.shape_cast %parallel_loop3A_221 : vector<1x16xf32> to vector<16xf32>
      %parallel_loop3A_223 = vector.broadcast %squeeze3A : f32 to vector<16xf32>
      %parallel_loop3A_224 = arith.mulf %parallel_loop3A_222, %parallel_loop3A_223 : vector<16xf32>
      %parallel_loop3A_225 = arith.index_cast %parallel_loop3A_207 : i32 to index
      %parallel_loop3A_226 = arith.constant 16 : index
      %parallel_loop3A_227 = tpu.vector_load %arg7[%parallel_loop3A_225, %parallel_loop3A_226] {strides = array<i32>} : memref<128x128xf32, #tpu.memory_space<vmem>>, vector<1x16xf32>,
      %parallel_loop3A_228 = vector.shape_cast %parallel_loop3A_227 : vector<1x16xf32> to vector<16xf32>
      %parallel_loop3A_229 = vector.shape_cast %parallel_loop3A_224 : vector<16xf32> to vector<1x16xf32>
      tpu.vector_store %arg7[%parallel_loop3A_225, %parallel_loop3A_226], %parallel_loop3A_229 {strides = array<i32>} : memref<128x128xf32, #tpu.memory_space<vmem>>, vector<1x16xf32>,
      %parallel_loop3A_230 = arith.index_cast %parallel_loop3A_207 : i32 to index
      %parallel_loop3A_231 = arith.constant 32 : index
      %parallel_loop3A_232 = tpu.vector_load %arg7[%parallel_loop3A_230, %parallel_loop3A_231] {strides = array<i32>} : memref<128x128xf32, #tpu.memory_space<vmem>>, vector<1x16xf32>,
      %parallel_loop3A_233 = vector.shape_cast %parallel_loop3A_232 : vector<1x16xf32> to vector<16xf32>
      %parallel_loop3A_234 = vector.broadcast %squeeze3A : f32 to vector<16xf32>
      %parallel_loop3A_235 = arith.mulf %parallel_loop3A_233, %parallel_loop3A_234 : vector<16xf32>
      %parallel_loop3A_236 = arith.index_cast %parallel_loop3A_207 : i32 to index
      %parallel_loop3A_237 = arith.constant 32 : index
      %parallel_loop3A_238 = tpu.vector_load %arg7[%parallel_loop3A_236, %parallel_loop3A_237] {strides = array<i32>} : memref<128x128xf32, #tpu.memory_space<vmem>>, vector<1x16xf32>,
      %parallel_loop3A_239 = vector.shape_cast %parallel_loop3A_238 : vector<1x16xf32> to vector<16xf32>
      %parallel_loop3A_240 = vector.shape_cast %parallel_loop3A_235 : vector<16xf32> to vector<1x16xf32>
      tpu.vector_store %arg7[%parallel_loop3A_236, %parallel_loop3A_237], %parallel_loop3A_240 {strides = array<i32>} : memref<128x128xf32, #tpu.memory_space<vmem>>, vector<1x16xf32>,
      %parallel_loop3A_241 = arith.index_cast %parallel_loop3A_207 : i32 to index
      %parallel_loop3A_242 = arith.constant 48 : index
      %parallel_loop3A_243 = tpu.vector_load %arg7[%parallel_loop3A_241, %parallel_loop3A_242] {strides = array<i32>} : memref<128x128xf32, #tpu.memory_space<vmem>>, vector<1x16xf32>,
      %parallel_loop3A_244 = vector.shape_cast %parallel_loop3A_243 : vector<1x16xf32> to vector<16xf32>
      %parallel_loop3A_245 = vector.broadcast %squeeze3A : f32 to vector<16xf32>
      %parallel_loop3A_246 = arith.mulf %parallel_loop3A_244, %parallel_loop3A_245 : vector<16xf32>
      %parallel_loop3A_247 = arith.index_cast %parallel_loop3A_207 : i32 to index
      %parallel_loop3A_248 = arith.constant 48 : index
      %parallel_loop3A_249 = tpu.vector_load %arg7[%parallel_loop3A_247, %parallel_loop3A_248] {strides = array<i32>} : memref<128x128xf32, #tpu.memory_space<vmem>>, vector<1x16xf32>,
      %parallel_loop3A_250 = vector.shape_cast %parallel_loop3A_249 : vector<1x16xf32> to vector<16xf32>
      %parallel_loop3A_251 = vector.shape_cast %parallel_loop3A_246 : vector<16xf32> to vector<1x16xf32>
      tpu.vector_store %arg7[%parallel_loop3A_247, %parallel_loop3A_248], %parallel_loop3A_251 {strides = array<i32>} : memref<128x128xf32, #tpu.memory_space<vmem>>, vector<1x16xf32>,
      %parallel_loop3A_252 = arith.index_cast %parallel_loop3A_207 : i32 to index
      %parallel_loop3A_253 = arith.constant 64 : index
      %parallel_loop3A_254 = tpu.vector_load %arg7[%parallel_loop3A_252, %parallel_loop3A_253] {strides = array<i32>} : memref<128x128xf32, #tpu.memory_space<vmem>>, vector<1x16xf32>,
      %parallel_loop3A_255 = vector.shape_cast %parallel_loop3A_254 : vector<1x16xf32> to vector<16xf32>
      %parallel_loop3A_256 = vector.broadcast %squeeze3A : f32 to vector<16xf32>
      %parallel_loop3A_257 = arith.mulf %parallel_loop3A_255, %parallel_loop3A_256 : vector<16xf32>
      %parallel_loop3A_258 = arith.index_cast %parallel_loop3A_207 : i32 to index
      %parallel_loop3A_259 = arith.constant 64 : index
      %parallel_loop3A_260 = tpu.vector_load %arg7[%parallel_loop3A_258, %parallel_loop3A_259] {strides = array<i32>} : memref<128x128xf32, #tpu.memory_space<vmem>>, vector<1x16xf32>,
      %parallel_loop3A_261 = vector.shape_cast %parallel_loop3A_260 : vector<1x16xf32> to vector<16xf32>
      %parallel_loop3A_262 = vector.shape_cast %parallel_loop3A_257 : vector<16xf32> to vector<1x16xf32>
      tpu.vector_store %arg7[%parallel_loop3A_258, %parallel_loop3A_259], %parallel_loop3A_262 {strides = array<i32>} : memref<128x128xf32, #tpu.memory_space<vmem>>, vector<1x16xf32>,
      %parallel_loop3A_263 = arith.index_cast %parallel_loop3A_207 : i32 to index
      %parallel_loop3A_264 = arith.constant 80 : index
      %parallel_loop3A_265 = tpu.vector_load %arg7[%parallel_loop3A_263, %parallel_loop3A_264] {strides = array<i32>} : memref<128x128xf32, #tpu.memory_space<vmem>>, vector<1x16xf32>,
      %parallel_loop3A_266 = vector.shape_cast %parallel_loop3A_265 : vector<1x16xf32> to vector<16xf32>
      %parallel_loop3A_267 = vector.broadcast %squeeze3A : f32 to vector<16xf32>
      %parallel_loop3A_268 = arith.mulf %parallel_loop3A_266, %parallel_loop3A_267 : vector<16xf32>
      %parallel_loop3A_269 = arith.index_cast %parallel_loop3A_207 : i32 to index
      %parallel_loop3A_270 = arith.constant 80 : index
      %parallel_loop3A_271 = tpu.vector_load %arg7[%parallel_loop3A_269, %parallel_loop3A_270] {strides = array<i32>} : memref<128x128xf32, #tpu.memory_space<vmem>>, vector<1x16xf32>,
      %parallel_loop3A_272 = vector.shape_cast %parallel_loop3A_271 : vector<1x16xf32> to vector<16xf32>
      %parallel_loop3A_273 = vector.shape_cast %parallel_loop3A_268 : vector<16xf32> to vector<1x16xf32>
      tpu.vector_store %arg7[%parallel_loop3A_269, %parallel_loop3A_270], %parallel_loop3A_273 {strides = array<i32>} : memref<128x128xf32, #tpu.memory_space<vmem>>, vector<1x16xf32>,
      %parallel_loop3A_274 = arith.index_cast %parallel_loop3A_207 : i32 to index
      %parallel_loop3A_275 = arith.constant 96 : index
      %parallel_loop3A_276 = tpu.vector_load %arg7[%parallel_loop3A_274, %parallel_loop3A_275] {strides = array<i32>} : memref<128x128xf32, #tpu.memory_space<vmem>>, vector<1x16xf32>,
      %parallel_loop3A_277 = vector.shape_cast %parallel_loop3A_276 : vector<1x16xf32> to vector<16xf32>
      %parallel_loop3A_278 = vector.broadcast %squeeze3A : f32 to vector<16xf32>
      %parallel_loop3A_279 = arith.mulf %parallel_loop3A_277, %parallel_loop3A_278 : vector<16xf32>
      %parallel_loop3A_280 = arith.index_cast %parallel_loop3A_207 : i32 to index
      %parallel_loop3A_281 = arith.constant 96 : index
      %parallel_loop3A_282 = tpu.vector_load %arg7[%parallel_loop3A_280, %parallel_loop3A_281] {strides = array<i32>} : memref<128x128xf32, #tpu.memory_space<vmem>>, vector<1x16xf32>,
      %parallel_loop3A_283 = vector.shape_cast %parallel_loop3A_282 : vector<1x16xf32> to vector<16xf32>
      %parallel_loop3A_284 = vector.shape_cast %parallel_loop3A_279 : vector<16xf32> to vector<1x16xf32>
      tpu.vector_store %arg7[%parallel_loop3A_280, %parallel_loop3A_281], %parallel_loop3A_284 {strides = array<i32>} : memref<128x128xf32, #tpu.memory_space<vmem>>, vector<1x16xf32>,
      %parallel_loop3A_285 = arith.index_cast %parallel_loop3A_207 : i32 to index
      %parallel_loop3A_286 = arith.constant 112 : index
      %parallel_loop3A_287 = tpu.vector_load %arg7[%parallel_loop3A_285, %parallel_loop3A_286] {strides = array<i32>} : memref<128x128xf32, #tpu.memory_space<vmem>>, vector<1x16xf32>,
      %parallel_loop3A_288 = vector.shape_cast %parallel_loop3A_287 : vector<1x16xf32> to vector<16xf32>
      %parallel_loop3A_289 = vector.broadcast %squeeze3A : f32 to vector<16xf32>
      %parallel_loop3A_290 = arith.mulf %parallel_loop3A_288, %parallel_loop3A_289 : vector<16xf32>
      %parallel_loop3A_291 = arith.index_cast %parallel_loop3A_207 : i32 to index
      %parallel_loop3A_292 = arith.constant 112 : index
      %parallel_loop3A_293 = tpu.vector_load %arg7[%parallel_loop3A_291, %parallel_loop3A_292] {strides = array<i32>} : memref<128x128xf32, #tpu.memory_space<vmem>>, vector<1x16xf32>,
      %parallel_loop3A_294 = vector.shape_cast %parallel_loop3A_293 : vector<1x16xf32> to vector<16xf32>
      %parallel_loop3A_295 = vector.shape_cast %parallel_loop3A_290 : vector<16xf32> to vector<1x16xf32>
      tpu.vector_store %arg7[%parallel_loop3A_291, %parallel_loop3A_292], %parallel_loop3A_295 {strides = array<i32>} : memref<128x128xf32, #tpu.memory_space<vmem>>, vector<1x16xf32>,
    } {sc.loop_unroll_factor = 2 : i64, sc.parallel_access}
    %add3A_151 = arith.constant 6144 : i32
    %add3A_152 = arith.addi %mul3A_4, %add3A_151 : i32
    %dma_start3A_153 = arith.constant 0 : i32
    %dma_start3A_154 = tpu.memref_slice %arg5[%add3A_152, %dma_start3A_153] : memref<204800x128xf32, #tpu.memory_space<hbm>> -> memref<128x128xf32, #tpu.memory_space<hbm>>
    %dma_start3A_155 = arith.constant 0 : i32
    %dma_start3A_156 = tpu.memref_slice %arg5[%add3A_152, %dma_start3A_155] : memref<204800x128xf32, #tpu.memory_space<hbm>> -> memref<128x128xf32, #tpu.memory_space<hbm>>
    tpu.enqueue_dma source(%arg7 : memref<128x128xf32, #tpu.memory_space<vmem>>) target(%dma_start3A_156 : memref<128x128xf32, #tpu.memory_space<hbm>>) target_semaphore(%arg19 : memref<!tpu.dma_semaphore, #tpu.memory_space<semaphore_mem>>)
    %dma_wait3A_157 = arith.constant 6272 : i32
    %dma_wait3A_158 = tpu.memref_slice %arg6[%dma_wait3A_157] : memref<6400xi32, #tpu.memory_space<vmem>> -> memref<128xi32, #tpu.memory_space<vmem>>
    %dma_wait3A_159 = arith.constant 0 : i32
    %dma_wait3A_160 = arith.constant 0 : i32
    %dma_wait3A_161 = tpu.memref_slice %arg3[%dma_wait3A_159, %dma_wait3A_160] : memref<100000x128xf32, #tpu.memory_space<hbm>> -> memref<100000x128xf32, #tpu.memory_space<hbm>>
    tpu.wait_indirect_dma semaphore(%arg14 : memref<!tpu.dma_semaphore, #tpu.memory_space<semaphore_mem>>) src(%dma_wait3A_161 : memref<100000x128xf32, #tpu.memory_space<hbm>>) dst(%arg8 : memref<128x128xf32, #tpu.memory_space<vmem>>)
    %parallel_loop3A_162 = arith.constant 0 : i32
    %parallel_loop3A_163 = arith.constant 128 : i32
    %parallel_loop3A_164 = arith.constant 1 : i32
    scf.for %parallel_loop3A_207 = %parallel_loop3A_162 to %parallel_loop3A_163 step %parallel_loop3A_164  : i32 {
      %parallel_loop3A_208 = arith.index_cast %parallel_loop3A_207 : i32 to index
      %parallel_loop3A_209 = arith.constant 0 : index
      %parallel_loop3A_210 = tpu.vector_load %arg8[%parallel_loop3A_208, %parallel_loop3A_209] {strides = array<i32>} : memref<128x128xf32, #tpu.memory_space<vmem>>, vector<1x16xf32>,
      %parallel_loop3A_211 = vector.shape_cast %parallel_loop3A_210 : vector<1x16xf32> to vector<16xf32>
      %parallel_loop3A_212 = vector.broadcast %squeeze3A : f32 to vector<16xf32>
      %parallel_loop3A_213 = arith.mulf %parallel_loop3A_211, %parallel_loop3A_212 : vector<16xf32>
      %parallel_loop3A_214 = arith.index_cast %parallel_loop3A_207 : i32 to index
      %parallel_loop3A_215 = arith.constant 0 : index
      %parallel_loop3A_216 = tpu.vector_load %arg8[%parallel_loop3A_214, %parallel_loop3A_215] {strides = array<i32>} : memref<128x128xf32, #tpu.memory_space<vmem>>, vector<1x16xf32>,
      %parallel_loop3A_217 = vector.shape_cast %parallel_loop3A_216 : vector<1x16xf32> to vector<16xf32>
      %parallel_loop3A_218 = vector.shape_cast %parallel_loop3A_213 : vector<16xf32> to vector<1x16xf32>
      tpu.vector_store %arg8[%parallel_loop3A_214, %parallel_loop3A_215], %parallel_loop3A_218 {strides = array<i32>} : memref<128x128xf32, #tpu.memory_space<vmem>>, vector<1x16xf32>,
      %parallel_loop3A_219 = arith.index_cast %parallel_loop3A_207 : i32 to index
      %parallel_loop3A_220 = arith.constant 16 : index
      %parallel_loop3A_221 = tpu.vector_load %arg8[%parallel_loop3A_219, %parallel_loop3A_220] {strides = array<i32>} : memref<128x128xf32, #tpu.memory_space<vmem>>, vector<1x16xf32>,
      %parallel_loop3A_222 = vector.shape_cast %parallel_loop3A_221 : vector<1x16xf32> to vector<16xf32>
      %parallel_loop3A_223 = vector.broadcast %squeeze3A : f32 to vector<16xf32>
      %parallel_loop3A_224 = arith.mulf %parallel_loop3A_222, %parallel_loop3A_223 : vector<16xf32>
      %parallel_loop3A_225 = arith.index_cast %parallel_loop3A_207 : i32 to index
      %parallel_loop3A_226 = arith.constant 16 : index
      %parallel_loop3A_227 = tpu.vector_load %arg8[%parallel_loop3A_225, %parallel_loop3A_226] {strides = array<i32>} : memref<128x128xf32, #tpu.memory_space<vmem>>, vector<1x16xf32>,
      %parallel_loop3A_228 = vector.shape_cast %parallel_loop3A_227 : vector<1x16xf32> to vector<16xf32>
      %parallel_loop3A_229 = vector.shape_cast %parallel_loop3A_224 : vector<16xf32> to vector<1x16xf32>
      tpu.vector_store %arg8[%parallel_loop3A_225, %parallel_loop3A_226], %parallel_loop3A_229 {strides = array<i32>} : memref<128x128xf32, #tpu.memory_space<vmem>>, vector<1x16xf32>,
      %parallel_loop3A_230 = arith.index_cast %parallel_loop3A_207 : i32 to index
      %parallel_loop3A_231 = arith.constant 32 : index
      %parallel_loop3A_232 = tpu.vector_load %arg8[%parallel_loop3A_230, %parallel_loop3A_231] {strides = array<i32>} : memref<128x128xf32, #tpu.memory_space<vmem>>, vector<1x16xf32>,
      %parallel_loop3A_233 = vector.shape_cast %parallel_loop3A_232 : vector<1x16xf32> to vector<16xf32>
      %parallel_loop3A_234 = vector.broadcast %squeeze3A : f32 to vector<16xf32>
      %parallel_loop3A_235 = arith.mulf %parallel_loop3A_233, %parallel_loop3A_234 : vector<16xf32>
      %parallel_loop3A_236 = arith.index_cast %parallel_loop3A_207 : i32 to index
      %parallel_loop3A_237 = arith.constant 32 : index
      %parallel_loop3A_238 = tpu.vector_load %arg8[%parallel_loop3A_236, %parallel_loop3A_237] {strides = array<i32>} : memref<128x128xf32, #tpu.memory_space<vmem>>, vector<1x16xf32>,
      %parallel_loop3A_239 = vector.shape_cast %parallel_loop3A_238 : vector<1x16xf32> to vector<16xf32>
      %parallel_loop3A_240 = vector.shape_cast %parallel_loop3A_235 : vector<16xf32> to vector<1x16xf32>
      tpu.vector_store %arg8[%parallel_loop3A_236, %parallel_loop3A_237], %parallel_loop3A_240 {strides = array<i32>} : memref<128x128xf32, #tpu.memory_space<vmem>>, vector<1x16xf32>,
      %parallel_loop3A_241 = arith.index_cast %parallel_loop3A_207 : i32 to index
      %parallel_loop3A_242 = arith.constant 48 : index
      %parallel_loop3A_243 = tpu.vector_load %arg8[%parallel_loop3A_241, %parallel_loop3A_242] {strides = array<i32>} : memref<128x128xf32, #tpu.memory_space<vmem>>, vector<1x16xf32>,
      %parallel_loop3A_244 = vector.shape_cast %parallel_loop3A_243 : vector<1x16xf32> to vector<16xf32>
      %parallel_loop3A_245 = vector.broadcast %squeeze3A : f32 to vector<16xf32>
      %parallel_loop3A_246 = arith.mulf %parallel_loop3A_244, %parallel_loop3A_245 : vector<16xf32>
      %parallel_loop3A_247 = arith.index_cast %parallel_loop3A_207 : i32 to index
      %parallel_loop3A_248 = arith.constant 48 : index
      %parallel_loop3A_249 = tpu.vector_load %arg8[%parallel_loop3A_247, %parallel_loop3A_248] {strides = array<i32>} : memref<128x128xf32, #tpu.memory_space<vmem>>, vector<1x16xf32>,
      %parallel_loop3A_250 = vector.shape_cast %parallel_loop3A_249 : vector<1x16xf32> to vector<16xf32>
      %parallel_loop3A_251 = vector.shape_cast %parallel_loop3A_246 : vector<16xf32> to vector<1x16xf32>
      tpu.vector_store %arg8[%parallel_loop3A_247, %parallel_loop3A_248], %parallel_loop3A_251 {strides = array<i32>} : memref<128x128xf32, #tpu.memory_space<vmem>>, vector<1x16xf32>,
      %parallel_loop3A_252 = arith.index_cast %parallel_loop3A_207 : i32 to index
      %parallel_loop3A_253 = arith.constant 64 : index
      %parallel_loop3A_254 = tpu.vector_load %arg8[%parallel_loop3A_252, %parallel_loop3A_253] {strides = array<i32>} : memref<128x128xf32, #tpu.memory_space<vmem>>, vector<1x16xf32>,
      %parallel_loop3A_255 = vector.shape_cast %parallel_loop3A_254 : vector<1x16xf32> to vector<16xf32>
      %parallel_loop3A_256 = vector.broadcast %squeeze3A : f32 to vector<16xf32>
      %parallel_loop3A_257 = arith.mulf %parallel_loop3A_255, %parallel_loop3A_256 : vector<16xf32>
      %parallel_loop3A_258 = arith.index_cast %parallel_loop3A_207 : i32 to index
      %parallel_loop3A_259 = arith.constant 64 : index
      %parallel_loop3A_260 = tpu.vector_load %arg8[%parallel_loop3A_258, %parallel_loop3A_259] {strides = array<i32>} : memref<128x128xf32, #tpu.memory_space<vmem>>, vector<1x16xf32>,
      %parallel_loop3A_261 = vector.shape_cast %parallel_loop3A_260 : vector<1x16xf32> to vector<16xf32>
      %parallel_loop3A_262 = vector.shape_cast %parallel_loop3A_257 : vector<16xf32> to vector<1x16xf32>
      tpu.vector_store %arg8[%parallel_loop3A_258, %parallel_loop3A_259], %parallel_loop3A_262 {strides = array<i32>} : memref<128x128xf32, #tpu.memory_space<vmem>>, vector<1x16xf32>,
      %parallel_loop3A_263 = arith.index_cast %parallel_loop3A_207 : i32 to index
      %parallel_loop3A_264 = arith.constant 80 : index
      %parallel_loop3A_265 = tpu.vector_load %arg8[%parallel_loop3A_263, %parallel_loop3A_264] {strides = array<i32>} : memref<128x128xf32, #tpu.memory_space<vmem>>, vector<1x16xf32>,
      %parallel_loop3A_266 = vector.shape_cast %parallel_loop3A_265 : vector<1x16xf32> to vector<16xf32>
      %parallel_loop3A_267 = vector.broadcast %squeeze3A : f32 to vector<16xf32>
      %parallel_loop3A_268 = arith.mulf %parallel_loop3A_266, %parallel_loop3A_267 : vector<16xf32>
      %parallel_loop3A_269 = arith.index_cast %parallel_loop3A_207 : i32 to index
      %parallel_loop3A_270 = arith.constant 80 : index
      %parallel_loop3A_271 = tpu.vector_load %arg8[%parallel_loop3A_269, %parallel_loop3A_270] {strides = array<i32>} : memref<128x128xf32, #tpu.memory_space<vmem>>, vector<1x16xf32>,
      %parallel_loop3A_272 = vector.shape_cast %parallel_loop3A_271 : vector<1x16xf32> to vector<16xf32>
      %parallel_loop3A_273 = vector.shape_cast %parallel_loop3A_268 : vector<16xf32> to vector<1x16xf32>
      tpu.vector_store %arg8[%parallel_loop3A_269, %parallel_loop3A_270], %parallel_loop3A_273 {strides = array<i32>} : memref<128x128xf32, #tpu.memory_space<vmem>>, vector<1x16xf32>,
      %parallel_loop3A_274 = arith.index_cast %parallel_loop3A_207 : i32 to index
      %parallel_loop3A_275 = arith.constant 96 : index
      %parallel_loop3A_276 = tpu.vector_load %arg8[%parallel_loop3A_274, %parallel_loop3A_275] {strides = array<i32>} : memref<128x128xf32, #tpu.memory_space<vmem>>, vector<1x16xf32>,
      %parallel_loop3A_277 = vector.shape_cast %parallel_loop3A_276 : vector<1x16xf32> to vector<16xf32>
      %parallel_loop3A_278 = vector.broadcast %squeeze3A : f32 to vector<16xf32>
      %parallel_loop3A_279 = arith.mulf %parallel_loop3A_277, %parallel_loop3A_278 : vector<16xf32>
      %parallel_loop3A_280 = arith.index_cast %parallel_loop3A_207 : i32 to index
      %parallel_loop3A_281 = arith.constant 96 : index
      %parallel_loop3A_282 = tpu.vector_load %arg8[%parallel_loop3A_280, %parallel_loop3A_281] {strides = array<i32>} : memref<128x128xf32, #tpu.memory_space<vmem>>, vector<1x16xf32>,
      %parallel_loop3A_283 = vector.shape_cast %parallel_loop3A_282 : vector<1x16xf32> to vector<16xf32>
      %parallel_loop3A_284 = vector.shape_cast %parallel_loop3A_279 : vector<16xf32> to vector<1x16xf32>
      tpu.vector_store %arg8[%parallel_loop3A_280, %parallel_loop3A_281], %parallel_loop3A_284 {strides = array<i32>} : memref<128x128xf32, #tpu.memory_space<vmem>>, vector<1x16xf32>,
      %parallel_loop3A_285 = arith.index_cast %parallel_loop3A_207 : i32 to index
      %parallel_loop3A_286 = arith.constant 112 : index
      %parallel_loop3A_287 = tpu.vector_load %arg8[%parallel_loop3A_285, %parallel_loop3A_286] {strides = array<i32>} : memref<128x128xf32, #tpu.memory_space<vmem>>, vector<1x16xf32>,
      %parallel_loop3A_288 = vector.shape_cast %parallel_loop3A_287 : vector<1x16xf32> to vector<16xf32>
      %parallel_loop3A_289 = vector.broadcast %squeeze3A : f32 to vector<16xf32>
      %parallel_loop3A_290 = arith.mulf %parallel_loop3A_288, %parallel_loop3A_289 : vector<16xf32>
      %parallel_loop3A_291 = arith.index_cast %parallel_loop3A_207 : i32 to index
      %parallel_loop3A_292 = arith.constant 112 : index
      %parallel_loop3A_293 = tpu.vector_load %arg8[%parallel_loop3A_291, %parallel_loop3A_292] {strides = array<i32>} : memref<128x128xf32, #tpu.memory_space<vmem>>, vector<1x16xf32>,
      %parallel_loop3A_294 = vector.shape_cast %parallel_loop3A_293 : vector<1x16xf32> to vector<16xf32>
      %parallel_loop3A_295 = vector.shape_cast %parallel_loop3A_290 : vector<16xf32> to vector<1x16xf32>
      tpu.vector_store %arg8[%parallel_loop3A_291, %parallel_loop3A_292], %parallel_loop3A_295 {strides = array<i32>} : memref<128x128xf32, #tpu.memory_space<vmem>>, vector<1x16xf32>,
    } {sc.loop_unroll_factor = 2 : i64, sc.parallel_access}
    %add3A_165 = arith.constant 6272 : i32
    %add3A_166 = arith.addi %mul3A_4, %add3A_165 : i32
    %dma_start3A_167 = arith.constant 0 : i32
    %dma_start3A_168 = tpu.memref_slice %arg5[%add3A_166, %dma_start3A_167] : memref<204800x128xf32, #tpu.memory_space<hbm>> -> memref<128x128xf32, #tpu.memory_space<hbm>>
    %dma_start3A_169 = arith.constant 0 : i32
    %dma_start3A_170 = tpu.memref_slice %arg5[%add3A_166, %dma_start3A_169] : memref<204800x128xf32, #tpu.memory_space<hbm>> -> memref<128x128xf32, #tpu.memory_space<hbm>>
    tpu.enqueue_dma source(%arg8 : memref<128x128xf32, #tpu.memory_space<vmem>>) target(%dma_start3A_170 : memref<128x128xf32, #tpu.memory_space<hbm>>) target_semaphore(%arg20 : memref<!tpu.dma_semaphore, #tpu.memory_space<semaphore_mem>>)
    %add3A_171 = arith.constant 5632 : i32
    %add3A_172 = arith.addi %mul3A_4, %add3A_171 : i32
    %dma_wait3A_173 = arith.constant 0 : i32
    %dma_wait3A_174 = tpu.memref_slice %arg5[%add3A_172, %dma_wait3A_173] : memref<204800x128xf32, #tpu.memory_space<hbm>> -> memref<128x128xf32, #tpu.memory_space<hbm>>
    %dma_wait3A_175 = arith.constant 0 : i32
    %dma_wait3A_176 = tpu.memref_slice %arg5[%add3A_172, %dma_wait3A_175] : memref<204800x128xf32, #tpu.memory_space<hbm>> -> memref<128x128xf32, #tpu.memory_space<hbm>>
    tpu.wait_dma2 semaphore(%arg21 : memref<!tpu.dma_semaphore, #tpu.memory_space<semaphore_mem>>) src(%arg9 : memref<128x128xf32, #tpu.memory_space<vmem>>) dst(%dma_wait3A_176 : memref<128x128xf32, #tpu.memory_space<hbm>>)
    %add3A_177 = arith.constant 5760 : i32
    %add3A_178 = arith.addi %mul3A_4, %add3A_177 : i32
    %dma_wait3A_179 = arith.constant 0 : i32
    %dma_wait3A_180 = tpu.memref_slice %arg5[%add3A_178, %dma_wait3A_179] : memref<204800x128xf32, #tpu.memory_space<hbm>> -> memref<128x128xf32, #tpu.memory_space<hbm>>
    %dma_wait3A_181 = arith.constant 0 : i32
    %dma_wait3A_182 = tpu.memref_slice %arg5[%add3A_178, %dma_wait3A_181] : memref<204800x128xf32, #tpu.memory_space<hbm>> -> memref<128x128xf32, #tpu.memory_space<hbm>>
    tpu.wait_dma2 semaphore(%arg22 : memref<!tpu.dma_semaphore, #tpu.memory_space<semaphore_mem>>) src(%arg10 : memref<128x128xf32, #tpu.memory_space<vmem>>) dst(%dma_wait3A_182 : memref<128x128xf32, #tpu.memory_space<hbm>>)
    %add3A_183 = arith.constant 5888 : i32
    %add3A_184 = arith.addi %mul3A_4, %add3A_183 : i32
    %dma_wait3A_185 = arith.constant 0 : i32
    %dma_wait3A_186 = tpu.memref_slice %arg5[%add3A_184, %dma_wait3A_185] : memref<204800x128xf32, #tpu.memory_space<hbm>> -> memref<128x128xf32, #tpu.memory_space<hbm>>
    %dma_wait3A_187 = arith.constant 0 : i32
    %dma_wait3A_188 = tpu.memref_slice %arg5[%add3A_184, %dma_wait3A_187] : memref<204800x128xf32, #tpu.memory_space<hbm>> -> memref<128x128xf32, #tpu.memory_space<hbm>>
    tpu.wait_dma2 semaphore(%arg23 : memref<!tpu.dma_semaphore, #tpu.memory_space<semaphore_mem>>) src(%arg11 : memref<128x128xf32, #tpu.memory_space<vmem>>) dst(%dma_wait3A_188 : memref<128x128xf32, #tpu.memory_space<hbm>>)
    %add3A_189 = arith.constant 6016 : i32
    %add3A_190 = arith.addi %mul3A_4, %add3A_189 : i32
    %dma_wait3A_191 = arith.constant 0 : i32
    %dma_wait3A_192 = tpu.memref_slice %arg5[%add3A_190, %dma_wait3A_191] : memref<204800x128xf32, #tpu.memory_space<hbm>> -> memref<128x128xf32, #tpu.memory_space<hbm>>
    %dma_wait3A_193 = arith.constant 0 : i32
    %dma_wait3A_194 = tpu.memref_slice %arg5[%add3A_190, %dma_wait3A_193] : memref<204800x128xf32, #tpu.memory_space<hbm>> -> memref<128x128xf32, #tpu.memory_space<hbm>>
    tpu.wait_dma2 semaphore(%arg24 : memref<!tpu.dma_semaphore, #tpu.memory_space<semaphore_mem>>) src(%arg12 : memref<128x128xf32, #tpu.memory_space<vmem>>) dst(%dma_wait3A_194 : memref<128x128xf32, #tpu.memory_space<hbm>>)
    %add3A_195 = arith.constant 6144 : i32
    %add3A_196 = arith.addi %mul3A_4, %add3A_195 : i32
    %dma_wait3A_197 = arith.constant 0 : i32
    %dma_wait3A_198 = tpu.memref_slice %arg5[%add3A_196, %dma_wait3A_197] : memref<204800x128xf32, #tpu.memory_space<hbm>> -> memref<128x128xf32, #tpu.memory_space<hbm>>
    %dma_wait3A_199 = arith.constant 0 : i32
    %dma_wait3A_200 = tpu.memref_slice %arg5[%add3A_196, %dma_wait3A_199] : memref<204800x128xf32, #tpu.memory_space<hbm>> -> memref<128x128xf32, #tpu.memory_space<hbm>>
    tpu.wait_dma2 semaphore(%arg19 : memref<!tpu.dma_semaphore, #tpu.memory_space<semaphore_mem>>) src(%arg7 : memref<128x128xf32, #tpu.memory_space<vmem>>) dst(%dma_wait3A_200 : memref<128x128xf32, #tpu.memory_space<hbm>>)
    %add3A_201 = arith.constant 6272 : i32
    %add3A_202 = arith.addi %mul3A_4, %add3A_201 : i32
    %dma_wait3A_203 = arith.constant 0 : i32
    %dma_wait3A_204 = tpu.memref_slice %arg5[%add3A_202, %dma_wait3A_203] : memref<204800x128xf32, #tpu.memory_space<hbm>> -> memref<128x128xf32, #tpu.memory_space<hbm>>
    %dma_wait3A_205 = arith.constant 0 : i32
    %dma_wait3A_206 = tpu.memref_slice %arg5[%add3A_202, %dma_wait3A_205] : memref<204800x128xf32, #tpu.memory_space<hbm>> -> memref<128x128xf32, #tpu.memory_space<hbm>>
    tpu.wait_dma2 semaphore(%arg20 : memref<!tpu.dma_semaphore, #tpu.memory_space<semaphore_mem>>) src(%arg8 : memref<128x128xf32, #tpu.memory_space<vmem>>) dst(%dma_wait3A_206 : memref<128x128xf32, #tpu.memory_space<hbm>>)
    return
  }
}

</mosaic_0001>

<sc_bundles>
// kernel: _emb_lookup.3.cloned.1.call-start
scs
__scs_entry_jumppad:
0x0: {  	(pc) =	sbr.rel $0x88, $3  }
0x1: {  	(tag) =	ssettag $0x0;
	lr =	simm.s32 $0x1  }
0x2: {  	[smem:$0x3F9F] =	sst lr;
	_ =	strace $0xD0000000  }
0x3: {  	_ = 	snop  }
0x4: {  	_ = 	snop  }
0x5: {  	_ = 	snop  }
0x6: {  	_ = 	snop  }
0x7: {  	_ = 	snop  }
__scs_overlays_trampoline_lowered:
0x8: {  	[smem:$0x3FAE] =	sst s0  }
0x9: {  	[smem:$0x3FAF] =	sst s1  }
0xa: {  	[smem:$0x3FB0] =	sst s2  }
0xb: {  	[smem:$0x3FB1] =	sst s3  }
0xc: {  	[smem:$0x3FB2] =	sst s4  }
0xd: {  	[smem:$0x3FB3] =	sst s5  }
0xe: {  	[smem:$0x3FB4] =	sst s6  }
0xf: {  	[smem:$0x3FB5] =	sst s7  }
0x10: {  	[smem:$0x3FB6] =	sst s8  }
0x11: {  	[smem:$0x3FB7] =	sst s9;
	s0 =	simm.s32 @!p0 $0x0  }
0x12: {  	s1 =	sld [smem:$0x3F9D];
	s0 =	simm.s32 @p0 $0x1  }
0x13: {  	[smem:$0x3FB8] =	sst s0;
	s0 =	simm.s32 @!p1 $0x0  }
0x14: {  	s2 =	sld [smem:$0x3F9C];
	s0 =	simm.s32 @p1 $0x1  }
0x15: {  	[smem:$0x3FB9] =	sst s0;
	s0 =	simm.s32 @!p2 $0x0  }
0x16: {  	s3 =	sld [smem:$0x3FDB];
	s0 =	simm.s32 @p2 $0x1  }
0x17: {  	s4 =	simm.s32 $0x1BF5;
	[smem:$0x3FBB] =	sst s0  }
0x18: {  	s0 =	sld [smem:$0x3F9E];
	_ =	swait.ge [sflag:s4], $0x0  }
0x19: {  	s7 =	sld [smem:$0x3F9F]  }
0x1a: {  	s8 =	sadd.s32 $0xFFFFE003, lr  }
0x1b: {  	s9 =	sadd.s32 $0xFFFFFEF7, lr;
	s5 =	simm.s32 $0xFFFFFFFF;
	p2 =	slt.u32 s8, $0xFFFFF086  }
0x1c: {  	p1 =	slt.u32 s9, $0xF7A;
	s5 =	simm.s32 @!p2 $0x0  }
0x1d: {  	s5 =	simm.s32 @p1 $0x1;
	p0 =	seq.s32 s7, s2  }
0x1e: {  	s7 =	smul.u32 @!p0 $0xF7A, s2;
	p2 =	seq.s32 @!p0 s5, $0x0  }
0x1f: {  	s9 =	smul.u32 $0xF7A, s1;
	s8 =	simm.s32 @!p0 $0x1BF5;
	p2 =	por !p2, p0  }
0x20: {  	[sflag:s8] =	ssyncset.s32 @!p0 $0xFFFFF086;
	s6 =	sadd.s32 @!p0 s3, s7;
	s7 =	simm.s32 @!p0 $0x108  }
0x21: {  	s3 =	sadd.s32 s3, s9;
	s6 =	sadd.s32 @!p0 $0x88, s6;
	s7 =	simm.s32 @p2 $0x1082  }
0x22: {  	[simem:s7], [sflag:s8] =	dma.local @!p0 [hbm:s6], $0xF7A  }
0x23: {  	s9 =	sor.u32 $0xD0000000, s2;
	s6 =	simm.s32 $0x108;
	_ =	swait.ge @!p0 [sflag:s8], $0x0  }
0x24: {  	s3 =	sadd.s32 $0x88, s3;
	s6 =	simm.s32 @!p1 $0x1082;
	[sflag:s4] =	ssyncset.s32 $0xFFFFF086  }
0x25: {  	[simem:s6], [sflag:s4] =	dma.local [hbm:s3], $0xF7A  }
0x26: {  	[smem:$0x3F9F] =	sst s1;
	(tag) =	ssettag s2;
	_ =	strace s9  }
0x27: {  	s1 =	sld [smem:$0x3FAF]  }
0x28: {  	s2 =	sld [smem:$0x3FB0]  }
0x29: {  	s4 =	sld [smem:$0x3FB2]  }
0x2a: {  	p0 =	seq.s32 s5, $0x0;
	s5 =	sld [smem:$0x3FB3]  }
0x2b: {  	s6 =	sld [smem:$0x3FB4]  }
0x2c: {  	s7 =	sld [smem:$0x3FB5]  }
0x2d: {  	s3 =	simm.s32 $0x108;
	s8 =	sld [smem:$0x3FB6]  }
0x2e: {  	s3 =	simm.s32 @!p0 $0x1082;
	s9 =	sld [smem:$0x3FB7]  }
0x2f: {  	lr =	sadd.s32 s0, s3;
	s0 =	sld [smem:$0x3FAE]  }
0x30: {  	s3 =	sld [smem:$0x3FB1]  }
0x31: {  	[smem:$0x3FBA] =	sst s10  }
0x32: {  	s10 =	sld [smem:$0x3FB8];
	_ =	sdelay $0x3  }
0x33: {  	p0 =	seq.s32 s10, $0x1;
	s10 =	sld [smem:$0x3FBA];
	_ =	sdelay $0x3  }
0x34: {  	[smem:$0x3FBA] =	sst s10  }
0x35: {  	s10 =	sld [smem:$0x3FB9];
	_ =	sdelay $0x3  }
0x36: {  	p1 =	seq.s32 s10, $0x1;
	s10 =	sld [smem:$0x3FBA];
	_ =	sdelay $0x3  }
0x37: {  	[smem:$0x3FBA] =	sst s10  }
0x38: {  	s10 =	sld [smem:$0x3FBB]  }
0x39: {  	_ = 	snop;
	(pc) =	sbr.ind lr, $3  }
0x3a: {  	_ = 	snop  }
0x3b: {  	_ = 	snop  }
0x3c: {  	p2 =	seq.s32 s10, $0x1;
	s10 =	sld [smem:$0x3FBA]  }
0x3d: {  	_ =	shalt  }
0x3e: {  	_ =	shalt  }
0x3f: {  	_ =	shalt  }
0x40: {  	_ =	shalt  }
0x41: {  	_ =	shalt  }
0x42: {  	_ =	shalt  }
0x43: {  	_ =	shalt  }
0x44: {  	_ =	shalt  }
0x45: {  	_ =	shalt  }
0x46: {  	_ =	shalt  }
0x47: {  	_ =	shalt  }
0x48: {  	_ =	shalt  }
0x49: {  	_ =	shalt  }
0x4a: {  	_ =	shalt  }
0x4b: {  	_ =	shalt  }
0x4c: {  	_ =	shalt  }
0x4d: {  	_ =	shalt  }
0x4e: {  	_ =	shalt  }
0x4f: {  	_ =	shalt  }
0x50: {  	_ =	shalt  }
0x51: {  	_ =	shalt  }
0x52: {  	_ =	shalt  }
0x53: {  	_ =	shalt  }
0x54: {  	_ =	shalt  }
0x55: {  	_ =	shalt  }
0x56: {  	_ =	shalt  }
0x57: {  	_ =	shalt  }
0x58: {  	_ =	shalt  }
0x59: {  	_ =	shalt  }
0x5a: {  	_ =	shalt  }
0x5b: {  	_ =	shalt  }
0x5c: {  	_ =	shalt  }
0x5d: {  	_ =	shalt  }
0x5e: {  	_ =	shalt  }
0x5f: {  	_ =	shalt  }
0x60: {  	_ =	shalt  }
0x61: {  	_ =	shalt  }
0x62: {  	_ =	shalt  }
0x63: {  	_ =	shalt  }
0x64: {  	_ =	shalt  }
0x65: {  	_ =	shalt  }
0x66: {  	_ =	shalt  }
0x67: {  	_ =	shalt  }
0x68: {  	_ =	shalt  }
0x69: {  	_ =	shalt  }
0x6a: {  	_ =	shalt  }
0x6b: {  	_ =	shalt  }
0x6c: {  	_ =	shalt  }
0x6d: {  	_ =	shalt  }
0x6e: {  	_ =	shalt  }
0x6f: {  	_ =	shalt  }
0x70: {  	_ =	shalt  }
0x71: {  	_ =	shalt  }
0x72: {  	_ =	shalt  }
0x73: {  	_ =	shalt  }
0x74: {  	_ =	shalt  }
0x75: {  	_ =	shalt  }
0x76: {  	_ =	shalt  }
0x77: {  	_ =	shalt  }
0x78: {  	_ =	shalt  }
0x79: {  	_ =	shalt  }
0x7a: {  	_ =	shalt  }
0x7b: {  	_ =	shalt  }
0x7c: {  	_ =	shalt  }
0x7d: {  	_ =	shalt  }
0x7e: {  	_ =	shalt  }
0x7f: {  	_ =	shalt  }
0x80: {  	_ =	shalt  }
0x81: {  	_ =	shalt  }
0x82: {  	_ =	shalt  }
0x83: {  	_ =	shalt  }
0x84: {  	_ =	shalt  }
0x85: {  	_ =	shalt  }
0x86: {  	_ =	shalt  }
0x87: {  	_ =	shalt  }
.Lfunc_end0:
.L_simem_size_0:
called_computation_lowered:
.L_overlay_start_0:
0x88: {  	s2 =	sld [smem:$0x3FD9]  }
0x89: {  	s3 =	sld [smem:$0x3FFE];
	_ =	sdelay $0x1  }
0x8a: {  	s1 =	srdreg.scid  }
0x8b: {  	s0 =	sand.u32 $0x1, s1  }
0x8c: {  	s17 =	sshll.u32 s0, $0xA;
	s2 =	sadd.s32 s3, s2  }
0x8d: {  	s2 =	sadd.s32 s2, s17  }
0x8e: {  	[smem:$0x3FC6] =	sst s2  }
0x8f: {  	_ = 	snop  }
0x90: {  	s2 =	sld [smem:$0x3FC9]  }
0x91: {  	s18 =	sld [smem:$0x3FC8]  }
0x92: {  	s4 =	sld [smem:$0x3FD0];
	(tm) =	ssettm $0x1  }
0x93: {  	s5 =	sld [smem:$0x3FFB];
	_ =	sdelay $0x3  }
0x94: {  	_ =	strace s5  }
0x95: {  	s5 =	sld [smem:$0x3FFC];
	_ =	sdelay $0x3  }
0x96: {  	_ =	strace s5  }
0x97: {  	s5 =	sld [smem:$0x3FFD];
	_ =	sdelay $0x3  }
0x98: {  	_ =	strace s5  }
0x99: {  	_ =	strace $0x8FFFFFFF  }
0x9a: {  	s19 =	sld [smem:$0x3FDB];
	_ =	sdelay $0x1  }
0x9b: {  	s6 =	simm.s32 $_scs_section_size  }
0x9c: {  	s7 =	simm.s32 $_size__tile_overlayer_lowered;
	s8 =	simm.s32 $_tile_overlayer_lowered  }
0x9d: {  	s22 =	simm.s32 $0x1BFF;
	s21 =	sshll.u32 s8, $0x1;
	s5 =	sadd.s32 s6, s19  }
0x9e: {  	s9 =	simm.s32 $0x0;
	s20 =	sshll.u32 s7, $0x1;
	s7 =	sadd.s32 s21, s5  }
0x9f: {  	[timem:s9], [sflag:s22] =	dma.local [hbm:s7], s20  }
0xa0: {  	_ =	swait.ge [sflag:s22], s20  }
0xa1: {  	s6 =	ssub.s32 $0x0, s20;
	[sflag:s22] =	ssyncset.done $0x0  }
0xa2: {  	[sflag:s22] =	ssyncadd.s32 s6;
	_ =	sdelay $0x1  }
0xa3: {  	s23 =	simm.s32 $0x1B8B  }
0xa4: {  	_ =	swait.ge [sflag:s23], $0x1  }
0xa5: {  	[sflag:s23] =	ssyncset.done $0x0  }
0xa6: {  	s25 =	simm.s32 $0x1B8E;
	s24 =	sld [smem:$0x3FFE];
	[sflag:s23] =	ssyncadd.s32 $0xFFFFFFFF  }
0xa7: {  	s26 =	simm.s32 $execute0_lowered;
	[smem:$0x3FD2] =	sst s25  }
0xa8: {  	s7 =	sshll.u32 s26, $0x1;
	_ =	strace $0x80000046;
	[dreg:$0x1] =	wrdreg $0xFFFFFFFF  }
0xa9: {  	s28 =	simm.s32 $_size_execute0_lowered;
	s5 =	sadd.s32 s5, s7;
	[dreg:$0x0] =	wrdreg $0x0  }
0xaa: {  	s7 =	sshll.u32 s28, $0x1;
	[dreg:$0x2] =	wrdreg s5  }
0xab: {  	[dreg:$0x3] =	wrdreg s7  }
0xac: {  	[dreg:$0x4] =	wrdreg $0xC0  }
0xad: {  	_ =	task [dreg:s9], $0x5FFFF  }
0xae: {  	[dreg:$0x1] =	wrdreg $0xFFFFFFFF  }
0xaf: {  	[dreg:$0x0] =	wrdreg $0x60  }
0xb0: {  	[dreg:$0x2] =	wrdreg s2  }
0xb1: {  	[dreg:$0x3] =	wrdreg s18  }
0xb2: {  	[dreg:$0x4] =	wrdreg s24  }
0xb3: {  	[dreg:$0x5] =	wrdreg s4  }
0xb4: {  	[dreg:$0x6] =	wrdreg $0x9  }
0xb5: {  	_ =	task.clear_ibuf [dreg:s9], $0x7FFFF;
	_ =	strace $0x90000046  }
0xb6: {  	s29 =	simm.s32 $0x9;
	_ =	strace $0x80000048  }
0xb7: {  	_ =	swait.ge [sflag:s29], $0x1  }
0xb8: {  	[sflag:s29] =	ssyncadd.s32 $0xFFFFFFFF  }
0xb9: {  	_ =	strace $0x90000048  }
0xba: {  	_ =	sfence  }
0xbb: {  	s30 =	sld [smem:$0x0];
	_ =	sdelay $0x2  }
0xbc: {  	s31 =	sshll.u32 s1, $0xD;
	s1 =	sshrl.u32 s1, $0x2  }
0xbd: {  	s3 =	sand.u32 $0x4000, s31;
	s1 =	sadd.s32 s1, s30  }
0xbe: {  	s0 =	sor.u32 s3, s0;
	s1 =	sshll.u32 s1, $0x11  }
0xbf: {  	s0 =	sor.u32 s1, s0  }
0xc0: {  	s0 =	sadd.s32 $0x8F2B, s0  }
0xc1: {  	[sflag:s0] =	ssyncadd.remote.s32 $0x1  }
0xc2: {  	_ =	sfence.sel $0xFFFF  }
0xc3: {  	[dreg:$0x0] =	wrdreg $0xFFFFFFFF;
	(pc) =	sbr.abs _section_cstart, $3  }
0xc4: {  	[dreg:$0x1] =	wrdreg $0xFFFFFFFF  }
0xc5: {  	_ =	task.clear_ibuf [dreg:s9], $0x2FFFF;
	_ =	strace $0x9FFFFFFF  }
0xc6: {  	(tm) =	ssettm $0x7FFFFFFF  }
0xc7: {  	_ =	shalt  }
tec
execute0_lowered:
.L_overlay_start_1:
0x0: {  	(tag) =	ssettag $0x1  }
0x1: {  	s0 =	rddreg [dreg:$0x0]  }
0x2: {  	s1 =	rddreg [dreg:$0x1]  }
0x3: {  	s2 =	rddreg [dreg:$0x2];
	s4 =	srdreg.scid  }
0x4: {  	s5 =	stileid.u32;
	s3 =	rddreg [dreg:$0x3]  }
0x5: {  	s29 =	simm.s32 $0xD900;
	s6 =	sand.u32 $0x1, s4;
	s5 =	sshll.u32 s5, $0x1  }
0x6: {  	s30 =	simm.s32 $0x1;
	s28 =	simm.s32 $0x3;
	s7 =	sor.u32 s6, s5  }
0x7: {  	s31 =	simm.s32 $0x7;
	s9 =	simm.s32 $0x9;
	s5 =	smul.u32 $0x1900, s7  }
0x8: {  	s10 =	simm.s32 $0x6;
	s4 =	simm.s32 $0x0;
	s8 =	smul.u32 $0xC8000, s7  }
0x9: {  	s11 =	simm.s32 $0x0;
	[smem:$0x7FF] =	sst s4;
	s7 =	smul.u32 $0x19000, s7  }
0xa: {  	s2 =	sadd.s32 $0x400, s2;
	s6 =	ssub.s32 $0x2, s6;
	_ =	strace $0x80000047  }
0xb: {  	[dreg:$0x5] =	wrdreg s2;
	s14 =	sshrl.u32 s6, $0x1;
	s16 =	sadd.s32 s3, s7  }
0xc: {  	s2 =	ssub.s32 s6, s14;
	s19 =	sadd.s32 $0x180, s5;
	[dreg:$0x7] =	wrdreg s16  }
0xd: {  	s14 =	simm.s32 $0xA;
	s20 =	sadd.s32 $0x200, s5;
	[dreg:$0xa] =	wrdreg s19  }
0xe: {  	s15 =	sshrl.u32 s5, $0x3;
	s21 =	sadd.s32 $0x280, s5;
	[dreg:$0xb] =	wrdreg s20  }
0xf: {  	s8 =	sshrl.u32 s8, $0x3;
	s26 =	smax.u32 s2, $0x1;
	[dreg:$0xc] =	wrdreg s21  }
0x10: {  	s2 =	simm.s32 $0x11900;
	s0 =	sadd.s32 s0, s15;
	[dreg:$0x12] =	wrdreg s26  }
0x11: {  	s17 =	sadd.s32 s3, s8;
	s6 =	sadd.s32 $0x800, s16;
	[dreg:$0x6] =	wrdreg s0  }
0x12: {  	s7 =	simm.s32 $0x5;
	[dreg:$0x8] =	wrdreg s6;
	s18 =	sadd.s32 $0x1000, s17  }
0x13: {  	s26 =	simm.s32 $0x9900;
	s22 =	sadd.s32 $0x16800, s17;
	[dreg:$0x9] =	wrdreg s18  }
0x14: {  	s20 =	simm.s32 $0x4;
	s23 =	sadd.s32 $0x17000, s17;
	[dreg:$0xd] =	wrdreg s22  }
0x15: {  	s15 =	simm.s32 $0xB;
	s24 =	sadd.s32 $0x17800, s17;
	[dreg:$0xe] =	wrdreg s23  }
0x16: {  	s16 =	simm.s32 $0xC;
	s25 =	sadd.s32 $0x18000, s17;
	[dreg:$0xf] =	wrdreg s24  }
0x17: {  	s0 =	sadd.s32 $0x18800, s17;
	s6 =	simm.s32 $0x8;
	[dreg:$0x10] =	wrdreg s25  }
0x18: {  	[dreg:$0x11] =	wrdreg s0;
	s22 =	simm.s32 $0x80;
	s23 =	simm.s32 $0x1900  }
0x19: {  	s24 =	simm.s32 $0x5900;
	s0 =	simm.s32 $0x2;
	s25 =	simm.s32 $0x15900  }
.LBB2_1:
0x1a: {  	[dreg:$0x13] =	wrdreg s11  }
0x1b: {  	s8 =	rddreg [dreg:$0x5];
	s13 =	simm.s32 $0x19900;
	s17 =	simm.s32 $0xD  }
0x1c: {  	[tilespmem:s13], [sflag:$0xD] =	stream.linear.gather [hbm4b:s8+s4], $0x1, $0x38;
	[tilespmem:$0x19980] =	vst v63  }
0x1d: {  	_ =	swait.ge [sflag:s17], $0x1  }
0x1e: {  	[sflag:s17] =	ssyncset.done $0x0  }
0x1f: {  	s18 =	rddreg [dreg:$0x6];
	[sflag:s17] =	ssyncadd.s32 $0xFFFFFFFF  }
0x20: {  	v0 =	vld.msk [tilespmem:$0x19900 ss:$0x0], $0xffff;
	[tilespmem:s4], [sflag:$0xD] =	stream.linear.gather [hbm4b:s18+s4], $0x1900, $0x38  }
0x21: {  	_ =	swait.ge [sflag:s17], $0x1900  }
0x22: {  	[sflag:s17] =	ssyncset.done $0x0  }
0x23: {  	[sflag:s17] =	ssyncadd.s32 $0xFFFFE700  }
0x24: {  	[tilespmem:s23], [sflag:$0x1] =	stream.indirect.gather [hbm4b:s1+s22], $0x80, s4, s22, $0xb8;
	[tilespmem:$0x19980] =	vst v63  }
0x25: {  	_ = 	snop  }
0x26: {  	[tilespmem:s24], [sflag:$0x2] =	stream.indirect.gather [hbm4b:s1+s22], $0x80, s22, s22, $0xb8;
	[tilespmem:$0x19980] =	vst v63  }
0x27: {  	s19 =	simm.s32 $0x100  }
0x28: {  	[tilespmem:s26], [sflag:$0x3] =	stream.indirect.gather [hbm4b:s1+s22], $0x80, s19, s22, $0xb8;
	[tilespmem:$0x19980] =	vst v63  }
0x29: {  	s21 =	simm.s32 $0x180  }
0x2a: {  	[tilespmem:s29], [sflag:$0x4] =	stream.indirect.gather [hbm4b:s1+s22], $0x80, s21, s22, $0xb8;
	[tilespmem:$0x19980] =	vst v63  }
0x2b: {  	_ =	swait.ge [sflag:s30], $0x4000  }
0x2c: {  	[sflag:s30] =	ssyncset.done $0x0  }
0x2d: {  	s8 =	simm.s32 $0x1980;
	[sflag:s30] =	ssyncadd.s32 $0xFFFFC000  }
0x2e: {  	v1 =	vld [tilespmem:s8+$0x70]  }
0x2f: {  	v2 =	vld [tilespmem:s8+$0xFFFFFF90]  }
0x30: {  	v3 =	vld [tilespmem:s8+$0xFFFFFFA0]  }
0x31: {  	v4 =	vld [tilespmem:s8+$0xFFFFFFB0]  }
0x32: {  	v5 =	vld [tilespmem:s8+$0xFFFFFFC0]  }
0x33: {  	v6 =	vld [tilespmem:s8+$0xFFFFFFD0];
	v1 =	vmul.f32 v1, v0  }
0x34: {  	v7 =	vld [tilespmem:s8+$0xFFFFFFE0];
	v2 =	vmul.f32 v2, v0  }
0x35: {  	v8 =	vld [tilespmem:s8+$0xFFFFFFF0];
	v3 =	vmul.f32 v3, v0;
	[tilespmem:s8+$0x70] =	vst v1  }
0x36: {  	[tilespmem:s8+$0xFFFFFF90] =	vst v2;
	v1 =	vmul.f32 v4, v0;
	v4 =	vld [tilespmem:s8+$0x0]  }
0x37: {  	[tilespmem:s8+$0xFFFFFFA0] =	vst v3;
	v2 =	vmul.f32 v5, v0;
	v5 =	vld [tilespmem:s8+$0x10]  }
0x38: {  	v9 =	vld [tilespmem:s8+$0x20];
	v3 =	vmul.f32 v6, v0;
	[tilespmem:s8+$0xFFFFFFB0] =	vst v1  }
0x39: {  	v6 =	vmul.f32 v7, v0;
	[tilespmem:s8+$0xFFFFFFC0] =	vst v2;
	v1 =	vld [tilespmem:s8+$0x30]  }
0x3a: {  	v7 =	vmul.f32 v8, v0;
	[tilespmem:s8+$0xFFFFFFD0] =	vst v3;
	v2 =	vld [tilespmem:s8+$0x40]  }
0x3b: {  	[tilespmem:s8+$0xFFFFFFE0] =	vst v6;
	v3 =	vld [tilespmem:s8+$0x50];
	v8 =	vmul.f32 v4, v0  }
0x3c: {  	[tilespmem:s8+$0xFFFFFFF0] =	vst v7;
	v4 =	vld [tilespmem:s8+$0x60];
	v6 =	vmul.f32 v5, v0  }
0x3d: {  	s11 =	simm.s32 $0x0;
	s12 =	simm.s32 $0x1A80;
	v7 =	vmul.f32 v9, v0;
	v5 =	vld [tilespmem:s8+$0xFFFFFF80];
	[tilespmem:s8+$0x0] =	vst v8  }
.LBB2_2:
0x3e: {  	v8 =	vld [tilespmem:s12+$0x70];
	s11 =	sadd.s32 $0x2, s11;
	[tilespmem:s8+$0x10] =	vst v6;
	v1 =	vmul.f32 v1, v0  }
0x3f: {  	v6 =	vld [tilespmem:s12+$0xFFFFFF90];
	p0 =	slt.u32 s11, $0x7E;
	[tilespmem:s8+$0x20] =	vst v7;
	v2 =	vmul.f32 v2, v0  }
0x40: {  	v7 =	vld [tilespmem:s12+$0xFFFFFFA0];
	[tilespmem:s8+$0x30] =	vst v1;
	v1 =	vmul.f32 v3, v0  }
0x41: {  	v3 =	vld [tilespmem:s12+$0xFFFFFFB0];
	[tilespmem:s8+$0x40] =	vst v2;
	v2 =	vmul.f32 v4, v0  }
0x42: {  	v4 =	vld [tilespmem:s12+$0xFFFFFFC0];
	v5 =	vmul.f32 v5, v0;
	[tilespmem:s8+$0x50] =	vst v1  }
0x43: {  	v1 =	vld [tilespmem:s12+$0xFFFFFFD0];
	v8 =	vmul.f32 v8, v0;
	[tilespmem:s8+$0x60] =	vst v2  }
0x44: {  	v2 =	vmul.f32 v6, v0;
	v6 =	vld [tilespmem:s12+$0xFFFFFFE0];
	[tilespmem:s8+$0xFFFFFF80] =	vst v5;
	s8 =	smov.u32 s12  }
0x45: {  	v5 =	vmul.f32 v7, v0;
	v7 =	vld [tilespmem:s12+$0xFFFFFFF0];
	[tilespmem:s12+$0x70] =	vst v8  }
0x46: {  	[tilespmem:s12+$0xFFFFFF90] =	vst v2;
	v2 =	vmul.f32 v3, v0;
	v3 =	vld [tilespmem:s12+$0x0]  }
0x47: {  	[tilespmem:s12+$0xFFFFFFA0] =	vst v5;
	v4 =	vmul.f32 v4, v0;
	v5 =	vld [tilespmem:s12+$0x10]  }
0x48: {  	[tilespmem:s12+$0xFFFFFFB0] =	vst v2;
	v2 =	vmul.f32 v1, v0;
	v8 =	vld [tilespmem:s12+$0x20]  }
.Ltmp0:
0x49: {  	[tilespmem:s12+$0xFFFFFFC0] =	vst v4;
	v4 =	vmul.f32 v6, v0;
	v1 =	vld [tilespmem:s12+$0x30];
	(pc) =	sbr.rel @p0 .LBB2_2-.Ltmp0, $4  }
0x4a: {  	[tilespmem:s12+$0xFFFFFFD0] =	vst v2;
	v6 =	vmul.f32 v7, v0;
	v2 =	vld [tilespmem:s12+$0x40]  }
0x4b: {  	[tilespmem:s12+$0xFFFFFFE0] =	vst v4;
	v7 =	vmul.f32 v3, v0;
	v3 =	vld [tilespmem:s12+$0x50]  }
0x4c: {  	[tilespmem:s12+$0xFFFFFFF0] =	vst v6;
	v6 =	vmul.f32 v5, v0;
	v4 =	vld [tilespmem:s12+$0x60]  }
0x4d: {  	s12 =	sadd.s32 $0x100, s12;
	v5 =	vld [tilespmem:s8+$0xFFFFFF80];
	[tilespmem:s8+$0x0] =	vst v7;
	v7 =	vmul.f32 v8, v0  }
0x4e: {  	[tilespmem:s8+$0x10] =	vst v6;
	v1 =	vmul.f32 v1, v0  }
0x4f: {  	[tilespmem:s8+$0x20] =	vst v7;
	v2 =	vmul.f32 v2, v0  }
0x50: {  	[tilespmem:s8+$0x30] =	vst v1;
	v1 =	vmul.f32 v3, v0  }
0x51: {  	[tilespmem:s8+$0x40] =	vst v2;
	v2 =	vmul.f32 v4, v0  }
0x52: {  	v3 =	vmul.f32 v5, v0;
	[tilespmem:s8+$0x50] =	vst v1  }
0x53: {  	[tilespmem:s8+$0x60] =	vst v2  }
0x54: {  	[tilespmem:s8+$0xFFFFFF80] =	vst v3  }
0x55: {  	s8 =	rddreg [dreg:$0x7]  }
0x56: {  	[hbm4b:s8+s4] =	stream.linear.scatter [tilespmem:s23], [sflag:$0x7], $0x4000, $0x38;
	[tilespmem:$0x19980] =	vst v63  }
0x57: {  	s21 =	simm.s32 $0x200  }
0x58: {  	[tilespmem:s2], [sflag:$0x5] =	stream.indirect.gather [hbm4b:s1+s22], $0x80, s21, s22, $0xb8;
	[tilespmem:$0x19980] =	vst v63  }
0x59: {  	_ =	swait.ge [sflag:s0], $0x4000  }
0x5a: {  	[sflag:s0] =	ssyncset.done $0x0  }
0x5b: {  	s8 =	simm.s32 $0x5980;
	[sflag:s0] =	ssyncadd.s32 $0xFFFFC000  }
0x5c: {  	v1 =	vld [tilespmem:s8+$0x70]  }
0x5d: {  	v2 =	vld [tilespmem:s8+$0xFFFFFF90]  }
0x5e: {  	v3 =	vld [tilespmem:s8+$0xFFFFFFA0]  }
0x5f: {  	v4 =	vld [tilespmem:s8+$0xFFFFFFB0]  }
0x60: {  	v5 =	vld [tilespmem:s8+$0xFFFFFFC0]  }
0x61: {  	v6 =	vld [tilespmem:s8+$0xFFFFFFD0];
	v1 =	vmul.f32 v1, v0  }
0x62: {  	v7 =	vld [tilespmem:s8+$0xFFFFFFE0];
	v2 =	vmul.f32 v2, v0  }
0x63: {  	v8 =	vld [tilespmem:s8+$0xFFFFFFF0];
	v3 =	vmul.f32 v3, v0;
	[tilespmem:s8+$0x70] =	vst v1  }
0x64: {  	[tilespmem:s8+$0xFFFFFF90] =	vst v2;
	v1 =	vmul.f32 v4, v0;
	v4 =	vld [tilespmem:s8+$0x0]  }
0x65: {  	[tilespmem:s8+$0xFFFFFFA0] =	vst v3;
	v2 =	vmul.f32 v5, v0;
	v5 =	vld [tilespmem:s8+$0x10]  }
0x66: {  	v9 =	vld [tilespmem:s8+$0x20];
	v3 =	vmul.f32 v6, v0;
	[tilespmem:s8+$0xFFFFFFB0] =	vst v1  }
0x67: {  	v6 =	vmul.f32 v7, v0;
	[tilespmem:s8+$0xFFFFFFC0] =	vst v2;
	v1 =	vld [tilespmem:s8+$0x30]  }
0x68: {  	v7 =	vmul.f32 v8, v0;
	[tilespmem:s8+$0xFFFFFFD0] =	vst v3;
	v2 =	vld [tilespmem:s8+$0x40]  }
0x69: {  	[tilespmem:s8+$0xFFFFFFE0] =	vst v6;
	v3 =	vld [tilespmem:s8+$0x50];
	v8 =	vmul.f32 v4, v0  }
0x6a: {  	[tilespmem:s8+$0xFFFFFFF0] =	vst v7;
	v4 =	vld [tilespmem:s8+$0x60];
	v6 =	vmul.f32 v5, v0  }
0x6b: {  	s11 =	simm.s32 $0x0;
	s12 =	simm.s32 $0x5A80;
	v7 =	vmul.f32 v9, v0;
	v5 =	vld [tilespmem:s8+$0xFFFFFF80];
	[tilespmem:s8+$0x0] =	vst v8  }
.LBB2_4:
0x6c: {  	v8 =	vld [tilespmem:s12+$0x70];
	s11 =	sadd.s32 $0x2, s11;
	[tilespmem:s8+$0x10] =	vst v6;
	v1 =	vmul.f32 v1, v0  }
0x6d: {  	v6 =	vld [tilespmem:s12+$0xFFFFFF90];
	p0 =	slt.u32 s11, $0x7E;
	[tilespmem:s8+$0x20] =	vst v7;
	v2 =	vmul.f32 v2, v0  }
0x6e: {  	v7 =	vld [tilespmem:s12+$0xFFFFFFA0];
	[tilespmem:s8+$0x30] =	vst v1;
	v1 =	vmul.f32 v3, v0  }
0x6f: {  	v3 =	vld [tilespmem:s12+$0xFFFFFFB0];
	[tilespmem:s8+$0x40] =	vst v2;
	v2 =	vmul.f32 v4, v0  }
0x70: {  	v4 =	vld [tilespmem:s12+$0xFFFFFFC0];
	v5 =	vmul.f32 v5, v0;
	[tilespmem:s8+$0x50] =	vst v1  }
0x71: {  	v1 =	vld [tilespmem:s12+$0xFFFFFFD0];
	v8 =	vmul.f32 v8, v0;
	[tilespmem:s8+$0x60] =	vst v2  }
0x72: {  	v2 =	vmul.f32 v6, v0;
	v6 =	vld [tilespmem:s12+$0xFFFFFFE0];
	[tilespmem:s8+$0xFFFFFF80] =	vst v5;
	s8 =	smov.u32 s12  }
0x73: {  	v5 =	vmul.f32 v7, v0;
	v7 =	vld [tilespmem:s12+$0xFFFFFFF0];
	[tilespmem:s12+$0x70] =	vst v8  }
0x74: {  	[tilespmem:s12+$0xFFFFFF90] =	vst v2;
	v2 =	vmul.f32 v3, v0;
	v3 =	vld [tilespmem:s12+$0x0]  }
0x75: {  	[tilespmem:s12+$0xFFFFFFA0] =	vst v5;
	v4 =	vmul.f32 v4, v0;
	v5 =	vld [tilespmem:s12+$0x10]  }
0x76: {  	[tilespmem:s12+$0xFFFFFFB0] =	vst v2;
	v2 =	vmul.f32 v1, v0;
	v8 =	vld [tilespmem:s12+$0x20]  }
.Ltmp1:
0x77: {  	[tilespmem:s12+$0xFFFFFFC0] =	vst v4;
	v4 =	vmul.f32 v6, v0;
	v1 =	vld [tilespmem:s12+$0x30];
	(pc) =	sbr.rel @p0 .LBB2_4-.Ltmp1, $4  }
0x78: {  	[tilespmem:s12+$0xFFFFFFD0] =	vst v2;
	v6 =	vmul.f32 v7, v0;
	v2 =	vld [tilespmem:s12+$0x40]  }
0x79: {  	[tilespmem:s12+$0xFFFFFFE0] =	vst v4;
	v7 =	vmul.f32 v3, v0;
	v3 =	vld [tilespmem:s12+$0x50]  }
0x7a: {  	[tilespmem:s12+$0xFFFFFFF0] =	vst v6;
	v6 =	vmul.f32 v5, v0;
	v4 =	vld [tilespmem:s12+$0x60]  }
0x7b: {  	s12 =	sadd.s32 $0x100, s12;
	v5 =	vld [tilespmem:s8+$0xFFFFFF80];
	[tilespmem:s8+$0x0] =	vst v7;
	v7 =	vmul.f32 v8, v0  }
0x7c: {  	[tilespmem:s8+$0x10] =	vst v6;
	v1 =	vmul.f32 v1, v0  }
0x7d: {  	[tilespmem:s8+$0x20] =	vst v7;
	v2 =	vmul.f32 v2, v0  }
0x7e: {  	[tilespmem:s8+$0x30] =	vst v1;
	v1 =	vmul.f32 v3, v0  }
0x7f: {  	[tilespmem:s8+$0x40] =	vst v2;
	v2 =	vmul.f32 v4, v0  }
0x80: {  	v3 =	vmul.f32 v5, v0;
	[tilespmem:s8+$0x50] =	vst v1  }
0x81: {  	[tilespmem:s8+$0x60] =	vst v2  }
0x82: {  	[tilespmem:s8+$0xFFFFFF80] =	vst v3  }
0x83: {  	s8 =	rddreg [dreg:$0x8]  }
0x84: {  	[hbm4b:s8+s4] =	stream.linear.scatter [tilespmem:s24], [sflag:$0x8], $0x4000, $0x38;
	[tilespmem:$0x19980] =	vst v63  }
0x85: {  	s21 =	simm.s32 $0x280  }
0x86: {  	[tilespmem:s25], [sflag:$0x6] =	stream.indirect.gather [hbm4b:s1+s22], $0x80, s21, s22, $0xb8;
	[tilespmem:$0x19980] =	vst v63  }
0x87: {  	_ =	swait.ge [sflag:s28], $0x4000  }
0x88: {  	[sflag:s28] =	ssyncset.done $0x0  }
0x89: {  	s8 =	simm.s32 $0x9980;
	[sflag:s28] =	ssyncadd.s32 $0xFFFFC000  }
0x8a: {  	v1 =	vld [tilespmem:s8+$0x70]  }
0x8b: {  	v2 =	vld [tilespmem:s8+$0xFFFFFF90]  }
0x8c: {  	v3 =	vld [tilespmem:s8+$0xFFFFFFA0]  }
0x8d: {  	v4 =	vld [tilespmem:s8+$0xFFFFFFB0]  }
0x8e: {  	v5 =	vld [tilespmem:s8+$0xFFFFFFC0]  }
0x8f: {  	v6 =	vld [tilespmem:s8+$0xFFFFFFD0];
	v1 =	vmul.f32 v1, v0  }
0x90: {  	v7 =	vld [tilespmem:s8+$0xFFFFFFE0];
	v2 =	vmul.f32 v2, v0  }
0x91: {  	v8 =	vld [tilespmem:s8+$0xFFFFFFF0];
	v3 =	vmul.f32 v3, v0;
	[tilespmem:s8+$0x70] =	vst v1  }
0x92: {  	[tilespmem:s8+$0xFFFFFF90] =	vst v2;
	v1 =	vmul.f32 v4, v0;
	v4 =	vld [tilespmem:s8+$0x0]  }
0x93: {  	[tilespmem:s8+$0xFFFFFFA0] =	vst v3;
	v2 =	vmul.f32 v5, v0;
	v5 =	vld [tilespmem:s8+$0x10]  }
0x94: {  	v9 =	vld [tilespmem:s8+$0x20];
	v3 =	vmul.f32 v6, v0;
	[tilespmem:s8+$0xFFFFFFB0] =	vst v1  }
0x95: {  	v6 =	vmul.f32 v7, v0;
	[tilespmem:s8+$0xFFFFFFC0] =	vst v2;
	v1 =	vld [tilespmem:s8+$0x30]  }
0x96: {  	v7 =	vmul.f32 v8, v0;
	[tilespmem:s8+$0xFFFFFFD0] =	vst v3;
	v2 =	vld [tilespmem:s8+$0x40]  }
0x97: {  	[tilespmem:s8+$0xFFFFFFE0] =	vst v6;
	v3 =	vld [tilespmem:s8+$0x50];
	v8 =	vmul.f32 v4, v0  }
0x98: {  	[tilespmem:s8+$0xFFFFFFF0] =	vst v7;
	v4 =	vld [tilespmem:s8+$0x60];
	v6 =	vmul.f32 v5, v0  }
0x99: {  	s11 =	simm.s32 $0x0;
	s12 =	simm.s32 $0x9A80;
	v7 =	vmul.f32 v9, v0;
	v5 =	vld [tilespmem:s8+$0xFFFFFF80];
	[tilespmem:s8+$0x0] =	vst v8  }
.LBB2_6:
0x9a: {  	v8 =	vld [tilespmem:s12+$0x70];
	s11 =	sadd.s32 $0x2, s11;
	[tilespmem:s8+$0x10] =	vst v6;
	v1 =	vmul.f32 v1, v0  }
0x9b: {  	v6 =	vld [tilespmem:s12+$0xFFFFFF90];
	p0 =	slt.u32 s11, $0x7E;
	[tilespmem:s8+$0x20] =	vst v7;
	v2 =	vmul.f32 v2, v0  }
0x9c: {  	v7 =	vld [tilespmem:s12+$0xFFFFFFA0];
	[tilespmem:s8+$0x30] =	vst v1;
	v1 =	vmul.f32 v3, v0  }
0x9d: {  	v3 =	vld [tilespmem:s12+$0xFFFFFFB0];
	[tilespmem:s8+$0x40] =	vst v2;
	v2 =	vmul.f32 v4, v0  }
0x9e: {  	v4 =	vld [tilespmem:s12+$0xFFFFFFC0];
	v5 =	vmul.f32 v5, v0;
	[tilespmem:s8+$0x50] =	vst v1  }
0x9f: {  	v1 =	vld [tilespmem:s12+$0xFFFFFFD0];
	v8 =	vmul.f32 v8, v0;
	[tilespmem:s8+$0x60] =	vst v2  }
0xa0: {  	v2 =	vmul.f32 v6, v0;
	v6 =	vld [tilespmem:s12+$0xFFFFFFE0];
	[tilespmem:s8+$0xFFFFFF80] =	vst v5;
	s8 =	smov.u32 s12  }
0xa1: {  	v5 =	vmul.f32 v7, v0;
	v7 =	vld [tilespmem:s12+$0xFFFFFFF0];
	[tilespmem:s12+$0x70] =	vst v8  }
0xa2: {  	[tilespmem:s12+$0xFFFFFF90] =	vst v2;
	v2 =	vmul.f32 v3, v0;
	v3 =	vld [tilespmem:s12+$0x0]  }
0xa3: {  	[tilespmem:s12+$0xFFFFFFA0] =	vst v5;
	v4 =	vmul.f32 v4, v0;
	v5 =	vld [tilespmem:s12+$0x10]  }
0xa4: {  	[tilespmem:s12+$0xFFFFFFB0] =	vst v2;
	v2 =	vmul.f32 v1, v0;
	v8 =	vld [tilespmem:s12+$0x20]  }
.Ltmp2:
0xa5: {  	[tilespmem:s12+$0xFFFFFFC0] =	vst v4;
	v4 =	vmul.f32 v6, v0;
	v1 =	vld [tilespmem:s12+$0x30];
	(pc) =	sbr.rel @p0 .LBB2_6-.Ltmp2, $4  }
0xa6: {  	[tilespmem:s12+$0xFFFFFFD0] =	vst v2;
	v6 =	vmul.f32 v7, v0;
	v2 =	vld [tilespmem:s12+$0x40]  }
0xa7: {  	[tilespmem:s12+$0xFFFFFFE0] =	vst v4;
	v7 =	vmul.f32 v3, v0;
	v3 =	vld [tilespmem:s12+$0x50]  }
0xa8: {  	[tilespmem:s12+$0xFFFFFFF0] =	vst v6;
	v6 =	vmul.f32 v5, v0;
	v4 =	vld [tilespmem:s12+$0x60]  }
0xa9: {  	s12 =	sadd.s32 $0x100, s12;
	v5 =	vld [tilespmem:s8+$0xFFFFFF80];
	[tilespmem:s8+$0x0] =	vst v7;
	v7 =	vmul.f32 v8, v0  }
0xaa: {  	[tilespmem:s8+$0x10] =	vst v6;
	v1 =	vmul.f32 v1, v0  }
0xab: {  	[tilespmem:s8+$0x20] =	vst v7;
	v2 =	vmul.f32 v2, v0  }
0xac: {  	[tilespmem:s8+$0x30] =	vst v1;
	v1 =	vmul.f32 v3, v0  }
0xad: {  	[tilespmem:s8+$0x40] =	vst v2;
	v2 =	vmul.f32 v4, v0  }
0xae: {  	v3 =	vmul.f32 v5, v0;
	[tilespmem:s8+$0x50] =	vst v1  }
0xaf: {  	[tilespmem:s8+$0x60] =	vst v2  }
0xb0: {  	[tilespmem:s8+$0xFFFFFF80] =	vst v3  }
0xb1: {  	s18 =	simm.s32 $0x0;
	s8 =	rddreg [dreg:$0x9]  }
0xb2: {  	[hbm4b:s8+s18] =	stream.linear.scatter [tilespmem:s26], [sflag:$0x9], $0x4000, $0x38;
	[tilespmem:$0x19980] =	vst v63  }
.LBB2_8:
0xb3: {  	_ =	swait.ge [sflag:s31], $0x4000;
	s17 =	smul.u32 $0x300, s18  }
0xb4: {  	[sflag:s31] =	ssyncset.done $0x0  }
0xb5: {  	[sflag:s31] =	ssyncadd.s32 $0xFFFFC000;
	s19 =	sadd.s32 $0x300, s17  }
0xb6: {  	[tilespmem:s23], [sflag:$0x1] =	stream.indirect.gather [hbm4b:s1+s22], $0x80, s19, s22, $0xb8;
	[tilespmem:$0x19980] =	vst v63  }
0xb7: {  	_ =	swait.ge [sflag:s20], $0x4000  }
0xb8: {  	[sflag:s20] =	ssyncset.done $0x0  }
0xb9: {  	s8 =	simm.s32 $0xD980;
	[sflag:s20] =	ssyncadd.s32 $0xFFFFC000  }
0xba: {  	v1 =	vld [tilespmem:s8+$0x70]  }
0xbb: {  	v2 =	vld [tilespmem:s8+$0xFFFFFF90]  }
0xbc: {  	v3 =	vld [tilespmem:s8+$0xFFFFFFA0]  }
0xbd: {  	v4 =	vld [tilespmem:s8+$0xFFFFFFB0]  }
0xbe: {  	v5 =	vld [tilespmem:s8+$0xFFFFFFC0]  }
0xbf: {  	v6 =	vld [tilespmem:s8+$0xFFFFFFD0];
	v1 =	vmul.f32 v1, v0  }
0xc0: {  	v7 =	vld [tilespmem:s8+$0xFFFFFFE0];
	v2 =	vmul.f32 v2, v0  }
0xc1: {  	v8 =	vld [tilespmem:s8+$0xFFFFFFF0];
	v3 =	vmul.f32 v3, v0;
	[tilespmem:s8+$0x70] =	vst v1  }
0xc2: {  	[tilespmem:s8+$0xFFFFFF90] =	vst v2;
	v1 =	vmul.f32 v4, v0;
	v4 =	vld [tilespmem:s8+$0x0]  }
0xc3: {  	[tilespmem:s8+$0xFFFFFFA0] =	vst v3;
	v2 =	vmul.f32 v5, v0;
	v5 =	vld [tilespmem:s8+$0x10]  }
0xc4: {  	v9 =	vld [tilespmem:s8+$0x20];
	v3 =	vmul.f32 v6, v0;
	[tilespmem:s8+$0xFFFFFFB0] =	vst v1  }
0xc5: {  	v6 =	vmul.f32 v7, v0;
	[tilespmem:s8+$0xFFFFFFC0] =	vst v2;
	v1 =	vld [tilespmem:s8+$0x30]  }
0xc6: {  	v7 =	vmul.f32 v8, v0;
	[tilespmem:s8+$0xFFFFFFD0] =	vst v3;
	v2 =	vld [tilespmem:s8+$0x40]  }
0xc7: {  	[tilespmem:s8+$0xFFFFFFE0] =	vst v6;
	v3 =	vld [tilespmem:s8+$0x50];
	v8 =	vmul.f32 v4, v0  }
0xc8: {  	[tilespmem:s8+$0xFFFFFFF0] =	vst v7;
	v4 =	vld [tilespmem:s8+$0x60];
	v6 =	vmul.f32 v5, v0  }
0xc9: {  	s11 =	simm.s32 $0x0;
	s12 =	simm.s32 $0xDA80;
	v7 =	vmul.f32 v9, v0;
	v5 =	vld [tilespmem:s8+$0xFFFFFF80];
	[tilespmem:s8+$0x0] =	vst v8  }
.LBB2_9:
0xca: {  	v8 =	vld [tilespmem:s12+$0x70];
	s11 =	sadd.s32 $0x2, s11;
	[tilespmem:s8+$0x10] =	vst v6;
	v1 =	vmul.f32 v1, v0  }
0xcb: {  	v6 =	vld [tilespmem:s12+$0xFFFFFF90];
	p0 =	slt.u32 s11, $0x7E;
	[tilespmem:s8+$0x20] =	vst v7;
	v2 =	vmul.f32 v2, v0  }
0xcc: {  	v7 =	vld [tilespmem:s12+$0xFFFFFFA0];
	[tilespmem:s8+$0x30] =	vst v1;
	v1 =	vmul.f32 v3, v0  }
0xcd: {  	v3 =	vld [tilespmem:s12+$0xFFFFFFB0];
	[tilespmem:s8+$0x40] =	vst v2;
	v2 =	vmul.f32 v4, v0  }
0xce: {  	v4 =	vld [tilespmem:s12+$0xFFFFFFC0];
	v5 =	vmul.f32 v5, v0;
	[tilespmem:s8+$0x50] =	vst v1  }
0xcf: {  	v1 =	vld [tilespmem:s12+$0xFFFFFFD0];
	v8 =	vmul.f32 v8, v0;
	[tilespmem:s8+$0x60] =	vst v2  }
0xd0: {  	v2 =	vmul.f32 v6, v0;
	v6 =	vld [tilespmem:s12+$0xFFFFFFE0];
	[tilespmem:s8+$0xFFFFFF80] =	vst v5;
	s8 =	smov.u32 s12  }
0xd1: {  	v5 =	vmul.f32 v7, v0;
	v7 =	vld [tilespmem:s12+$0xFFFFFFF0];
	[tilespmem:s12+$0x70] =	vst v8  }
0xd2: {  	[tilespmem:s12+$0xFFFFFF90] =	vst v2;
	v2 =	vmul.f32 v3, v0;
	v3 =	vld [tilespmem:s12+$0x0]  }
0xd3: {  	[tilespmem:s12+$0xFFFFFFA0] =	vst v5;
	v4 =	vmul.f32 v4, v0;
	v5 =	vld [tilespmem:s12+$0x10]  }
0xd4: {  	[tilespmem:s12+$0xFFFFFFB0] =	vst v2;
	v2 =	vmul.f32 v1, v0;
	v8 =	vld [tilespmem:s12+$0x20]  }
.Ltmp3:
0xd5: {  	[tilespmem:s12+$0xFFFFFFC0] =	vst v4;
	v4 =	vmul.f32 v6, v0;
	v1 =	vld [tilespmem:s12+$0x30];
	(pc) =	sbr.rel @p0 .LBB2_9-.Ltmp3, $4  }
0xd6: {  	[tilespmem:s12+$0xFFFFFFD0] =	vst v2;
	v6 =	vmul.f32 v7, v0;
	v2 =	vld [tilespmem:s12+$0x40]  }
0xd7: {  	[tilespmem:s12+$0xFFFFFFE0] =	vst v4;
	v7 =	vmul.f32 v3, v0;
	v3 =	vld [tilespmem:s12+$0x50]  }
0xd8: {  	[tilespmem:s12+$0xFFFFFFF0] =	vst v6;
	v6 =	vmul.f32 v5, v0;
	v4 =	vld [tilespmem:s12+$0x60]  }
0xd9: {  	s12 =	sadd.s32 $0x100, s12;
	v5 =	vld [tilespmem:s8+$0xFFFFFF80];
	[tilespmem:s8+$0x0] =	vst v7;
	v7 =	vmul.f32 v8, v0  }
0xda: {  	[tilespmem:s8+$0x10] =	vst v6;
	v1 =	vmul.f32 v1, v0  }
0xdb: {  	[tilespmem:s8+$0x20] =	vst v7;
	v2 =	vmul.f32 v2, v0  }
0xdc: {  	[tilespmem:s8+$0x30] =	vst v1;
	v1 =	vmul.f32 v3, v0  }
0xdd: {  	[tilespmem:s8+$0x40] =	vst v2  }
0xde: {  	[tilespmem:s8+$0x50] =	vst v1  }
0xdf: {  	v2 =	vmul.f32 v4, v0;
	s11 =	rddreg [dreg:$0xa]  }
0xe0: {  	v3 =	vmul.f32 v5, v0;
	s11 =	sadd.s32 s17, s11  }
0xe1: {  	[tilespmem:s8+$0x60] =	vst v2;
	s11 =	sshll.u32 s11, $0x4  }
0xe2: {  	[tilespmem:s8+$0xFFFFFF80] =	vst v3;
	s21 =	sadd.s32 s3, s11  }
0xe3: {  	[hbm4b:s21+s4] =	stream.linear.scatter [tilespmem:s29], [sflag:$0xA], $0x4000, $0x38;
	[tilespmem:$0x19980] =	vst v63  }
0xe4: {  	_ =	swait.ge [sflag:s6], $0x4000  }
0xe5: {  	[sflag:s6] =	ssyncset.done $0x0  }
0xe6: {  	s8 =	sadd.s32 $0x380, s17;
	[sflag:s6] =	ssyncadd.s32 $0xFFFFC000  }
0xe7: {  	[tilespmem:s24], [sflag:$0x2] =	stream.indirect.gather [hbm4b:s1+s22], $0x80, s8, s22, $0xb8;
	[tilespmem:$0x19980] =	vst v63  }
0xe8: {  	_ =	swait.ge [sflag:s7], $0x4000  }
0xe9: {  	[sflag:s7] =	ssyncset.done $0x0  }
0xea: {  	s21 =	simm.s32 $0x11980;
	[sflag:s7] =	ssyncadd.s32 $0xFFFFC000  }
0xeb: {  	v1 =	vld [tilespmem:s21+$0x70]  }
0xec: {  	v2 =	vld [tilespmem:s21+$0xFFFFFF90]  }
0xed: {  	v3 =	vld [tilespmem:s21+$0xFFFFFFA0]  }
0xee: {  	v4 =	vld [tilespmem:s21+$0xFFFFFFB0]  }
0xef: {  	v5 =	vld [tilespmem:s21+$0xFFFFFFC0]  }
0xf0: {  	v6 =	vld [tilespmem:s21+$0xFFFFFFD0];
	v1 =	vmul.f32 v1, v0  }
0xf1: {  	v7 =	vld [tilespmem:s21+$0xFFFFFFE0];
	v2 =	vmul.f32 v2, v0  }
0xf2: {  	v8 =	vld [tilespmem:s21+$0xFFFFFFF0];
	v3 =	vmul.f32 v3, v0;
	[tilespmem:s21+$0x70] =	vst v1  }
0xf3: {  	[tilespmem:s21+$0xFFFFFF90] =	vst v2;
	v1 =	vmul.f32 v4, v0;
	v4 =	vld [tilespmem:s21+$0x0]  }
0xf4: {  	[tilespmem:s21+$0xFFFFFFA0] =	vst v3;
	v2 =	vmul.f32 v5, v0;
	v5 =	vld [tilespmem:s21+$0x10]  }
0xf5: {  	v9 =	vld [tilespmem:s21+$0x20];
	v3 =	vmul.f32 v6, v0;
	[tilespmem:s21+$0xFFFFFFB0] =	vst v1  }
0xf6: {  	v6 =	vmul.f32 v7, v0;
	[tilespmem:s21+$0xFFFFFFC0] =	vst v2;
	v1 =	vld [tilespmem:s21+$0x30]  }
0xf7: {  	v7 =	vmul.f32 v8, v0;
	[tilespmem:s21+$0xFFFFFFD0] =	vst v3;
	v2 =	vld [tilespmem:s21+$0x40]  }
0xf8: {  	[tilespmem:s21+$0xFFFFFFE0] =	vst v6;
	v3 =	vld [tilespmem:s21+$0x50];
	v8 =	vmul.f32 v4, v0  }
0xf9: {  	[tilespmem:s21+$0xFFFFFFF0] =	vst v7;
	v4 =	vld [tilespmem:s21+$0x60];
	v6 =	vmul.f32 v5, v0  }
0xfa: {  	s12 =	simm.s32 $0x11A80;
	s11 =	simm.s32 $0x0;
	v7 =	vmul.f32 v9, v0;
	v5 =	vld [tilespmem:s21+$0xFFFFFF80];
	[tilespmem:s21+$0x0] =	vst v8  }
.LBB2_11:
0xfb: {  	v8 =	vld [tilespmem:s12+$0x70];
	s11 =	sadd.s32 $0x2, s11;
	[tilespmem:s21+$0x10] =	vst v6;
	v1 =	vmul.f32 v1, v0  }
0xfc: {  	v6 =	vld [tilespmem:s12+$0xFFFFFF90];
	p0 =	slt.u32 s11, $0x7E;
	[tilespmem:s21+$0x20] =	vst v7;
	v2 =	vmul.f32 v2, v0  }
0xfd: {  	v7 =	vld [tilespmem:s12+$0xFFFFFFA0];
	[tilespmem:s21+$0x30] =	vst v1;
	v1 =	vmul.f32 v3, v0  }
0xfe: {  	v3 =	vld [tilespmem:s12+$0xFFFFFFB0];
	[tilespmem:s21+$0x40] =	vst v2;
	v2 =	vmul.f32 v4, v0  }
0xff: {  	v4 =	vld [tilespmem:s12+$0xFFFFFFC0];
	v5 =	vmul.f32 v5, v0;
	[tilespmem:s21+$0x50] =	vst v1  }
0x100: {  	v1 =	vld [tilespmem:s12+$0xFFFFFFD0];
	v8 =	vmul.f32 v8, v0;
	[tilespmem:s21+$0x60] =	vst v2  }
0x101: {  	v2 =	vmul.f32 v6, v0;
	v6 =	vld [tilespmem:s12+$0xFFFFFFE0];
	[tilespmem:s21+$0xFFFFFF80] =	vst v5;
	s21 =	smov.u32 s12  }
0x102: {  	v5 =	vmul.f32 v7, v0;
	v7 =	vld [tilespmem:s12+$0xFFFFFFF0];
	[tilespmem:s12+$0x70] =	vst v8  }
0x103: {  	[tilespmem:s12+$0xFFFFFF90] =	vst v2;
	v2 =	vmul.f32 v3, v0;
	v3 =	vld [tilespmem:s12+$0x0]  }
0x104: {  	[tilespmem:s12+$0xFFFFFFA0] =	vst v5;
	v4 =	vmul.f32 v4, v0;
	v5 =	vld [tilespmem:s12+$0x10]  }
0x105: {  	[tilespmem:s12+$0xFFFFFFB0] =	vst v2;
	v2 =	vmul.f32 v1, v0;
	v8 =	vld [tilespmem:s12+$0x20]  }
.Ltmp4:
0x106: {  	[tilespmem:s12+$0xFFFFFFC0] =	vst v4;
	v4 =	vmul.f32 v6, v0;
	v1 =	vld [tilespmem:s12+$0x30];
	(pc) =	sbr.rel @p0 .LBB2_11-.Ltmp4, $4  }
0x107: {  	[tilespmem:s12+$0xFFFFFFD0] =	vst v2;
	v6 =	vmul.f32 v7, v0;
	v2 =	vld [tilespmem:s12+$0x40]  }
0x108: {  	[tilespmem:s12+$0xFFFFFFE0] =	vst v4;
	v7 =	vmul.f32 v3, v0;
	v3 =	vld [tilespmem:s12+$0x50]  }
0x109: {  	[tilespmem:s12+$0xFFFFFFF0] =	vst v6;
	v6 =	vmul.f32 v5, v0;
	v4 =	vld [tilespmem:s12+$0x60]  }
0x10a: {  	s12 =	sadd.s32 $0x100, s12;
	v5 =	vld [tilespmem:s21+$0xFFFFFF80];
	[tilespmem:s21+$0x0] =	vst v7;
	v7 =	vmul.f32 v8, v0  }
0x10b: {  	[tilespmem:s21+$0x10] =	vst v6;
	v1 =	vmul.f32 v1, v0  }
0x10c: {  	[tilespmem:s21+$0x20] =	vst v7;
	v2 =	vmul.f32 v2, v0  }
0x10d: {  	[tilespmem:s21+$0x30] =	vst v1;
	v1 =	vmul.f32 v3, v0  }
0x10e: {  	[tilespmem:s21+$0x40] =	vst v2  }
0x10f: {  	[tilespmem:s21+$0x50] =	vst v1  }
0x110: {  	v2 =	vmul.f32 v4, v0;
	s11 =	rddreg [dreg:$0xb]  }
0x111: {  	v3 =	vmul.f32 v5, v0;
	s11 =	sadd.s32 s17, s11  }
0x112: {  	[tilespmem:s21+$0x60] =	vst v2;
	s11 =	sshll.u32 s11, $0x4  }
0x113: {  	[tilespmem:s21+$0xFFFFFF80] =	vst v3;
	s11 =	sadd.s32 s3, s11  }
0x114: {  	[hbm4b:s11+s4] =	stream.linear.scatter [tilespmem:s2], [sflag:$0xB], $0x4000, $0x38;
	[tilespmem:$0x19980] =	vst v63  }
0x115: {  	_ =	swait.ge [sflag:s9], $0x4000  }
0x116: {  	[sflag:s9] =	ssyncset.done $0x0  }
0x117: {  	s21 =	sadd.s32 $0x400, s17;
	[sflag:s9] =	ssyncadd.s32 $0xFFFFC000  }
0x118: {  	[tilespmem:s26], [sflag:$0x3] =	stream.indirect.gather [hbm4b:s1+s22], $0x80, s21, s22, $0xb8;
	[tilespmem:$0x19980] =	vst v63  }
0x119: {  	_ =	swait.ge [sflag:s10], $0x4000  }
0x11a: {  	[sflag:s10] =	ssyncset.done $0x0  }
0x11b: {  	s11 =	simm.s32 $0x15980;
	[sflag:s10] =	ssyncadd.s32 $0xFFFFC000  }
0x11c: {  	v1 =	vld [tilespmem:s11+$0x70]  }
0x11d: {  	v2 =	vld [tilespmem:s11+$0xFFFFFF90]  }
0x11e: {  	v3 =	vld [tilespmem:s11+$0xFFFFFFA0]  }
0x11f: {  	v4 =	vld [tilespmem:s11+$0xFFFFFFB0]  }
0x120: {  	v5 =	vld [tilespmem:s11+$0xFFFFFFC0]  }
0x121: {  	v6 =	vld [tilespmem:s11+$0xFFFFFFD0];
	v1 =	vmul.f32 v1, v0  }
0x122: {  	v7 =	vld [tilespmem:s11+$0xFFFFFFE0];
	v2 =	vmul.f32 v2, v0  }
0x123: {  	v8 =	vld [tilespmem:s11+$0xFFFFFFF0];
	v3 =	vmul.f32 v3, v0;
	[tilespmem:s11+$0x70] =	vst v1  }
0x124: {  	[tilespmem:s11+$0xFFFFFF90] =	vst v2;
	v1 =	vmul.f32 v4, v0;
	v4 =	vld [tilespmem:s11+$0x0]  }
0x125: {  	[tilespmem:s11+$0xFFFFFFA0] =	vst v3;
	v2 =	vmul.f32 v5, v0;
	v5 =	vld [tilespmem:s11+$0x10]  }
0x126: {  	v9 =	vld [tilespmem:s11+$0x20];
	v3 =	vmul.f32 v6, v0;
	[tilespmem:s11+$0xFFFFFFB0] =	vst v1  }
0x127: {  	v6 =	vmul.f32 v7, v0;
	[tilespmem:s11+$0xFFFFFFC0] =	vst v2;
	v1 =	vld [tilespmem:s11+$0x30]  }
0x128: {  	v7 =	vmul.f32 v8, v0;
	[tilespmem:s11+$0xFFFFFFD0] =	vst v3;
	v2 =	vld [tilespmem:s11+$0x40]  }
0x129: {  	[tilespmem:s11+$0xFFFFFFE0] =	vst v6;
	v3 =	vld [tilespmem:s11+$0x50];
	v8 =	vmul.f32 v4, v0  }
0x12a: {  	[tilespmem:s11+$0xFFFFFFF0] =	vst v7;
	v4 =	vld [tilespmem:s11+$0x60];
	v6 =	vmul.f32 v5, v0  }
0x12b: {  	s12 =	simm.s32 $0x0;
	s13 =	simm.s32 $0x15A80;
	v7 =	vmul.f32 v9, v0;
	v5 =	vld [tilespmem:s11+$0xFFFFFF80];
	[tilespmem:s11+$0x0] =	vst v8  }
.LBB2_13:
0x12c: {  	v8 =	vld [tilespmem:s13+$0x70];
	s12 =	sadd.s32 $0x2, s12;
	[tilespmem:s11+$0x10] =	vst v6;
	v1 =	vmul.f32 v1, v0  }
0x12d: {  	v6 =	vld [tilespmem:s13+$0xFFFFFF90];
	p0 =	slt.u32 s12, $0x7E;
	[tilespmem:s11+$0x20] =	vst v7;
	v2 =	vmul.f32 v2, v0  }
0x12e: {  	v7 =	vld [tilespmem:s13+$0xFFFFFFA0];
	[tilespmem:s11+$0x30] =	vst v1;
	v1 =	vmul.f32 v3, v0  }
0x12f: {  	v3 =	vld [tilespmem:s13+$0xFFFFFFB0];
	[tilespmem:s11+$0x40] =	vst v2;
	v2 =	vmul.f32 v4, v0  }
0x130: {  	v4 =	vld [tilespmem:s13+$0xFFFFFFC0];
	v5 =	vmul.f32 v5, v0;
	[tilespmem:s11+$0x50] =	vst v1  }
0x131: {  	v1 =	vld [tilespmem:s13+$0xFFFFFFD0];
	v8 =	vmul.f32 v8, v0;
	[tilespmem:s11+$0x60] =	vst v2  }
0x132: {  	v2 =	vmul.f32 v6, v0;
	v6 =	vld [tilespmem:s13+$0xFFFFFFE0];
	[tilespmem:s11+$0xFFFFFF80] =	vst v5;
	s11 =	smov.u32 s13  }
0x133: {  	v5 =	vmul.f32 v7, v0;
	v7 =	vld [tilespmem:s13+$0xFFFFFFF0];
	[tilespmem:s13+$0x70] =	vst v8  }
0x134: {  	[tilespmem:s13+$0xFFFFFF90] =	vst v2;
	v2 =	vmul.f32 v3, v0;
	v3 =	vld [tilespmem:s13+$0x0]  }
0x135: {  	[tilespmem:s13+$0xFFFFFFA0] =	vst v5;
	v4 =	vmul.f32 v4, v0;
	v5 =	vld [tilespmem:s13+$0x10]  }
0x136: {  	[tilespmem:s13+$0xFFFFFFB0] =	vst v2;
	v2 =	vmul.f32 v1, v0;
	v8 =	vld [tilespmem:s13+$0x20]  }
.Ltmp5:
0x137: {  	[tilespmem:s13+$0xFFFFFFC0] =	vst v4;
	v4 =	vmul.f32 v6, v0;
	v1 =	vld [tilespmem:s13+$0x30];
	(pc) =	sbr.rel @p0 .LBB2_13-.Ltmp5, $4  }
0x138: {  	[tilespmem:s13+$0xFFFFFFD0] =	vst v2;
	v6 =	vmul.f32 v7, v0;
	v2 =	vld [tilespmem:s13+$0x40]  }
0x139: {  	[tilespmem:s13+$0xFFFFFFE0] =	vst v4;
	v7 =	vmul.f32 v3, v0;
	v3 =	vld [tilespmem:s13+$0x50]  }
0x13a: {  	[tilespmem:s13+$0xFFFFFFF0] =	vst v6;
	v6 =	vmul.f32 v5, v0;
	v4 =	vld [tilespmem:s13+$0x60]  }
0x13b: {  	s13 =	sadd.s32 $0x100, s13;
	v5 =	vld [tilespmem:s11+$0xFFFFFF80];
	[tilespmem:s11+$0x0] =	vst v7;
	v7 =	vmul.f32 v8, v0  }
0x13c: {  	[tilespmem:s11+$0x10] =	vst v6;
	v1 =	vmul.f32 v1, v0  }
0x13d: {  	[tilespmem:s11+$0x20] =	vst v7;
	v2 =	vmul.f32 v2, v0  }
0x13e: {  	[tilespmem:s11+$0x30] =	vst v1;
	v1 =	vmul.f32 v3, v0  }
0x13f: {  	[tilespmem:s11+$0x40] =	vst v2  }
0x140: {  	[tilespmem:s11+$0x50] =	vst v1  }
0x141: {  	v2 =	vmul.f32 v4, v0;
	s12 =	rddreg [dreg:$0xc]  }
0x142: {  	v3 =	vmul.f32 v5, v0;
	s12 =	sadd.s32 s17, s12  }
0x143: {  	[tilespmem:s11+$0x60] =	vst v2;
	s12 =	sshll.u32 s12, $0x4  }
0x144: {  	[tilespmem:s11+$0xFFFFFF80] =	vst v3;
	s17 =	smul.u32 $0xC00, s18;
	s13 =	sadd.s32 s3, s12  }
0x145: {  	[hbm4b:s13+s4] =	stream.linear.scatter [tilespmem:s25], [sflag:$0xC], $0x4000, $0x38;
	[tilespmem:$0x19980] =	vst v63  }
0x146: {  	_ =	swait.ge [sflag:s14], $0x4000  }
0x147: {  	s17 =	sshra.s32 s17, $0x2;
	[sflag:s14] =	ssyncset.done $0x0  }
0x148: {  	s11 =	sadd.s32 $0x480, s17;
	[sflag:s14] =	ssyncadd.s32 $0xFFFFC000  }
0x149: {  	[tilespmem:s29], [sflag:$0x4] =	stream.indirect.gather [hbm4b:s1+s22], $0x80, s11, s22, $0xb8;
	[tilespmem:$0x19980] =	vst v63  }
0x14a: {  	_ =	swait.ge [sflag:s30], $0x4000  }
0x14b: {  	[sflag:s30] =	ssyncset.done $0x0  }
0x14c: {  	s11 =	simm.s32 $0x1980;
	[sflag:s30] =	ssyncadd.s32 $0xFFFFC000  }
0x14d: {  	v1 =	vld [tilespmem:s11+$0x70]  }
0x14e: {  	v2 =	vld [tilespmem:s11+$0xFFFFFF90]  }
0x14f: {  	v3 =	vld [tilespmem:s11+$0xFFFFFFA0]  }
0x150: {  	v4 =	vld [tilespmem:s11+$0xFFFFFFB0]  }
0x151: {  	v5 =	vld [tilespmem:s11+$0xFFFFFFC0]  }
0x152: {  	v6 =	vld [tilespmem:s11+$0xFFFFFFD0];
	v1 =	vmul.f32 v1, v0  }
0x153: {  	v7 =	vld [tilespmem:s11+$0xFFFFFFE0];
	v2 =	vmul.f32 v2, v0  }
0x154: {  	v8 =	vld [tilespmem:s11+$0xFFFFFFF0];
	v3 =	vmul.f32 v3, v0;
	[tilespmem:s11+$0x70] =	vst v1  }
0x155: {  	[tilespmem:s11+$0xFFFFFF90] =	vst v2;
	v1 =	vmul.f32 v4, v0;
	v4 =	vld [tilespmem:s11+$0x0]  }
0x156: {  	[tilespmem:s11+$0xFFFFFFA0] =	vst v3;
	v2 =	vmul.f32 v5, v0;
	v5 =	vld [tilespmem:s11+$0x10]  }
0x157: {  	v9 =	vld [tilespmem:s11+$0x20];
	v3 =	vmul.f32 v6, v0;
	[tilespmem:s11+$0xFFFFFFB0] =	vst v1  }
0x158: {  	v6 =	vmul.f32 v7, v0;
	[tilespmem:s11+$0xFFFFFFC0] =	vst v2;
	v1 =	vld [tilespmem:s11+$0x30]  }
0x159: {  	v7 =	vmul.f32 v8, v0;
	[tilespmem:s11+$0xFFFFFFD0] =	vst v3;
	v2 =	vld [tilespmem:s11+$0x40]  }
0x15a: {  	[tilespmem:s11+$0xFFFFFFE0] =	vst v6;
	v3 =	vld [tilespmem:s11+$0x50];
	v8 =	vmul.f32 v4, v0  }
0x15b: {  	[tilespmem:s11+$0xFFFFFFF0] =	vst v7;
	v4 =	vld [tilespmem:s11+$0x60];
	v6 =	vmul.f32 v5, v0  }
0x15c: {  	s12 =	simm.s32 $0x0;
	s13 =	simm.s32 $0x1A80;
	v7 =	vmul.f32 v9, v0;
	v5 =	vld [tilespmem:s11+$0xFFFFFF80];
	[tilespmem:s11+$0x0] =	vst v8  }
.LBB2_15:
0x15d: {  	v8 =	vld [tilespmem:s13+$0x70];
	s12 =	sadd.s32 $0x2, s12;
	[tilespmem:s11+$0x10] =	vst v6;
	v1 =	vmul.f32 v1, v0  }
0x15e: {  	v6 =	vld [tilespmem:s13+$0xFFFFFF90];
	p0 =	slt.u32 s12, $0x7E;
	[tilespmem:s11+$0x20] =	vst v7;
	v2 =	vmul.f32 v2, v0  }
0x15f: {  	v7 =	vld [tilespmem:s13+$0xFFFFFFA0];
	[tilespmem:s11+$0x30] =	vst v1;
	v1 =	vmul.f32 v3, v0  }
0x160: {  	v3 =	vld [tilespmem:s13+$0xFFFFFFB0];
	[tilespmem:s11+$0x40] =	vst v2;
	v2 =	vmul.f32 v4, v0  }
0x161: {  	v4 =	vld [tilespmem:s13+$0xFFFFFFC0];
	v5 =	vmul.f32 v5, v0;
	[tilespmem:s11+$0x50] =	vst v1  }
0x162: {  	v1 =	vld [tilespmem:s13+$0xFFFFFFD0];
	v8 =	vmul.f32 v8, v0;
	[tilespmem:s11+$0x60] =	vst v2  }
0x163: {  	v2 =	vmul.f32 v6, v0;
	v6 =	vld [tilespmem:s13+$0xFFFFFFE0];
	[tilespmem:s11+$0xFFFFFF80] =	vst v5;
	s11 =	smov.u32 s13  }
0x164: {  	v5 =	vmul.f32 v7, v0;
	v7 =	vld [tilespmem:s13+$0xFFFFFFF0];
	[tilespmem:s13+$0x70] =	vst v8  }
0x165: {  	[tilespmem:s13+$0xFFFFFF90] =	vst v2;
	v2 =	vmul.f32 v3, v0;
	v3 =	vld [tilespmem:s13+$0x0]  }
0x166: {  	[tilespmem:s13+$0xFFFFFFA0] =	vst v5;
	v4 =	vmul.f32 v4, v0;
	v5 =	vld [tilespmem:s13+$0x10]  }
0x167: {  	[tilespmem:s13+$0xFFFFFFB0] =	vst v2;
	v2 =	vmul.f32 v1, v0;
	v8 =	vld [tilespmem:s13+$0x20]  }
.Ltmp6:
0x168: {  	[tilespmem:s13+$0xFFFFFFC0] =	vst v4;
	v4 =	vmul.f32 v6, v0;
	v1 =	vld [tilespmem:s13+$0x30];
	(pc) =	sbr.rel @p0 .LBB2_15-.Ltmp6, $4  }
0x169: {  	[tilespmem:s13+$0xFFFFFFD0] =	vst v2;
	v6 =	vmul.f32 v7, v0;
	v2 =	vld [tilespmem:s13+$0x40]  }
0x16a: {  	[tilespmem:s13+$0xFFFFFFE0] =	vst v4;
	v7 =	vmul.f32 v3, v0;
	v3 =	vld [tilespmem:s13+$0x50]  }
0x16b: {  	[tilespmem:s13+$0xFFFFFFF0] =	vst v6;
	v6 =	vmul.f32 v5, v0;
	v4 =	vld [tilespmem:s13+$0x60]  }
0x16c: {  	s13 =	sadd.s32 $0x100, s13;
	v5 =	vld [tilespmem:s11+$0xFFFFFF80];
	[tilespmem:s11+$0x0] =	vst v7;
	v7 =	vmul.f32 v8, v0  }
0x16d: {  	[tilespmem:s11+$0x10] =	vst v6;
	v1 =	vmul.f32 v1, v0  }
0x16e: {  	[tilespmem:s11+$0x20] =	vst v7;
	v2 =	vmul.f32 v2, v0  }
0x16f: {  	[tilespmem:s11+$0x30] =	vst v1;
	v1 =	vmul.f32 v3, v0  }
0x170: {  	[tilespmem:s11+$0x40] =	vst v2;
	v2 =	vmul.f32 v4, v0  }
0x171: {  	s12 =	sadd.s32 s5, s19;
	v3 =	vmul.f32 v5, v0;
	[tilespmem:s11+$0x50] =	vst v1  }
0x172: {  	s12 =	sshll.u32 s12, $0x4;
	[tilespmem:s11+$0x60] =	vst v2  }
0x173: {  	s13 =	sadd.s32 s3, s12;
	[tilespmem:s11+$0xFFFFFF80] =	vst v3  }
0x174: {  	[hbm4b:s13+s4] =	stream.linear.scatter [tilespmem:s23], [sflag:$0x7], $0x4000, $0x38;
	[tilespmem:$0x19980] =	vst v63  }
0x175: {  	_ =	swait.ge [sflag:s15], $0x4000  }
0x176: {  	[sflag:s15] =	ssyncset.done $0x0  }
0x177: {  	s19 =	sadd.s32 $0x500, s17;
	[sflag:s15] =	ssyncadd.s32 $0xFFFFC000  }
0x178: {  	[tilespmem:s2], [sflag:$0x5] =	stream.indirect.gather [hbm4b:s1+s22], $0x80, s19, s22, $0xb8;
	[tilespmem:$0x19980] =	vst v63  }
0x179: {  	_ =	swait.ge [sflag:s0], $0x4000  }
0x17a: {  	[sflag:s0] =	ssyncset.done $0x0  }
0x17b: {  	s11 =	simm.s32 $0x5980;
	[sflag:s0] =	ssyncadd.s32 $0xFFFFC000  }
0x17c: {  	v1 =	vld [tilespmem:s11+$0x70]  }
0x17d: {  	v2 =	vld [tilespmem:s11+$0xFFFFFF90]  }
0x17e: {  	v3 =	vld [tilespmem:s11+$0xFFFFFFA0]  }
0x17f: {  	v4 =	vld [tilespmem:s11+$0xFFFFFFB0]  }
0x180: {  	v5 =	vld [tilespmem:s11+$0xFFFFFFC0]  }
0x181: {  	v6 =	vld [tilespmem:s11+$0xFFFFFFD0];
	v1 =	vmul.f32 v1, v0  }
0x182: {  	v7 =	vld [tilespmem:s11+$0xFFFFFFE0];
	v2 =	vmul.f32 v2, v0  }
0x183: {  	v8 =	vld [tilespmem:s11+$0xFFFFFFF0];
	v3 =	vmul.f32 v3, v0;
	[tilespmem:s11+$0x70] =	vst v1  }
0x184: {  	[tilespmem:s11+$0xFFFFFF90] =	vst v2;
	v1 =	vmul.f32 v4, v0;
	v4 =	vld [tilespmem:s11+$0x0]  }
0x185: {  	[tilespmem:s11+$0xFFFFFFA0] =	vst v3;
	v2 =	vmul.f32 v5, v0;
	v5 =	vld [tilespmem:s11+$0x10]  }
0x186: {  	v9 =	vld [tilespmem:s11+$0x20];
	v3 =	vmul.f32 v6, v0;
	[tilespmem:s11+$0xFFFFFFB0] =	vst v1  }
0x187: {  	v6 =	vmul.f32 v7, v0;
	[tilespmem:s11+$0xFFFFFFC0] =	vst v2;
	v1 =	vld [tilespmem:s11+$0x30]  }
0x188: {  	v7 =	vmul.f32 v8, v0;
	[tilespmem:s11+$0xFFFFFFD0] =	vst v3;
	v2 =	vld [tilespmem:s11+$0x40]  }
0x189: {  	[tilespmem:s11+$0xFFFFFFE0] =	vst v6;
	v3 =	vld [tilespmem:s11+$0x50];
	v8 =	vmul.f32 v4, v0  }
0x18a: {  	[tilespmem:s11+$0xFFFFFFF0] =	vst v7;
	v4 =	vld [tilespmem:s11+$0x60];
	v6 =	vmul.f32 v5, v0  }
0x18b: {  	s12 =	simm.s32 $0x0;
	s13 =	simm.s32 $0x5A80;
	v7 =	vmul.f32 v9, v0;
	v5 =	vld [tilespmem:s11+$0xFFFFFF80];
	[tilespmem:s11+$0x0] =	vst v8  }
.LBB2_17:
0x18c: {  	v8 =	vld [tilespmem:s13+$0x70];
	s12 =	sadd.s32 $0x2, s12;
	[tilespmem:s11+$0x10] =	vst v6;
	v1 =	vmul.f32 v1, v0  }
0x18d: {  	v6 =	vld [tilespmem:s13+$0xFFFFFF90];
	p0 =	slt.u32 s12, $0x7E;
	[tilespmem:s11+$0x20] =	vst v7;
	v2 =	vmul.f32 v2, v0  }
0x18e: {  	v7 =	vld [tilespmem:s13+$0xFFFFFFA0];
	[tilespmem:s11+$0x30] =	vst v1;
	v1 =	vmul.f32 v3, v0  }
0x18f: {  	v3 =	vld [tilespmem:s13+$0xFFFFFFB0];
	[tilespmem:s11+$0x40] =	vst v2;
	v2 =	vmul.f32 v4, v0  }
0x190: {  	v4 =	vld [tilespmem:s13+$0xFFFFFFC0];
	v5 =	vmul.f32 v5, v0;
	[tilespmem:s11+$0x50] =	vst v1  }
0x191: {  	v1 =	vld [tilespmem:s13+$0xFFFFFFD0];
	v8 =	vmul.f32 v8, v0;
	[tilespmem:s11+$0x60] =	vst v2  }
0x192: {  	v2 =	vmul.f32 v6, v0;
	v6 =	vld [tilespmem:s13+$0xFFFFFFE0];
	[tilespmem:s11+$0xFFFFFF80] =	vst v5;
	s11 =	smov.u32 s13  }
0x193: {  	v5 =	vmul.f32 v7, v0;
	v7 =	vld [tilespmem:s13+$0xFFFFFFF0];
	[tilespmem:s13+$0x70] =	vst v8  }
0x194: {  	[tilespmem:s13+$0xFFFFFF90] =	vst v2;
	v2 =	vmul.f32 v3, v0;
	v3 =	vld [tilespmem:s13+$0x0]  }
0x195: {  	[tilespmem:s13+$0xFFFFFFA0] =	vst v5;
	v4 =	vmul.f32 v4, v0;
	v5 =	vld [tilespmem:s13+$0x10]  }
0x196: {  	[tilespmem:s13+$0xFFFFFFB0] =	vst v2;
	v2 =	vmul.f32 v1, v0;
	v8 =	vld [tilespmem:s13+$0x20]  }
.Ltmp7:
0x197: {  	[tilespmem:s13+$0xFFFFFFC0] =	vst v4;
	v4 =	vmul.f32 v6, v0;
	v1 =	vld [tilespmem:s13+$0x30];
	(pc) =	sbr.rel @p0 .LBB2_17-.Ltmp7, $4  }
0x198: {  	[tilespmem:s13+$0xFFFFFFD0] =	vst v2;
	v6 =	vmul.f32 v7, v0;
	v2 =	vld [tilespmem:s13+$0x40]  }
0x199: {  	[tilespmem:s13+$0xFFFFFFE0] =	vst v4;
	v7 =	vmul.f32 v3, v0;
	v3 =	vld [tilespmem:s13+$0x50]  }
0x19a: {  	[tilespmem:s13+$0xFFFFFFF0] =	vst v6;
	v6 =	vmul.f32 v5, v0;
	v4 =	vld [tilespmem:s13+$0x60]  }
0x19b: {  	s13 =	sadd.s32 $0x100, s13;
	v5 =	vld [tilespmem:s11+$0xFFFFFF80];
	[tilespmem:s11+$0x0] =	vst v7;
	v7 =	vmul.f32 v8, v0  }
0x19c: {  	[tilespmem:s11+$0x10] =	vst v6;
	v1 =	vmul.f32 v1, v0  }
0x19d: {  	[tilespmem:s11+$0x20] =	vst v7;
	v2 =	vmul.f32 v2, v0  }
0x19e: {  	[tilespmem:s11+$0x30] =	vst v1;
	v1 =	vmul.f32 v3, v0  }
0x19f: {  	[tilespmem:s11+$0x40] =	vst v2;
	v2 =	vmul.f32 v4, v0  }
0x1a0: {  	s8 =	sadd.s32 s5, s8;
	v3 =	vmul.f32 v5, v0;
	[tilespmem:s11+$0x50] =	vst v1  }
0x1a1: {  	s8 =	sshll.u32 s8, $0x4;
	[tilespmem:s11+$0x60] =	vst v2  }
0x1a2: {  	s8 =	sadd.s32 s3, s8;
	[tilespmem:s11+$0xFFFFFF80] =	vst v3  }
0x1a3: {  	[hbm4b:s8+s4] =	stream.linear.scatter [tilespmem:s24], [sflag:$0x8], $0x4000, $0x38;
	[tilespmem:$0x19980] =	vst v63  }
0x1a4: {  	_ =	swait.ge [sflag:s16], $0x4000  }
0x1a5: {  	[sflag:s16] =	ssyncset.done $0x0  }
0x1a6: {  	s19 =	sadd.s32 $0x580, s17;
	[sflag:s16] =	ssyncadd.s32 $0xFFFFC000  }
0x1a7: {  	[tilespmem:s25], [sflag:$0x6] =	stream.indirect.gather [hbm4b:s1+s22], $0x80, s19, s22, $0xb8;
	[tilespmem:$0x19980] =	vst v63  }
0x1a8: {  	_ =	swait.ge [sflag:s28], $0x4000  }
0x1a9: {  	[sflag:s28] =	ssyncset.done $0x0  }
0x1aa: {  	s8 =	simm.s32 $0x9980;
	[sflag:s28] =	ssyncadd.s32 $0xFFFFC000  }
0x1ab: {  	v1 =	vld [tilespmem:s8+$0x70]  }
0x1ac: {  	v2 =	vld [tilespmem:s8+$0xFFFFFF90]  }
0x1ad: {  	v3 =	vld [tilespmem:s8+$0xFFFFFFA0]  }
0x1ae: {  	v4 =	vld [tilespmem:s8+$0xFFFFFFB0]  }
0x1af: {  	v5 =	vld [tilespmem:s8+$0xFFFFFFC0]  }
0x1b0: {  	v6 =	vld [tilespmem:s8+$0xFFFFFFD0];
	v1 =	vmul.f32 v1, v0  }
0x1b1: {  	v7 =	vld [tilespmem:s8+$0xFFFFFFE0];
	v2 =	vmul.f32 v2, v0  }
0x1b2: {  	v8 =	vld [tilespmem:s8+$0xFFFFFFF0];
	v3 =	vmul.f32 v3, v0;
	[tilespmem:s8+$0x70] =	vst v1  }
0x1b3: {  	[tilespmem:s8+$0xFFFFFF90] =	vst v2;
	v1 =	vmul.f32 v4, v0;
	v4 =	vld [tilespmem:s8+$0x0]  }
0x1b4: {  	[tilespmem:s8+$0xFFFFFFA0] =	vst v3;
	v2 =	vmul.f32 v5, v0;
	v5 =	vld [tilespmem:s8+$0x10]  }
0x1b5: {  	v9 =	vld [tilespmem:s8+$0x20];
	v3 =	vmul.f32 v6, v0;
	[tilespmem:s8+$0xFFFFFFB0] =	vst v1  }
0x1b6: {  	v6 =	vmul.f32 v7, v0;
	[tilespmem:s8+$0xFFFFFFC0] =	vst v2;
	v1 =	vld [tilespmem:s8+$0x30]  }
0x1b7: {  	v7 =	vmul.f32 v8, v0;
	[tilespmem:s8+$0xFFFFFFD0] =	vst v3;
	v2 =	vld [tilespmem:s8+$0x40]  }
0x1b8: {  	[tilespmem:s8+$0xFFFFFFE0] =	vst v6;
	v3 =	vld [tilespmem:s8+$0x50];
	v8 =	vmul.f32 v4, v0  }
0x1b9: {  	[tilespmem:s8+$0xFFFFFFF0] =	vst v7;
	v4 =	vld [tilespmem:s8+$0x60];
	v6 =	vmul.f32 v5, v0  }
0x1ba: {  	s12 =	simm.s32 $0x9A80;
	s11 =	simm.s32 $0x0;
	v7 =	vmul.f32 v9, v0;
	v5 =	vld [tilespmem:s8+$0xFFFFFF80];
	[tilespmem:s8+$0x0] =	vst v8  }
.LBB2_19:
0x1bb: {  	v8 =	vld [tilespmem:s12+$0x70];
	s11 =	sadd.s32 $0x2, s11;
	[tilespmem:s8+$0x10] =	vst v6;
	v1 =	vmul.f32 v1, v0  }
0x1bc: {  	v6 =	vld [tilespmem:s12+$0xFFFFFF90];
	p0 =	slt.u32 s11, $0x7E;
	[tilespmem:s8+$0x20] =	vst v7;
	v2 =	vmul.f32 v2, v0  }
0x1bd: {  	v7 =	vld [tilespmem:s12+$0xFFFFFFA0];
	[tilespmem:s8+$0x30] =	vst v1;
	v1 =	vmul.f32 v3, v0  }
0x1be: {  	v3 =	vld [tilespmem:s12+$0xFFFFFFB0];
	[tilespmem:s8+$0x40] =	vst v2;
	v2 =	vmul.f32 v4, v0  }
0x1bf: {  	v4 =	vld [tilespmem:s12+$0xFFFFFFC0];
	v5 =	vmul.f32 v5, v0;
	[tilespmem:s8+$0x50] =	vst v1  }
0x1c0: {  	v1 =	vld [tilespmem:s12+$0xFFFFFFD0];
	v8 =	vmul.f32 v8, v0;
	[tilespmem:s8+$0x60] =	vst v2  }
0x1c1: {  	v2 =	vmul.f32 v6, v0;
	v6 =	vld [tilespmem:s12+$0xFFFFFFE0];
	[tilespmem:s8+$0xFFFFFF80] =	vst v5;
	s8 =	smov.u32 s12  }
0x1c2: {  	v5 =	vmul.f32 v7, v0;
	v7 =	vld [tilespmem:s12+$0xFFFFFFF0];
	[tilespmem:s12+$0x70] =	vst v8  }
0x1c3: {  	[tilespmem:s12+$0xFFFFFF90] =	vst v2;
	v2 =	vmul.f32 v3, v0;
	v3 =	vld [tilespmem:s12+$0x0]  }
0x1c4: {  	[tilespmem:s12+$0xFFFFFFA0] =	vst v5;
	v4 =	vmul.f32 v4, v0;
	v5 =	vld [tilespmem:s12+$0x10]  }
0x1c5: {  	[tilespmem:s12+$0xFFFFFFB0] =	vst v2;
	v2 =	vmul.f32 v1, v0;
	v8 =	vld [tilespmem:s12+$0x20]  }
.Ltmp8:
0x1c6: {  	[tilespmem:s12+$0xFFFFFFC0] =	vst v4;
	v4 =	vmul.f32 v6, v0;
	v1 =	vld [tilespmem:s12+$0x30];
	(pc) =	sbr.rel @p0 .LBB2_19-.Ltmp8, $4  }
0x1c7: {  	[tilespmem:s12+$0xFFFFFFD0] =	vst v2;
	v6 =	vmul.f32 v7, v0;
	v2 =	vld [tilespmem:s12+$0x40]  }
0x1c8: {  	[tilespmem:s12+$0xFFFFFFE0] =	vst v4;
	v7 =	vmul.f32 v3, v0;
	v3 =	vld [tilespmem:s12+$0x50]  }
0x1c9: {  	[tilespmem:s12+$0xFFFFFFF0] =	vst v6;
	v6 =	vmul.f32 v5, v0;
	v4 =	vld [tilespmem:s12+$0x60]  }
0x1ca: {  	s12 =	sadd.s32 $0x100, s12;
	v5 =	vld [tilespmem:s8+$0xFFFFFF80];
	[tilespmem:s8+$0x0] =	vst v7;
	v7 =	vmul.f32 v8, v0  }
0x1cb: {  	[tilespmem:s8+$0x10] =	vst v6;
	v1 =	vmul.f32 v1, v0  }
0x1cc: {  	s18 =	sadd.s32 $0x1, s18;
	[tilespmem:s8+$0x20] =	vst v7;
	v2 =	vmul.f32 v2, v0  }
0x1cd: {  	p0 =	sne.s32 s18, $0x7;
	[tilespmem:s8+$0x30] =	vst v1;
	v1 =	vmul.f32 v3, v0  }
.Ltmp9:
0x1ce: {  	[tilespmem:s8+$0x40] =	vst v2;
	v2 =	vmul.f32 v4, v0;
	(pc) =	sbr.rel @p0 .LBB2_8-.Ltmp9, $4  }
0x1cf: {  	s11 =	sadd.s32 s5, s21;
	v3 =	vmul.f32 v5, v0;
	[tilespmem:s8+$0x50] =	vst v1  }
0x1d0: {  	s11 =	sshll.u32 s11, $0x4;
	[tilespmem:s8+$0x60] =	vst v2  }
0x1d1: {  	s21 =	sadd.s32 s3, s11;
	[tilespmem:s8+$0xFFFFFF80] =	vst v3  }
0x1d2: {  	[hbm4b:s21+s4] =	stream.linear.scatter [tilespmem:s26], [sflag:$0x9], $0x4000, $0x38;
	[tilespmem:$0x19980] =	vst v63  }
0x1d3: {  	_ =	swait.ge [sflag:s31], $0x4000  }
0x1d4: {  	[sflag:s31] =	ssyncset.done $0x0  }
0x1d5: {  	s8 =	simm.s32 $0x1800;
	[sflag:s31] =	ssyncadd.s32 $0xFFFFC000  }
0x1d6: {  	[tilespmem:s23], [sflag:$0x1] =	stream.indirect.gather [hbm4b:s1+s22], $0x80, s8, s22, $0xb8;
	[tilespmem:$0x19980] =	vst v63  }
0x1d7: {  	_ =	swait.ge [sflag:s20], $0x4000  }
0x1d8: {  	[sflag:s20] =	ssyncset.done $0x0  }
0x1d9: {  	s8 =	simm.s32 $0xD980;
	[sflag:s20] =	ssyncadd.s32 $0xFFFFC000  }
0x1da: {  	v1 =	vld [tilespmem:s8+$0x70]  }
0x1db: {  	v2 =	vld [tilespmem:s8+$0xFFFFFF90]  }
0x1dc: {  	v3 =	vld [tilespmem:s8+$0xFFFFFFA0]  }
0x1dd: {  	v4 =	vld [tilespmem:s8+$0xFFFFFFB0]  }
0x1de: {  	v5 =	vld [tilespmem:s8+$0xFFFFFFC0]  }
0x1df: {  	v6 =	vld [tilespmem:s8+$0xFFFFFFD0];
	v1 =	vmul.f32 v1, v0  }
0x1e0: {  	v7 =	vld [tilespmem:s8+$0xFFFFFFE0];
	v2 =	vmul.f32 v2, v0  }
0x1e1: {  	v8 =	vld [tilespmem:s8+$0xFFFFFFF0];
	v3 =	vmul.f32 v3, v0;
	[tilespmem:s8+$0x70] =	vst v1  }
0x1e2: {  	[tilespmem:s8+$0xFFFFFF90] =	vst v2;
	v1 =	vmul.f32 v4, v0;
	v4 =	vld [tilespmem:s8+$0x0]  }
0x1e3: {  	[tilespmem:s8+$0xFFFFFFA0] =	vst v3;
	v2 =	vmul.f32 v5, v0;
	v5 =	vld [tilespmem:s8+$0x10]  }
0x1e4: {  	v9 =	vld [tilespmem:s8+$0x20];
	v3 =	vmul.f32 v6, v0;
	[tilespmem:s8+$0xFFFFFFB0] =	vst v1  }
0x1e5: {  	v6 =	vmul.f32 v7, v0;
	[tilespmem:s8+$0xFFFFFFC0] =	vst v2;
	v1 =	vld [tilespmem:s8+$0x30]  }
0x1e6: {  	v7 =	vmul.f32 v8, v0;
	[tilespmem:s8+$0xFFFFFFD0] =	vst v3;
	v2 =	vld [tilespmem:s8+$0x40]  }
0x1e7: {  	[tilespmem:s8+$0xFFFFFFE0] =	vst v6;
	v3 =	vld [tilespmem:s8+$0x50];
	v8 =	vmul.f32 v4, v0  }
0x1e8: {  	[tilespmem:s8+$0xFFFFFFF0] =	vst v7;
	v4 =	vld [tilespmem:s8+$0x60];
	v6 =	vmul.f32 v5, v0  }
0x1e9: {  	s11 =	simm.s32 $0x0;
	s12 =	simm.s32 $0xDA80;
	v7 =	vmul.f32 v9, v0;
	v5 =	vld [tilespmem:s8+$0xFFFFFF80];
	[tilespmem:s8+$0x0] =	vst v8  }
.LBB2_22:
0x1ea: {  	v8 =	vld [tilespmem:s12+$0x70];
	s11 =	sadd.s32 $0x2, s11;
	[tilespmem:s8+$0x10] =	vst v6;
	v1 =	vmul.f32 v1, v0  }
0x1eb: {  	v6 =	vld [tilespmem:s12+$0xFFFFFF90];
	p0 =	slt.u32 s11, $0x7E;
	[tilespmem:s8+$0x20] =	vst v7;
	v2 =	vmul.f32 v2, v0  }
0x1ec: {  	v7 =	vld [tilespmem:s12+$0xFFFFFFA0];
	[tilespmem:s8+$0x30] =	vst v1;
	v1 =	vmul.f32 v3, v0  }
0x1ed: {  	v3 =	vld [tilespmem:s12+$0xFFFFFFB0];
	[tilespmem:s8+$0x40] =	vst v2;
	v2 =	vmul.f32 v4, v0  }
0x1ee: {  	v4 =	vld [tilespmem:s12+$0xFFFFFFC0];
	v5 =	vmul.f32 v5, v0;
	[tilespmem:s8+$0x50] =	vst v1  }
0x1ef: {  	v1 =	vld [tilespmem:s12+$0xFFFFFFD0];
	v8 =	vmul.f32 v8, v0;
	[tilespmem:s8+$0x60] =	vst v2  }
0x1f0: {  	v2 =	vmul.f32 v6, v0;
	v6 =	vld [tilespmem:s12+$0xFFFFFFE0];
	[tilespmem:s8+$0xFFFFFF80] =	vst v5;
	s8 =	smov.u32 s12  }
0x1f1: {  	v5 =	vmul.f32 v7, v0;
	v7 =	vld [tilespmem:s12+$0xFFFFFFF0];
	[tilespmem:s12+$0x70] =	vst v8  }
0x1f2: {  	[tilespmem:s12+$0xFFFFFF90] =	vst v2;
	v2 =	vmul.f32 v3, v0;
	v3 =	vld [tilespmem:s12+$0x0]  }
0x1f3: {  	[tilespmem:s12+$0xFFFFFFA0] =	vst v5;
	v4 =	vmul.f32 v4, v0;
	v5 =	vld [tilespmem:s12+$0x10]  }
0x1f4: {  	[tilespmem:s12+$0xFFFFFFB0] =	vst v2;
	v2 =	vmul.f32 v1, v0;
	v8 =	vld [tilespmem:s12+$0x20]  }
.Ltmp10:
0x1f5: {  	[tilespmem:s12+$0xFFFFFFC0] =	vst v4;
	v4 =	vmul.f32 v6, v0;
	v1 =	vld [tilespmem:s12+$0x30];
	(pc) =	sbr.rel @p0 .LBB2_22-.Ltmp10, $4  }
0x1f6: {  	[tilespmem:s12+$0xFFFFFFD0] =	vst v2;
	v6 =	vmul.f32 v7, v0;
	v2 =	vld [tilespmem:s12+$0x40]  }
0x1f7: {  	[tilespmem:s12+$0xFFFFFFE0] =	vst v4;
	v7 =	vmul.f32 v3, v0;
	v3 =	vld [tilespmem:s12+$0x50]  }
0x1f8: {  	[tilespmem:s12+$0xFFFFFFF0] =	vst v6;
	v6 =	vmul.f32 v5, v0;
	v4 =	vld [tilespmem:s12+$0x60]  }
0x1f9: {  	s12 =	sadd.s32 $0x100, s12;
	v5 =	vld [tilespmem:s8+$0xFFFFFF80];
	[tilespmem:s8+$0x0] =	vst v7;
	v7 =	vmul.f32 v8, v0  }
0x1fa: {  	[tilespmem:s8+$0x10] =	vst v6;
	v1 =	vmul.f32 v1, v0  }
0x1fb: {  	[tilespmem:s8+$0x20] =	vst v7;
	v2 =	vmul.f32 v2, v0  }
0x1fc: {  	[tilespmem:s8+$0x30] =	vst v1;
	v1 =	vmul.f32 v3, v0  }
0x1fd: {  	[tilespmem:s8+$0x40] =	vst v2;
	v2 =	vmul.f32 v4, v0  }
0x1fe: {  	v3 =	vmul.f32 v5, v0;
	[tilespmem:s8+$0x50] =	vst v1  }
0x1ff: {  	[tilespmem:s8+$0x60] =	vst v2  }
0x200: {  	[tilespmem:s8+$0xFFFFFF80] =	vst v3  }
0x201: {  	s8 =	rddreg [dreg:$0xd]  }
0x202: {  	[hbm4b:s8+s4] =	stream.linear.scatter [tilespmem:s29], [sflag:$0xA], $0x4000, $0x38;
	[tilespmem:$0x19980] =	vst v63  }
0x203: {  	_ =	swait.ge [sflag:s6], $0x4000  }
0x204: {  	[sflag:s6] =	ssyncset.done $0x0  }
0x205: {  	s21 =	simm.s32 $0x1880;
	[sflag:s6] =	ssyncadd.s32 $0xFFFFC000  }
0x206: {  	[tilespmem:s24], [sflag:$0x2] =	stream.indirect.gather [hbm4b:s1+s22], $0x80, s21, s22, $0xb8;
	[tilespmem:$0x19980] =	vst v63  }
0x207: {  	_ =	swait.ge [sflag:s7], $0x4000  }
0x208: {  	[sflag:s7] =	ssyncset.done $0x0  }
0x209: {  	s8 =	simm.s32 $0x11980;
	[sflag:s7] =	ssyncadd.s32 $0xFFFFC000  }
0x20a: {  	v1 =	vld [tilespmem:s8+$0x70]  }
0x20b: {  	v2 =	vld [tilespmem:s8+$0xFFFFFF90]  }
0x20c: {  	v3 =	vld [tilespmem:s8+$0xFFFFFFA0]  }
0x20d: {  	v4 =	vld [tilespmem:s8+$0xFFFFFFB0]  }
0x20e: {  	v5 =	vld [tilespmem:s8+$0xFFFFFFC0]  }
0x20f: {  	v6 =	vld [tilespmem:s8+$0xFFFFFFD0];
	v1 =	vmul.f32 v1, v0  }
0x210: {  	v7 =	vld [tilespmem:s8+$0xFFFFFFE0];
	v2 =	vmul.f32 v2, v0  }
0x211: {  	v8 =	vld [tilespmem:s8+$0xFFFFFFF0];
	v3 =	vmul.f32 v3, v0;
	[tilespmem:s8+$0x70] =	vst v1  }
0x212: {  	[tilespmem:s8+$0xFFFFFF90] =	vst v2;
	v1 =	vmul.f32 v4, v0;
	v4 =	vld [tilespmem:s8+$0x0]  }
0x213: {  	[tilespmem:s8+$0xFFFFFFA0] =	vst v3;
	v2 =	vmul.f32 v5, v0;
	v5 =	vld [tilespmem:s8+$0x10]  }
0x214: {  	v9 =	vld [tilespmem:s8+$0x20];
	v3 =	vmul.f32 v6, v0;
	[tilespmem:s8+$0xFFFFFFB0] =	vst v1  }
0x215: {  	v6 =	vmul.f32 v7, v0;
	[tilespmem:s8+$0xFFFFFFC0] =	vst v2;
	v1 =	vld [tilespmem:s8+$0x30]  }
0x216: {  	v7 =	vmul.f32 v8, v0;
	[tilespmem:s8+$0xFFFFFFD0] =	vst v3;
	v2 =	vld [tilespmem:s8+$0x40]  }
0x217: {  	[tilespmem:s8+$0xFFFFFFE0] =	vst v6;
	v3 =	vld [tilespmem:s8+$0x50];
	v8 =	vmul.f32 v4, v0  }
0x218: {  	[tilespmem:s8+$0xFFFFFFF0] =	vst v7;
	v4 =	vld [tilespmem:s8+$0x60];
	v6 =	vmul.f32 v5, v0  }
0x219: {  	s11 =	simm.s32 $0x0;
	s12 =	simm.s32 $0x11A80;
	v7 =	vmul.f32 v9, v0;
	v5 =	vld [tilespmem:s8+$0xFFFFFF80];
	[tilespmem:s8+$0x0] =	vst v8  }
.LBB2_24:
0x21a: {  	v8 =	vld [tilespmem:s12+$0x70];
	s11 =	sadd.s32 $0x2, s11;
	[tilespmem:s8+$0x10] =	vst v6;
	v1 =	vmul.f32 v1, v0  }
0x21b: {  	v6 =	vld [tilespmem:s12+$0xFFFFFF90];
	p0 =	slt.u32 s11, $0x7E;
	[tilespmem:s8+$0x20] =	vst v7;
	v2 =	vmul.f32 v2, v0  }
0x21c: {  	v7 =	vld [tilespmem:s12+$0xFFFFFFA0];
	[tilespmem:s8+$0x30] =	vst v1;
	v1 =	vmul.f32 v3, v0  }
0x21d: {  	v3 =	vld [tilespmem:s12+$0xFFFFFFB0];
	[tilespmem:s8+$0x40] =	vst v2;
	v2 =	vmul.f32 v4, v0  }
0x21e: {  	v4 =	vld [tilespmem:s12+$0xFFFFFFC0];
	v5 =	vmul.f32 v5, v0;
	[tilespmem:s8+$0x50] =	vst v1  }
0x21f: {  	v1 =	vld [tilespmem:s12+$0xFFFFFFD0];
	v8 =	vmul.f32 v8, v0;
	[tilespmem:s8+$0x60] =	vst v2  }
0x220: {  	v2 =	vmul.f32 v6, v0;
	v6 =	vld [tilespmem:s12+$0xFFFFFFE0];
	[tilespmem:s8+$0xFFFFFF80] =	vst v5;
	s8 =	smov.u32 s12  }
0x221: {  	v5 =	vmul.f32 v7, v0;
	v7 =	vld [tilespmem:s12+$0xFFFFFFF0];
	[tilespmem:s12+$0x70] =	vst v8  }
0x222: {  	[tilespmem:s12+$0xFFFFFF90] =	vst v2;
	v2 =	vmul.f32 v3, v0;
	v3 =	vld [tilespmem:s12+$0x0]  }
0x223: {  	[tilespmem:s12+$0xFFFFFFA0] =	vst v5;
	v4 =	vmul.f32 v4, v0;
	v5 =	vld [tilespmem:s12+$0x10]  }
0x224: {  	[tilespmem:s12+$0xFFFFFFB0] =	vst v2;
	v2 =	vmul.f32 v1, v0;
	v8 =	vld [tilespmem:s12+$0x20]  }
.Ltmp11:
0x225: {  	[tilespmem:s12+$0xFFFFFFC0] =	vst v4;
	v4 =	vmul.f32 v6, v0;
	v1 =	vld [tilespmem:s12+$0x30];
	(pc) =	sbr.rel @p0 .LBB2_24-.Ltmp11, $4  }
0x226: {  	[tilespmem:s12+$0xFFFFFFD0] =	vst v2;
	v6 =	vmul.f32 v7, v0;
	v2 =	vld [tilespmem:s12+$0x40]  }
0x227: {  	[tilespmem:s12+$0xFFFFFFE0] =	vst v4;
	v7 =	vmul.f32 v3, v0;
	v3 =	vld [tilespmem:s12+$0x50]  }
0x228: {  	[tilespmem:s12+$0xFFFFFFF0] =	vst v6;
	v6 =	vmul.f32 v5, v0;
	v4 =	vld [tilespmem:s12+$0x60]  }
0x229: {  	s12 =	sadd.s32 $0x100, s12;
	v5 =	vld [tilespmem:s8+$0xFFFFFF80];
	[tilespmem:s8+$0x0] =	vst v7;
	v7 =	vmul.f32 v8, v0  }
0x22a: {  	[tilespmem:s8+$0x10] =	vst v6;
	v1 =	vmul.f32 v1, v0  }
0x22b: {  	[tilespmem:s8+$0x20] =	vst v7;
	v2 =	vmul.f32 v2, v0  }
0x22c: {  	[tilespmem:s8+$0x30] =	vst v1;
	v1 =	vmul.f32 v3, v0  }
0x22d: {  	[tilespmem:s8+$0x40] =	vst v2;
	v2 =	vmul.f32 v4, v0  }
0x22e: {  	v3 =	vmul.f32 v5, v0;
	[tilespmem:s8+$0x50] =	vst v1  }
0x22f: {  	[tilespmem:s8+$0x60] =	vst v2  }
0x230: {  	[tilespmem:s8+$0xFFFFFF80] =	vst v3  }
0x231: {  	s8 =	rddreg [dreg:$0xe]  }
0x232: {  	[hbm4b:s8+s4] =	stream.linear.scatter [tilespmem:s2], [sflag:$0xB], $0x4000, $0x38;
	[tilespmem:$0x19980] =	vst v63  }
0x233: {  	_ =	swait.ge [sflag:s10], $0x4000  }
0x234: {  	[sflag:s10] =	ssyncset.done $0x0  }
0x235: {  	s8 =	simm.s32 $0x15980;
	[sflag:s10] =	ssyncadd.s32 $0xFFFFC000  }
0x236: {  	v1 =	vld [tilespmem:s8+$0x70]  }
0x237: {  	v2 =	vld [tilespmem:s8+$0xFFFFFF90]  }
0x238: {  	v3 =	vld [tilespmem:s8+$0xFFFFFFA0]  }
0x239: {  	v4 =	vld [tilespmem:s8+$0xFFFFFFB0]  }
0x23a: {  	v5 =	vld [tilespmem:s8+$0xFFFFFFC0]  }
0x23b: {  	v6 =	vld [tilespmem:s8+$0xFFFFFFD0];
	v1 =	vmul.f32 v1, v0  }
0x23c: {  	v7 =	vld [tilespmem:s8+$0xFFFFFFE0];
	v2 =	vmul.f32 v2, v0  }
0x23d: {  	v8 =	vld [tilespmem:s8+$0xFFFFFFF0];
	v3 =	vmul.f32 v3, v0;
	[tilespmem:s8+$0x70] =	vst v1  }
0x23e: {  	[tilespmem:s8+$0xFFFFFF90] =	vst v2;
	v1 =	vmul.f32 v4, v0;
	v4 =	vld [tilespmem:s8+$0x0]  }
0x23f: {  	[tilespmem:s8+$0xFFFFFFA0] =	vst v3;
	v2 =	vmul.f32 v5, v0;
	v5 =	vld [tilespmem:s8+$0x10]  }
0x240: {  	v9 =	vld [tilespmem:s8+$0x20];
	v3 =	vmul.f32 v6, v0;
	[tilespmem:s8+$0xFFFFFFB0] =	vst v1  }
0x241: {  	v6 =	vmul.f32 v7, v0;
	[tilespmem:s8+$0xFFFFFFC0] =	vst v2;
	v1 =	vld [tilespmem:s8+$0x30]  }
0x242: {  	v7 =	vmul.f32 v8, v0;
	[tilespmem:s8+$0xFFFFFFD0] =	vst v3;
	v2 =	vld [tilespmem:s8+$0x40]  }
0x243: {  	[tilespmem:s8+$0xFFFFFFE0] =	vst v6;
	v3 =	vld [tilespmem:s8+$0x50];
	v8 =	vmul.f32 v4, v0  }
0x244: {  	[tilespmem:s8+$0xFFFFFFF0] =	vst v7;
	v4 =	vld [tilespmem:s8+$0x60];
	v6 =	vmul.f32 v5, v0  }
0x245: {  	s11 =	simm.s32 $0x0;
	s12 =	simm.s32 $0x15A80;
	v7 =	vmul.f32 v9, v0;
	v5 =	vld [tilespmem:s8+$0xFFFFFF80];
	[tilespmem:s8+$0x0] =	vst v8  }
.LBB2_26:
0x246: {  	v8 =	vld [tilespmem:s12+$0x70];
	s11 =	sadd.s32 $0x2, s11;
	[tilespmem:s8+$0x10] =	vst v6;
	v1 =	vmul.f32 v1, v0  }
0x247: {  	v6 =	vld [tilespmem:s12+$0xFFFFFF90];
	p0 =	slt.u32 s11, $0x7E;
	[tilespmem:s8+$0x20] =	vst v7;
	v2 =	vmul.f32 v2, v0  }
0x248: {  	v7 =	vld [tilespmem:s12+$0xFFFFFFA0];
	[tilespmem:s8+$0x30] =	vst v1;
	v1 =	vmul.f32 v3, v0  }
0x249: {  	v3 =	vld [tilespmem:s12+$0xFFFFFFB0];
	[tilespmem:s8+$0x40] =	vst v2;
	v2 =	vmul.f32 v4, v0  }
0x24a: {  	v4 =	vld [tilespmem:s12+$0xFFFFFFC0];
	v5 =	vmul.f32 v5, v0;
	[tilespmem:s8+$0x50] =	vst v1  }
0x24b: {  	v1 =	vld [tilespmem:s12+$0xFFFFFFD0];
	v8 =	vmul.f32 v8, v0;
	[tilespmem:s8+$0x60] =	vst v2  }
0x24c: {  	v2 =	vmul.f32 v6, v0;
	v6 =	vld [tilespmem:s12+$0xFFFFFFE0];
	[tilespmem:s8+$0xFFFFFF80] =	vst v5;
	s8 =	smov.u32 s12  }
0x24d: {  	v5 =	vmul.f32 v7, v0;
	v7 =	vld [tilespmem:s12+$0xFFFFFFF0];
	[tilespmem:s12+$0x70] =	vst v8  }
0x24e: {  	[tilespmem:s12+$0xFFFFFF90] =	vst v2;
	v2 =	vmul.f32 v3, v0;
	v3 =	vld [tilespmem:s12+$0x0]  }
0x24f: {  	[tilespmem:s12+$0xFFFFFFA0] =	vst v5;
	v4 =	vmul.f32 v4, v0;
	v5 =	vld [tilespmem:s12+$0x10]  }
0x250: {  	[tilespmem:s12+$0xFFFFFFB0] =	vst v2;
	v2 =	vmul.f32 v1, v0;
	v8 =	vld [tilespmem:s12+$0x20]  }
.Ltmp12:
0x251: {  	[tilespmem:s12+$0xFFFFFFC0] =	vst v4;
	v4 =	vmul.f32 v6, v0;
	v1 =	vld [tilespmem:s12+$0x30];
	(pc) =	sbr.rel @p0 .LBB2_26-.Ltmp12, $4  }
0x252: {  	[tilespmem:s12+$0xFFFFFFD0] =	vst v2;
	v6 =	vmul.f32 v7, v0;
	v2 =	vld [tilespmem:s12+$0x40]  }
0x253: {  	[tilespmem:s12+$0xFFFFFFE0] =	vst v4;
	v7 =	vmul.f32 v3, v0;
	v3 =	vld [tilespmem:s12+$0x50]  }
0x254: {  	[tilespmem:s12+$0xFFFFFFF0] =	vst v6;
	v6 =	vmul.f32 v5, v0;
	v4 =	vld [tilespmem:s12+$0x60]  }
0x255: {  	s12 =	sadd.s32 $0x100, s12;
	v5 =	vld [tilespmem:s8+$0xFFFFFF80];
	[tilespmem:s8+$0x0] =	vst v7;
	v7 =	vmul.f32 v8, v0  }
0x256: {  	[tilespmem:s8+$0x10] =	vst v6;
	v1 =	vmul.f32 v1, v0  }
0x257: {  	[tilespmem:s8+$0x20] =	vst v7;
	v2 =	vmul.f32 v2, v0  }
0x258: {  	[tilespmem:s8+$0x30] =	vst v1;
	v1 =	vmul.f32 v3, v0  }
0x259: {  	[tilespmem:s8+$0x40] =	vst v2;
	v2 =	vmul.f32 v4, v0  }
0x25a: {  	v3 =	vmul.f32 v5, v0;
	[tilespmem:s8+$0x50] =	vst v1  }
0x25b: {  	[tilespmem:s8+$0x60] =	vst v2  }
0x25c: {  	[tilespmem:s8+$0xFFFFFF80] =	vst v3  }
0x25d: {  	s8 =	rddreg [dreg:$0xf]  }
0x25e: {  	[hbm4b:s8+s4] =	stream.linear.scatter [tilespmem:s25], [sflag:$0xC], $0x4000, $0x38;
	[tilespmem:$0x19980] =	vst v63  }
0x25f: {  	_ =	swait.ge [sflag:s30], $0x4000  }
0x260: {  	[sflag:s30] =	ssyncset.done $0x0  }
0x261: {  	s8 =	simm.s32 $0x1980;
	[sflag:s30] =	ssyncadd.s32 $0xFFFFC000  }
0x262: {  	v1 =	vld [tilespmem:s8+$0x70]  }
0x263: {  	v2 =	vld [tilespmem:s8+$0xFFFFFF90]  }
0x264: {  	v3 =	vld [tilespmem:s8+$0xFFFFFFA0]  }
0x265: {  	v4 =	vld [tilespmem:s8+$0xFFFFFFB0]  }
0x266: {  	v5 =	vld [tilespmem:s8+$0xFFFFFFC0]  }
0x267: {  	v6 =	vld [tilespmem:s8+$0xFFFFFFD0];
	v1 =	vmul.f32 v1, v0  }
0x268: {  	v7 =	vld [tilespmem:s8+$0xFFFFFFE0];
	v2 =	vmul.f32 v2, v0  }
0x269: {  	v8 =	vld [tilespmem:s8+$0xFFFFFFF0];
	v3 =	vmul.f32 v3, v0;
	[tilespmem:s8+$0x70] =	vst v1  }
0x26a: {  	[tilespmem:s8+$0xFFFFFF90] =	vst v2;
	v1 =	vmul.f32 v4, v0;
	v4 =	vld [tilespmem:s8+$0x0]  }
0x26b: {  	[tilespmem:s8+$0xFFFFFFA0] =	vst v3;
	v2 =	vmul.f32 v5, v0;
	v5 =	vld [tilespmem:s8+$0x10]  }
0x26c: {  	v9 =	vld [tilespmem:s8+$0x20];
	v3 =	vmul.f32 v6, v0;
	[tilespmem:s8+$0xFFFFFFB0] =	vst v1  }
0x26d: {  	v6 =	vmul.f32 v7, v0;
	[tilespmem:s8+$0xFFFFFFC0] =	vst v2;
	v1 =	vld [tilespmem:s8+$0x30]  }
0x26e: {  	v7 =	vmul.f32 v8, v0;
	[tilespmem:s8+$0xFFFFFFD0] =	vst v3;
	v2 =	vld [tilespmem:s8+$0x40]  }
0x26f: {  	[tilespmem:s8+$0xFFFFFFE0] =	vst v6;
	v3 =	vld [tilespmem:s8+$0x50];
	v8 =	vmul.f32 v4, v0  }
0x270: {  	[tilespmem:s8+$0xFFFFFFF0] =	vst v7;
	v4 =	vld [tilespmem:s8+$0x60];
	v6 =	vmul.f32 v5, v0  }
0x271: {  	s11 =	simm.s32 $0x0;
	s12 =	simm.s32 $0x1A80;
	v7 =	vmul.f32 v9, v0;
	v5 =	vld [tilespmem:s8+$0xFFFFFF80];
	[tilespmem:s8+$0x0] =	vst v8  }
.LBB2_28:
0x272: {  	v8 =	vld [tilespmem:s12+$0x70];
	s11 =	sadd.s32 $0x2, s11;
	[tilespmem:s8+$0x10] =	vst v6;
	v1 =	vmul.f32 v1, v0  }
0x273: {  	v6 =	vld [tilespmem:s12+$0xFFFFFF90];
	p0 =	slt.u32 s11, $0x7E;
	[tilespmem:s8+$0x20] =	vst v7;
	v2 =	vmul.f32 v2, v0  }
0x274: {  	v7 =	vld [tilespmem:s12+$0xFFFFFFA0];
	[tilespmem:s8+$0x30] =	vst v1;
	v1 =	vmul.f32 v3, v0  }
0x275: {  	v3 =	vld [tilespmem:s12+$0xFFFFFFB0];
	[tilespmem:s8+$0x40] =	vst v2;
	v2 =	vmul.f32 v4, v0  }
0x276: {  	v4 =	vld [tilespmem:s12+$0xFFFFFFC0];
	v5 =	vmul.f32 v5, v0;
	[tilespmem:s8+$0x50] =	vst v1  }
0x277: {  	v1 =	vld [tilespmem:s12+$0xFFFFFFD0];
	v8 =	vmul.f32 v8, v0;
	[tilespmem:s8+$0x60] =	vst v2  }
0x278: {  	v2 =	vmul.f32 v6, v0;
	v6 =	vld [tilespmem:s12+$0xFFFFFFE0];
	[tilespmem:s8+$0xFFFFFF80] =	vst v5;
	s8 =	smov.u32 s12  }
0x279: {  	v5 =	vmul.f32 v7, v0;
	v7 =	vld [tilespmem:s12+$0xFFFFFFF0];
	[tilespmem:s12+$0x70] =	vst v8  }
0x27a: {  	[tilespmem:s12+$0xFFFFFF90] =	vst v2;
	v2 =	vmul.f32 v3, v0;
	v3 =	vld [tilespmem:s12+$0x0]  }
0x27b: {  	[tilespmem:s12+$0xFFFFFFA0] =	vst v5;
	v4 =	vmul.f32 v4, v0;
	v5 =	vld [tilespmem:s12+$0x10]  }
0x27c: {  	[tilespmem:s12+$0xFFFFFFB0] =	vst v2;
	v2 =	vmul.f32 v1, v0;
	v8 =	vld [tilespmem:s12+$0x20]  }
.Ltmp13:
0x27d: {  	[tilespmem:s12+$0xFFFFFFC0] =	vst v4;
	v4 =	vmul.f32 v6, v0;
	v1 =	vld [tilespmem:s12+$0x30];
	(pc) =	sbr.rel @p0 .LBB2_28-.Ltmp13, $4  }
0x27e: {  	[tilespmem:s12+$0xFFFFFFD0] =	vst v2;
	v6 =	vmul.f32 v7, v0;
	v2 =	vld [tilespmem:s12+$0x40]  }
0x27f: {  	[tilespmem:s12+$0xFFFFFFE0] =	vst v4;
	v7 =	vmul.f32 v3, v0;
	v3 =	vld [tilespmem:s12+$0x50]  }
0x280: {  	[tilespmem:s12+$0xFFFFFFF0] =	vst v6;
	v6 =	vmul.f32 v5, v0;
	v4 =	vld [tilespmem:s12+$0x60]  }
0x281: {  	s12 =	sadd.s32 $0x100, s12;
	v5 =	vld [tilespmem:s8+$0xFFFFFF80];
	[tilespmem:s8+$0x0] =	vst v7;
	v7 =	vmul.f32 v8, v0  }
0x282: {  	[tilespmem:s8+$0x10] =	vst v6;
	v1 =	vmul.f32 v1, v0  }
0x283: {  	[tilespmem:s8+$0x20] =	vst v7;
	v2 =	vmul.f32 v2, v0  }
0x284: {  	[tilespmem:s8+$0x30] =	vst v1;
	v1 =	vmul.f32 v3, v0  }
0x285: {  	[tilespmem:s8+$0x40] =	vst v2;
	v2 =	vmul.f32 v4, v0  }
0x286: {  	v3 =	vmul.f32 v5, v0;
	[tilespmem:s8+$0x50] =	vst v1  }
0x287: {  	[tilespmem:s8+$0x60] =	vst v2  }
0x288: {  	[tilespmem:s8+$0xFFFFFF80] =	vst v3  }
0x289: {  	s8 =	rddreg [dreg:$0x10]  }
0x28a: {  	[hbm4b:s8+s4] =	stream.linear.scatter [tilespmem:s23], [sflag:$0x7], $0x4000, $0x38;
	[tilespmem:$0x19980] =	vst v63  }
0x28b: {  	_ =	swait.ge [sflag:s0], $0x4000  }
0x28c: {  	[sflag:s0] =	ssyncset.done $0x0  }
0x28d: {  	s8 =	simm.s32 $0x5980;
	[sflag:s0] =	ssyncadd.s32 $0xFFFFC000  }
0x28e: {  	v1 =	vld [tilespmem:s8+$0x70]  }
0x28f: {  	v2 =	vld [tilespmem:s8+$0xFFFFFF90]  }
0x290: {  	v3 =	vld [tilespmem:s8+$0xFFFFFFA0]  }
0x291: {  	v4 =	vld [tilespmem:s8+$0xFFFFFFB0]  }
0x292: {  	v5 =	vld [tilespmem:s8+$0xFFFFFFC0]  }
0x293: {  	v6 =	vld [tilespmem:s8+$0xFFFFFFD0];
	v1 =	vmul.f32 v1, v0  }
0x294: {  	v7 =	vld [tilespmem:s8+$0xFFFFFFE0];
	v2 =	vmul.f32 v2, v0  }
0x295: {  	v8 =	vld [tilespmem:s8+$0xFFFFFFF0];
	v3 =	vmul.f32 v3, v0;
	[tilespmem:s8+$0x70] =	vst v1  }
0x296: {  	[tilespmem:s8+$0xFFFFFF90] =	vst v2;
	v1 =	vmul.f32 v4, v0;
	v4 =	vld [tilespmem:s8+$0x0]  }
0x297: {  	[tilespmem:s8+$0xFFFFFFA0] =	vst v3;
	v2 =	vmul.f32 v5, v0;
	v5 =	vld [tilespmem:s8+$0x10]  }
0x298: {  	v9 =	vld [tilespmem:s8+$0x20];
	v3 =	vmul.f32 v6, v0;
	[tilespmem:s8+$0xFFFFFFB0] =	vst v1  }
0x299: {  	v6 =	vmul.f32 v7, v0;
	[tilespmem:s8+$0xFFFFFFC0] =	vst v2;
	v1 =	vld [tilespmem:s8+$0x30]  }
0x29a: {  	v7 =	vmul.f32 v8, v0;
	[tilespmem:s8+$0xFFFFFFD0] =	vst v3;
	v2 =	vld [tilespmem:s8+$0x40]  }
0x29b: {  	[tilespmem:s8+$0xFFFFFFE0] =	vst v6;
	v3 =	vld [tilespmem:s8+$0x50];
	v8 =	vmul.f32 v4, v0  }
0x29c: {  	[tilespmem:s8+$0xFFFFFFF0] =	vst v7;
	v4 =	vld [tilespmem:s8+$0x60];
	v6 =	vmul.f32 v5, v0  }
0x29d: {  	s11 =	simm.s32 $0x0;
	s12 =	simm.s32 $0x5A80;
	v7 =	vmul.f32 v9, v0;
	v5 =	vld [tilespmem:s8+$0xFFFFFF80];
	[tilespmem:s8+$0x0] =	vst v8  }
.LBB2_30:
0x29e: {  	v8 =	vld [tilespmem:s12+$0x70];
	s11 =	sadd.s32 $0x2, s11;
	[tilespmem:s8+$0x10] =	vst v6;
	v1 =	vmul.f32 v1, v0  }
0x29f: {  	v6 =	vld [tilespmem:s12+$0xFFFFFF90];
	p0 =	slt.u32 s11, $0x7E;
	[tilespmem:s8+$0x20] =	vst v7;
	v2 =	vmul.f32 v2, v0  }
0x2a0: {  	v7 =	vld [tilespmem:s12+$0xFFFFFFA0];
	[tilespmem:s8+$0x30] =	vst v1;
	v1 =	vmul.f32 v3, v0  }
0x2a1: {  	v3 =	vld [tilespmem:s12+$0xFFFFFFB0];
	[tilespmem:s8+$0x40] =	vst v2;
	v2 =	vmul.f32 v4, v0  }
0x2a2: {  	v4 =	vld [tilespmem:s12+$0xFFFFFFC0];
	v5 =	vmul.f32 v5, v0;
	[tilespmem:s8+$0x50] =	vst v1  }
0x2a3: {  	v1 =	vld [tilespmem:s12+$0xFFFFFFD0];
	v8 =	vmul.f32 v8, v0;
	[tilespmem:s8+$0x60] =	vst v2  }
0x2a4: {  	v2 =	vmul.f32 v6, v0;
	v6 =	vld [tilespmem:s12+$0xFFFFFFE0];
	[tilespmem:s8+$0xFFFFFF80] =	vst v5;
	s8 =	smov.u32 s12  }
0x2a5: {  	v5 =	vmul.f32 v7, v0;
	v7 =	vld [tilespmem:s12+$0xFFFFFFF0];
	[tilespmem:s12+$0x70] =	vst v8  }
0x2a6: {  	[tilespmem:s12+$0xFFFFFF90] =	vst v2;
	v2 =	vmul.f32 v3, v0;
	v3 =	vld [tilespmem:s12+$0x0]  }
0x2a7: {  	[tilespmem:s12+$0xFFFFFFA0] =	vst v5;
	v4 =	vmul.f32 v4, v0;
	v5 =	vld [tilespmem:s12+$0x10]  }
0x2a8: {  	[tilespmem:s12+$0xFFFFFFB0] =	vst v2;
	v2 =	vmul.f32 v1, v0;
	v8 =	vld [tilespmem:s12+$0x20]  }
.Ltmp14:
0x2a9: {  	[tilespmem:s12+$0xFFFFFFC0] =	vst v4;
	v4 =	vmul.f32 v6, v0;
	v1 =	vld [tilespmem:s12+$0x30];
	(pc) =	sbr.rel @p0 .LBB2_30-.Ltmp14, $4  }
0x2aa: {  	[tilespmem:s12+$0xFFFFFFD0] =	vst v2;
	v6 =	vmul.f32 v7, v0;
	v2 =	vld [tilespmem:s12+$0x40]  }
0x2ab: {  	[tilespmem:s12+$0xFFFFFFE0] =	vst v4;
	v7 =	vmul.f32 v3, v0;
	v3 =	vld [tilespmem:s12+$0x50]  }
0x2ac: {  	[tilespmem:s12+$0xFFFFFFF0] =	vst v6;
	v6 =	vmul.f32 v5, v0;
	v4 =	vld [tilespmem:s12+$0x60]  }
0x2ad: {  	s12 =	sadd.s32 $0x100, s12;
	v5 =	vld [tilespmem:s8+$0xFFFFFF80];
	[tilespmem:s8+$0x0] =	vst v7;
	v7 =	vmul.f32 v8, v0  }
0x2ae: {  	[tilespmem:s8+$0x10] =	vst v6;
	v1 =	vmul.f32 v1, v0  }
0x2af: {  	[tilespmem:s8+$0x20] =	vst v7;
	v2 =	vmul.f32 v2, v0  }
0x2b0: {  	[tilespmem:s8+$0x30] =	vst v1;
	v61 =	vmul.f32 v3, v0  }
0x2b1: {  	[tilespmem:s8+$0x40] =	vst v2;
	v62 =	vmul.f32 v4, v0  }
0x2b2: {  	v63 =	vmul.f32 v5, v0;
	[tilespmem:s8+$0x50] =	vst v61  }
0x2b3: {  	[tilespmem:s8+$0x60] =	vst v62  }
0x2b4: {  	[tilespmem:s8+$0xFFFFFF80] =	vst v63  }
0x2b5: {  	s8 =	rddreg [dreg:$0x11]  }
0x2b6: {  	[hbm4b:s8+s4] =	stream.linear.scatter [tilespmem:s24], [sflag:$0x8], $0x4000, $0x38;
	[tilespmem:$0x19980] =	vst v63  }
0x2b7: {  	_ =	swait.ge [sflag:s9], $0x4000  }
0x2b8: {  	[sflag:s9] =	ssyncset.done $0x0  }
0x2b9: {  	[sflag:s9] =	ssyncadd.s32 $0xFFFFC000  }
0x2ba: {  	_ =	swait.ge [sflag:s14], $0x4000  }
0x2bb: {  	[sflag:s14] =	ssyncset.done $0x0  }
0x2bc: {  	[sflag:s14] =	ssyncadd.s32 $0xFFFFC000  }
0x2bd: {  	_ =	swait.ge [sflag:s15], $0x4000  }
0x2be: {  	[sflag:s15] =	ssyncset.done $0x0  }
0x2bf: {  	[sflag:s15] =	ssyncadd.s32 $0xFFFFC000  }
0x2c0: {  	_ =	swait.ge [sflag:s16], $0x4000  }
0x2c1: {  	[sflag:s16] =	ssyncset.done $0x0  }
0x2c2: {  	[sflag:s16] =	ssyncadd.s32 $0xFFFFC000  }
0x2c3: {  	_ =	swait.ge [sflag:s31], $0x4000  }
0x2c4: {  	[sflag:s31] =	ssyncset.done $0x0  }
0x2c5: {  	[sflag:s31] =	ssyncadd.s32 $0xFFFFC000  }
0x2c6: {  	_ =	swait.ge [sflag:s6], $0x4000  }
0x2c7: {  	s11 =	rddreg [dreg:$0x13]  }
0x2c8: {  	s21 =	rddreg [dreg:$0x12];
	s11 =	sadd.s32 $0x1, s11  }
0x2c9: {  	p0 =	sne.s32 s11, s21  }
.Ltmp15:
0x2ca: {  	_ = 	snop;
	(pc) =	sbr.rel @p0 .LBB2_1-.Ltmp15, $3  }
0x2cb: {  	_ =	sdelay $0x1  }
0x2cc: {  	[sflag:s6] =	ssyncset.done $0x0  }
0x2cd: {  	[sflag:s6] =	ssyncadd.s32 $0xFFFFC000  }
0x2ce: {  	_ =	sfence.sel $0x180000  }
0x2cf: {  	[bflag:$0x0] =	sbarrier.arrive $0xFFFF  }
0x2d0: {  	_ =	strace $0x90000047  }
0x2d1: {  	s0 =	stileid.u32;
	[bflag:$0x2] =	sbarrier.arrive $0xFFFF  }
0x2d2: {  	p0 =	sne.s32 s0, $0x0;
	s0 =	rddreg [dreg:$0x4]  }
0x2d3: {  	s0 =	sadd.s32 @!p0 $0x100000, s0  }
0x2d4: {  	[sflag:s0] =	ssyncadd.tile.s32 @!p0 $0x1;
	_ =	shalt  }
.Lfunc_end2:
_tile_overlayer_lowered:
.L_overlay_start_2:
0x2d5: {  	(tag) =	ssettag $0x2  }
0x2d6: {  	s0 =	rddreg [dreg:$0x0];
	s2 =	stileid.u32  }
0x2d7: {  	s1 =	rddreg [dreg:$0x1];
	p0 =	sne.s32 s2, $0x0  }
0x2d8: {  	s3 =	rddreg [dreg:$0x2];
	[bflag:$0x3] =	sbarrier.arrive $0xFFFF;
	s2 =	simm.s32 @!p0 $0x1C0D  }
0x2d9: {  	[timem:s3], [sflag:s2] =	dma.local @!p0 [hbm:s0], s1  }
0x2da: {  	s0 =	simm.s32 @!p0 $0xD  }
0x2db: {  	_ =	swait.ge @!p0 [sflag:s0], s1  }
0x2dc: {  	s1 =	ssub.s32 @!p0 $0x0, s1;
	[sflag:s0] =	ssyncset.done @!p0 $0x0  }
0x2dd: {  	[sflag:s0] =	ssyncadd.s32 @!p0 s1  }
0x2de: {  	[bflag:$0x3] =	sbarrier.arrive $0xFFFF  }
0x2df: {  	_ =	shalt  }

</sc_bundles>
